<compile_context>
chip_gen: v7x
topology: tpu7x:2x2x1
jax: 0.10.2.dev20260603
libtpu: 0.0.44.dev20260713+nightly
codegen_flags: <defaults>
</compile_context>

<pallas_src>
import functools

import jax
import jax.numpy as jnp
from jax import lax
from jax.experimental import pallas as pl
from jax.experimental.pallas import tpu as pltpu
from jax.experimental.pallas import tpu_sc as plsc

N = 10000
E = 320000
D = 128
G = 256
DEPTH = 3

NC = 2
NS = 16
NW = NC * NS
NP = 10240
CL = 128
NCH = 80
RPT = NP // NS
RCH = RPT // CL

BLK = 5000
NBLK = N // BLK


def _sc_scatter_add(h, src3, dst3):
    mesh = plsc.VectorSubcoreMesh(core_axis_name="c", subcore_axis_name="s")

    @functools.partial(
        pl.kernel,
        out_type=jax.ShapeDtypeStruct((NC, NP, D), jnp.float32),
        mesh=mesh,
        scratch_types=[
            pltpu.VMEM((NCH // 2, CL), jnp.int32),
            pltpu.VMEM((NCH // 2, CL), jnp.int32),
            pltpu.VMEM((CL, D), jnp.float32),
            pltpu.VMEM((CL, D), jnp.float32),
            pltpu.VMEM_SHARED((NP, D), jnp.float32),
            pltpu.SemaphoreType.DMA,
            pltpu.SemaphoreType.DMA,
            pltpu.SemaphoreType.DMA,
            pltpu.SemaphoreType.DMA,
        ],
    )
    def k(h_hbm, src_hbm, dst_hbm, out_hbm, src_v, dst_v, buf_a, buf_b, acc,
          sem_a, sem_b, sem_sa, sem_sb):
        cid = lax.axis_index("c")
        sid = lax.axis_index("s")
        wid = sid * NC + cid
        half = NCH // 2

        pltpu.async_copy(src_hbm.at[wid, pl.ds(0, half)], src_v, sem_a)
        pltpu.async_copy(dst_hbm.at[wid, pl.ds(0, half)], dst_v, sem_b)

        def zbody(i, c):
            r = i >> 3
            col = (i & 7) << 4
            buf_a[r, pl.ds(col, 16)] = jnp.zeros((16,), jnp.float32)
            return c

        lax.fori_loop(0, CL * (D // 16), zbody, 0)
        for r in range(RCH):
            off = pl.multiple_of(sid * RPT + r * CL, CL)
            pltpu.async_copy(buf_a, acc.at[pl.ds(off, CL)], sem_sa)
        for r in range(RCH):
            off = pl.multiple_of(sid * RPT + r * CL, CL)
            pltpu.make_async_copy(buf_a, acc.at[pl.ds(off, CL)], sem_sa).wait()
        pltpu.make_async_copy(src_hbm.at[wid, pl.ds(0, half)], src_v,
                              sem_a).wait()
        pltpu.make_async_copy(dst_hbm.at[wid, pl.ds(0, half)], dst_v,
                              sem_b).wait()
        pltpu.async_copy(h_hbm.at[src_v.at[0]], buf_a, sem_a)
        plsc.subcore_barrier()

        def ebody(i, c):
            g0 = 2 * i
            g1 = g0 + 1
            pltpu.make_async_copy(h_hbm.at[src_v.at[g0]], buf_a, sem_a).wait()
            pltpu.async_copy(buf_a, acc.at[dst_v.at[g0]], sem_sa, add=True)

            @pl.when(g0 > 0)
            def _():
                pltpu.make_async_copy(buf_b, acc.at[dst_v.at[g0 - 1]],
                                      sem_sb).wait()

            pltpu.async_copy(h_hbm.at[src_v.at[g1]], buf_b, sem_b)

            pltpu.make_async_copy(h_hbm.at[src_v.at[g1]], buf_b, sem_b).wait()
            pltpu.async_copy(buf_b, acc.at[dst_v.at[g1]], sem_sb, add=True)
            pltpu.make_async_copy(buf_a, acc.at[dst_v.at[g0]], sem_sa).wait()

            @pl.when(g1 + 1 < half)
            def _():
                pltpu.async_copy(h_hbm.at[src_v.at[g1 + 1]], buf_a, sem_a)

            return c

        lax.fori_loop(0, half // 2, ebody, 0)
        pltpu.async_copy(src_hbm.at[wid, pl.ds(half, half)], src_v, sem_a)
        pltpu.make_async_copy(buf_b, acc.at[dst_v.at[half - 1]],
                              sem_sb).wait()
        pltpu.sync_copy(dst_hbm.at[wid, pl.ds(half, half)], dst_v)
        pltpu.make_async_copy(src_hbm.at[wid, pl.ds(half, half)], src_v,
                              sem_a).wait()
        pltpu.async_copy(h_hbm.at[src_v.at[0]], buf_a, sem_a)
        lax.fori_loop(0, half // 2, ebody, 0)
        pltpu.make_async_copy(buf_b, acc.at[dst_v.at[half - 1]],
                              sem_sb).wait()

        plsc.subcore_barrier()
        offs = [pl.multiple_of(sid * RPT + r * CL, CL) for r in range(RCH)]
        bufs = [buf_a if r % 2 == 0 else buf_b for r in range(RCH)]
        isem = [sem_a if r % 2 == 0 else sem_b for r in range(RCH)]
        osem = [sem_sa if r % 2 == 0 else sem_sb for r in range(RCH)]
        pltpu.async_copy(acc.at[pl.ds(offs[0], CL)], bufs[0], isem[0])
        for r in range(RCH):
            pltpu.make_async_copy(acc.at[pl.ds(offs[r], CL)], bufs[r],
                                  isem[r]).wait()
            if r >= 1:
                pltpu.make_async_copy(bufs[r - 1],
                                      out_hbm.at[cid, pl.ds(offs[r - 1], CL)],
                                      osem[r - 1]).wait()
            pltpu.async_copy(bufs[r], out_hbm.at[cid, pl.ds(offs[r], CL)],
                             osem[r])
            if r + 1 < RCH:
                pltpu.async_copy(acc.at[pl.ds(offs[r + 1], CL)], bufs[r + 1],
                                 isem[r + 1])
        pltpu.make_async_copy(bufs[RCH - 1],
                              out_hbm.at[cid, pl.ds(offs[RCH - 1], CL)],
                              osem[RCH - 1]).wait()

    return k(h, src3, dst3)


def _mlp_body(h_ref, a0_ref, a1_ref, w1_ref, b1_ref, w2_ref, b2_ref, o_ref):
    z = h_ref[...] + a0_ref[0] + a1_ref[0]
    z = jnp.maximum(
        jnp.dot(z, w1_ref[...], preferred_element_type=jnp.float32)
        + b1_ref[...], 0.0)
    o_ref[...] = jnp.maximum(
        jnp.dot(z, w2_ref[...], preferred_element_type=jnp.float32)
        + b2_ref[...], 0.0)


def _mlp(h, agg, w1f, b1f, w2, b2):
    return pl.pallas_call(
        _mlp_body,
        grid=(NBLK,),
        in_specs=[
            pl.BlockSpec((BLK, D), lambda i: (i, 0)),
            pl.BlockSpec((1, BLK, D), lambda i: (0, i, 0)),
            pl.BlockSpec((1, BLK, D), lambda i: (1, i, 0)),
            pl.BlockSpec((D, D), lambda i: (0, 0)),
            pl.BlockSpec((1, D), lambda i: (0, 0)),
            pl.BlockSpec((D, D), lambda i: (0, 0)),
            pl.BlockSpec((1, D), lambda i: (0, 0)),
        ],
        out_specs=pl.BlockSpec((BLK, D), lambda i: (i, 0)),
        out_shape=jax.ShapeDtypeStruct((N, D), jnp.float32),
    )(h, agg, agg, w1f, b1f, w2, b2)


def _mlp_pool_body(h_ref, a0_ref, a1_ref, w1_ref, b1_ref, w2_ref, b2_ref,
                   bt_ref, wp_ref, bp_ref, lg_ref, lb_ref, y_ref, seg, cnt):
    i = pl.program_id(0)

    @pl.when(i == 0)
    def _():
        seg[...] = jnp.zeros_like(seg)
        cnt[...] = jnp.zeros_like(cnt)

    z = h_ref[...] + a0_ref[0] + a1_ref[0]
    z = jnp.maximum(
        jnp.dot(z, w1_ref[...], preferred_element_type=jnp.float32)
        + b1_ref[...], 0.0)
    o = jnp.maximum(
        jnp.dot(z, w2_ref[...], preferred_element_type=jnp.float32)
        + b2_ref[...], 0.0)

    b = bt_ref[0, 0, :]
    seg_ids = lax.broadcasted_iota(jnp.int32, (G, BLK), 0)
    pf = (seg_ids == b[None, :]).astype(jnp.float32)
    seg[...] += jnp.dot(pf, o, preferred_element_type=jnp.float32)
    cnt[...] += jnp.broadcast_to(
        jnp.sum(pf, axis=1, keepdims=True), (G, D))

    @pl.when(i == NBLK - 1)
    def _():
        mean = seg[...] / jnp.maximum(cnt[...], 1.0)
        y = jnp.dot(mean, wp_ref[...],
                    preferred_element_type=jnp.float32) + bp_ref[...]
        mu = jnp.mean(y, axis=-1, keepdims=True)
        var = jnp.mean((y - mu) ** 2, axis=-1, keepdims=True)
        y_ref[...] = (y - mu) * lax.rsqrt(var + 1e-5) * lg_ref[...] + lb_ref[...]


def _mlp_pool(h, agg, w1f, b1f, w2, b2, batch3, wp, bp, ln_g, ln_b):
    return pl.pallas_call(
        _mlp_pool_body,
        grid=(NBLK,),
        in_specs=[
            pl.BlockSpec((BLK, D), lambda i: (i, 0)),
            pl.BlockSpec((1, BLK, D), lambda i: (0, i, 0)),
            pl.BlockSpec((1, BLK, D), lambda i: (1, i, 0)),
            pl.BlockSpec((D, D), lambda i: (0, 0)),
            pl.BlockSpec((1, D), lambda i: (0, 0)),
            pl.BlockSpec((D, D), lambda i: (0, 0)),
            pl.BlockSpec((1, D), lambda i: (0, 0)),
            pl.BlockSpec((1, 1, BLK), lambda i: (i, 0, 0)),
            pl.BlockSpec((D, D), lambda i: (0, 0)),
            pl.BlockSpec((1, D), lambda i: (0, 0)),
            pl.BlockSpec((1, D), lambda i: (0, 0)),
            pl.BlockSpec((1, D), lambda i: (0, 0)),
        ],
        out_specs=pl.BlockSpec((G, D), lambda i: (0, 0)),
        out_shape=jax.ShapeDtypeStruct((G, D), jnp.float32),
        scratch_shapes=[
            pltpu.VMEM((G, D), jnp.float32),
            pltpu.VMEM((G, D), jnp.float32),
        ],
    )(h, agg, agg, w1f, b1f, w2, b2, batch3, wp, bp, ln_g, ln_b)


def kernel(x, edge_index, batch, w1, b1, bn_g, bn_b, bn_rm, bn_rv, w2, b2,
           wp, bp, ln_g, ln_b):
    scale = bn_g / jnp.sqrt(bn_rv + 1e-5)
    w1f = w1 * scale[:, None, :]
    b1f = (b1 - bn_rm) * scale + bn_b

    pad = NW * NCH * CL - E
    pad_ar = jnp.arange(pad, dtype=jnp.int32)
    src3 = jnp.concatenate(
        [edge_index[0], pad_ar % N]).reshape(NW, NCH, CL)
    dst3 = jnp.concatenate(
        [edge_index[1], N + pad_ar % (NP - N)]).reshape(NW, NCH, CL)
    batch3 = batch.reshape(NBLK, 1, BLK)

    h = x
    for i in range(DEPTH - 1):
        agg = _sc_scatter_add(h, src3, dst3)
        h = _mlp(h, agg, w1f[i], b1f[i][None], w2[i], b2[i][None])
    agg = _sc_scatter_add(h, src3, dst3)
    return _mlp_pool(h, agg, w1f[2], b1f[2][None], w2[2], b2[2][None],
                     batch3, wp, bp[None], ln_g[None], ln_b[None])

# --- scband reference (transcript-rebuilt; emitter-appended) ---
"""Pipeline reference for scband-patch-ginencoder-42142219108934 (READ-ONLY COPY).

The authoritative reference and input builder live on the scoring server;
editing this copy changes nothing except your own understanding.
"""

import jax, jax.numpy as jnp
import numpy as np

N = 10000
E = 320000
D = 128
H = 128
OUT = 128
G = 256
DEPTH = 3

def setup_inputs(seed: int = 0):
    key = jax.random.key(seed)
    ks = jax.random.split(key, 16)
    x = jax.random.normal(ks[0], (N, D), dtype=jnp.float32)
    edge_index = jax.random.randint(ks[1], (2, E), 0, N, dtype=jnp.int32)
    batch = jnp.sort(jax.random.randint(ks[2], (N,), 0, G, dtype=jnp.int32))
    s1 = 1.0 / np.sqrt(D)
    s2 = 1.0 / np.sqrt(H)
    w1 = jax.random.uniform(ks[3], (DEPTH, D, H), dtype=jnp.float32, minval=-s1, maxval=s1)
    b1 = jax.random.uniform(ks[4], (DEPTH, H), dtype=jnp.float32, minval=-s1, maxval=s1)
    bn_g = jnp.ones((DEPTH, H), dtype=jnp.float32)
    bn_b = jnp.zeros((DEPTH, H), dtype=jnp.float32)
    bn_rm = jnp.zeros((DEPTH, H), dtype=jnp.float32)
    bn_rv = jnp.ones((DEPTH, H), dtype=jnp.float32)
    w2 = jax.random.uniform(ks[5], (DEPTH, H, H), dtype=jnp.float32, minval=-s2, maxval=s2)
    b2 = jax.random.uniform(ks[6], (DEPTH, H), dtype=jnp.float32, minval=-s2, maxval=s2)
    wp = jax.random.uniform(ks[7], (H, OUT), dtype=jnp.float32, minval=-s2, maxval=s2)
    bp = jax.random.uniform(ks[8], (OUT,), dtype=jnp.float32, minval=-s2, maxval=s2)
    ln_g = jnp.ones((OUT,), dtype=jnp.float32)
    ln_b = jnp.zeros((OUT,), dtype=jnp.float32)
    return {"x": x, "edge_index": edge_index, "batch": batch, "w1": w1, "b1": b1, "bn_g": bn_g, "bn_b": bn_b, "bn_rm": bn_rm, "bn_rv": bn_rv, "w2": w2, "b2": b2, "wp": wp, "bp": bp, "ln_g": ln_g, "ln_b": ln_b}

def reference(x, edge_index, batch, w1, b1, bn_g, bn_b, bn_rm, bn_rv, w2, b2, wp, bp, ln_g, ln_b):
    src = edge_index[0]
    dst = edge_index[1]
    h = x
    eps_gin = 0.0
    for i in range(DEPTH):
        agg = jnp.zeros((h.shape[0], h.shape[1]), dtype=h.dtype).at[dst].add(h[src])
        z = (1.0 + eps_gin) * h + agg
        z = z @ w1[i] + b1[i]
        z = (z - bn_rm[i]) / jnp.sqrt(bn_rv[i] + 1e-5) * bn_g[i] + bn_b[i]
        z = jnp.maximum(z, 0.0)
        z = z @ w2[i] + b2[i]
        h = jnp.maximum(z, 0.0)
    sums = jax.ops.segment_sum(h, batch, num_segments=G)
    cnts = jax.ops.segment_sum(jnp.ones((h.shape[0],), dtype=h.dtype), batch, num_segments=G)
    mean = sums / jnp.maximum(cnts, 1.0)[:, None]
    y = mean @ wp + bp
    mu = jnp.mean(y, axis=-1, keepdims=True)
    var = jnp.mean((y - mu) ** 2, axis=-1, keepdims=True)
    y = (y - mu) / jnp.sqrt(var + 1e-5) * ln_g + ln_b
    return y

if __name__ == "__main__":
    import jax
    _d = setup_inputs()
    print(jax.jit(kernel)(*tuple(_d.values())))

</pallas_src>

<mosaic_0001>
#map = affine_map<(d0, d1) -> (0, 0)>
#map1 = affine_map<(d0, d1) -> (0, 0, 0)>
module attributes {stable_mosaic.version = 14 : i64} {
  func.func @k(%arg0: i32, %arg1: i32, %arg2: memref<10000x128xf32, #tpu.memory_space<hbm>>, %arg3: memref<32x80x128xi32, #tpu.memory_space<hbm>>, %arg4: memref<32x80x128xi32, #tpu.memory_space<hbm>>, %arg5: memref<2x10240x128xf32, #tpu.memory_space<hbm>>, %arg6: memref<40x128xi32, #tpu.memory_space<vmem>>, %arg7: memref<40x128xi32, #tpu.memory_space<vmem>>, %arg8: memref<128x128xf32, #tpu.memory_space<vmem>>, %arg9: memref<128x128xf32, #tpu.memory_space<vmem>>, %arg10: memref<10240x128xf32, #tpu.memory_space<vmem_shared>>, %arg11: memref<!tpu.dma_semaphore, #tpu.memory_space<semaphore_mem>>, %arg12: memref<!tpu.dma_semaphore, #tpu.memory_space<semaphore_mem>>, %arg13: memref<!tpu.dma_semaphore, #tpu.memory_space<semaphore_mem>>, %arg14: memref<!tpu.dma_semaphore, #tpu.memory_space<semaphore_mem>>) attributes {dimension_semantics = [#tpu.dimension_semantics<core_parallel>, #tpu.dimension_semantics<subcore_parallel>], iteration_bounds = array<i64: 2, 16>, scalar_prefetch = 0 : i64, scratch_operands = 9 : i64, tpu.core_type = #tpu.core_type<sc_vector_subcore>, window_params = [{transform_indices = #map}, {transform_indices = #map1}, {transform_indices = #map1}, {transform_indices = #map1}]} {
    %mul3A = arith.constant 2 : i32
    %mul3A_0 = arith.muli %arg1, %mul3A : i32
    %add3A = arith.addi %mul3A_0, %arg0 : i32
    %dma_start3A = arith.constant 0 : i32
    %dma_start3A_1 = arith.constant 0 : i32
    %dma_start3A_2 = tpu.memref_slice %arg3[%add3A, %dma_start3A, %dma_start3A_1] : memref<32x80x128xi32, #tpu.memory_space<hbm>> -> memref<1x40x128xi32, #tpu.memory_space<hbm>>
    %dma_start3A_3 = tpu.memref_squeeze %dma_start3A_2 : memref<1x40x128xi32, #tpu.memory_space<hbm>> -> memref<40x128xi32, #tpu.memory_space<hbm>>
    %dma_start3A_4 = arith.constant 0 : i32
    %dma_start3A_5 = arith.constant 0 : i32
    %dma_start3A_6 = tpu.memref_slice %arg3[%add3A, %dma_start3A_4, %dma_start3A_5] : memref<32x80x128xi32, #tpu.memory_space<hbm>> -> memref<1x40x128xi32, #tpu.memory_space<hbm>>
    %dma_start3A_7 = tpu.memref_squeeze %dma_start3A_6 : memref<1x40x128xi32, #tpu.memory_space<hbm>> -> memref<40x128xi32, #tpu.memory_space<hbm>>
    tpu.enqueue_dma source(%dma_start3A_7 : memref<40x128xi32, #tpu.memory_space<hbm>>) target(%arg6 : memref<40x128xi32, #tpu.memory_space<vmem>>) target_semaphore(%arg11 : memref<!tpu.dma_semaphore, #tpu.memory_space<semaphore_mem>>)
    %dma_start3A_8 = arith.constant 0 : i32
    %dma_start3A_9 = arith.constant 0 : i32
    %dma_start3A_10 = tpu.memref_slice %arg4[%add3A, %dma_start3A_8, %dma_start3A_9] : memref<32x80x128xi32, #tpu.memory_space<hbm>> -> memref<1x40x128xi32, #tpu.memory_space<hbm>>
    %dma_start3A_11 = tpu.memref_squeeze %dma_start3A_10 : memref<1x40x128xi32, #tpu.memory_space<hbm>> -> memref<40x128xi32, #tpu.memory_space<hbm>>
    %dma_start3A_12 = arith.constant 0 : i32
    %dma_start3A_13 = arith.constant 0 : i32
    %dma_start3A_14 = tpu.memref_slice %arg4[%add3A, %dma_start3A_12, %dma_start3A_13] : memref<32x80x128xi32, #tpu.memory_space<hbm>> -> memref<1x40x128xi32, #tpu.memory_space<hbm>>
    %dma_start3A_15 = tpu.memref_squeeze %dma_start3A_14 : memref<1x40x128xi32, #tpu.memory_space<hbm>> -> memref<40x128xi32, #tpu.memory_space<hbm>>
    tpu.enqueue_dma source(%dma_start3A_15 : memref<40x128xi32, #tpu.memory_space<hbm>>) target(%arg7 : memref<40x128xi32, #tpu.memory_space<vmem>>) target_semaphore(%arg12 : memref<!tpu.dma_semaphore, #tpu.memory_space<semaphore_mem>>)
    %scan3A = arith.constant 0 : i32
    %scan3A_16 = arith.constant 0 : i32
    %scan3A_17 = arith.constant 1024 : i32
    %scan3A_18 = arith.addi %scan3A_16, %scan3A_17 : i32
    %scan3A_19 = arith.constant 1 : i32
    scf.for %scan3A_307 = %scan3A_16 to %scan3A_18 step %scan3A_19  : i32 {
      %shift_right_arithmetic3A = arith.constant 3 : i32
      %shift_right_arithmetic3A_308 = arith.shrsi %scan3A_307, %shift_right_arithmetic3A : i32
      %and3A = arith.constant 7 : i32
      %and3A_309 = arith.andi %scan3A_307, %and3A : i32
      %shift_left3A = arith.constant 4 : i32
      %shift_left3A_310 = arith.shli %and3A_309, %shift_left3A : i32
      %broadcast_in_dim3A = arith.constant 0.000000e+00 : f32
      %broadcast_in_dim3A_311 = vector.broadcast %broadcast_in_dim3A : f32 to vector<16xf32>
      %swap3A = arith.index_cast %shift_right_arithmetic3A_308 : i32 to index
      %swap3A_312 = arith.index_cast %shift_left3A_310 : i32 to index
      %swap3A_313 = tpu.vector_load %arg8[%swap3A, %swap3A_312] {strides = array<i32>} : memref<128x128xf32, #tpu.memory_space<vmem>>, vector<1x16xf32>,
      %swap3A_314 = vector.shape_cast %swap3A_313 : vector<1x16xf32> to vector<16xf32>
      %swap3A_315 = vector.shape_cast %broadcast_in_dim3A_311 : vector<16xf32> to vector<1x16xf32>
      tpu.vector_store %arg8[%swap3A, %swap3A_312], %swap3A_315 {strides = array<i32>} : memref<128x128xf32, #tpu.memory_space<vmem>>, vector<1x16xf32>,
    }
    %scan3A_20 = arith.constant 1024 : i32
    %mul3A_21 = arith.constant 640 : i32
    %mul3A_22 = arith.muli %arg1, %mul3A_21 : i32
    %add3A_23 = arith.constant 0 : i32
    %add3A_24 = arith.addi %mul3A_22, %add3A_23 : i32
    %multiple_of3A = tpu.assume_multiple %add3A_24, 128 : i32
    %dma_start3A_25 = arith.constant 0 : i32
    %dma_start3A_26 = tpu.memref_slice %arg10[%multiple_of3A, %dma_start3A_25] : memref<10240x128xf32, #tpu.memory_space<vmem_shared>> -> memref<128x128xf32, #tpu.memory_space<vmem_shared>>
    %dma_start3A_27 = arith.constant 0 : i32
    %dma_start3A_28 = tpu.memref_slice %arg10[%multiple_of3A, %dma_start3A_27] : memref<10240x128xf32, #tpu.memory_space<vmem_shared>> -> memref<128x128xf32, #tpu.memory_space<vmem_shared>>
    tpu.enqueue_dma source(%arg8 : memref<128x128xf32, #tpu.memory_space<vmem>>) target(%dma_start3A_28 : memref<128x128xf32, #tpu.memory_space<vmem_shared>>) target_semaphore(%arg13 : memref<!tpu.dma_semaphore, #tpu.memory_space<semaphore_mem>>)
    %mul3A_29 = arith.constant 640 : i32
    %mul3A_30 = arith.muli %arg1, %mul3A_29 : i32
    %add3A_31 = arith.constant 128 : i32
    %add3A_32 = arith.addi %mul3A_30, %add3A_31 : i32
    %multiple_of3A_33 = tpu.assume_multiple %add3A_32, 128 : i32
    %dma_start3A_34 = arith.constant 0 : i32
    %dma_start3A_35 = tpu.memref_slice %arg10[%multiple_of3A_33, %dma_start3A_34] : memref<10240x128xf32, #tpu.memory_space<vmem_shared>> -> memref<128x128xf32, #tpu.memory_space<vmem_shared>>
    %dma_start3A_36 = arith.constant 0 : i32
    %dma_start3A_37 = tpu.memref_slice %arg10[%multiple_of3A_33, %dma_start3A_36] : memref<10240x128xf32, #tpu.memory_space<vmem_shared>> -> memref<128x128xf32, #tpu.memory_space<vmem_shared>>
    tpu.enqueue_dma source(%arg8 : memref<128x128xf32, #tpu.memory_space<vmem>>) target(%dma_start3A_37 : memref<128x128xf32, #tpu.memory_space<vmem_shared>>) target_semaphore(%arg13 : memref<!tpu.dma_semaphore, #tpu.memory_space<semaphore_mem>>)
    %mul3A_38 = arith.constant 640 : i32
    %mul3A_39 = arith.muli %arg1, %mul3A_38 : i32
    %add3A_40 = arith.constant 256 : i32
    %add3A_41 = arith.addi %mul3A_39, %add3A_40 : i32
    %multiple_of3A_42 = tpu.assume_multiple %add3A_41, 128 : i32
    %dma_start3A_43 = arith.constant 0 : i32
    %dma_start3A_44 = tpu.memref_slice %arg10[%multiple_of3A_42, %dma_start3A_43] : memref<10240x128xf32, #tpu.memory_space<vmem_shared>> -> memref<128x128xf32, #tpu.memory_space<vmem_shared>>
    %dma_start3A_45 = arith.constant 0 : i32
    %dma_start3A_46 = tpu.memref_slice %arg10[%multiple_of3A_42, %dma_start3A_45] : memref<10240x128xf32, #tpu.memory_space<vmem_shared>> -> memref<128x128xf32, #tpu.memory_space<vmem_shared>>
    tpu.enqueue_dma source(%arg8 : memref<128x128xf32, #tpu.memory_space<vmem>>) target(%dma_start3A_46 : memref<128x128xf32, #tpu.memory_space<vmem_shared>>) target_semaphore(%arg13 : memref<!tpu.dma_semaphore, #tpu.memory_space<semaphore_mem>>)
    %mul3A_47 = arith.constant 640 : i32
    %mul3A_48 = arith.muli %arg1, %mul3A_47 : i32
    %add3A_49 = arith.constant 384 : i32
    %add3A_50 = arith.addi %mul3A_48, %add3A_49 : i32
    %multiple_of3A_51 = tpu.assume_multiple %add3A_50, 128 : i32
    %dma_start3A_52 = arith.constant 0 : i32
    %dma_start3A_53 = tpu.memref_slice %arg10[%multiple_of3A_51, %dma_start3A_52] : memref<10240x128xf32, #tpu.memory_space<vmem_shared>> -> memref<128x128xf32, #tpu.memory_space<vmem_shared>>
    %dma_start3A_54 = arith.constant 0 : i32
    %dma_start3A_55 = tpu.memref_slice %arg10[%multiple_of3A_51, %dma_start3A_54] : memref<10240x128xf32, #tpu.memory_space<vmem_shared>> -> memref<128x128xf32, #tpu.memory_space<vmem_shared>>
    tpu.enqueue_dma source(%arg8 : memref<128x128xf32, #tpu.memory_space<vmem>>) target(%dma_start3A_55 : memref<128x128xf32, #tpu.memory_space<vmem_shared>>) target_semaphore(%arg13 : memref<!tpu.dma_semaphore, #tpu.memory_space<semaphore_mem>>)
    %mul3A_56 = arith.constant 640 : i32
    %mul3A_57 = arith.muli %arg1, %mul3A_56 : i32
    %add3A_58 = arith.constant 512 : i32
    %add3A_59 = arith.addi %mul3A_57, %add3A_58 : i32
    %multiple_of3A_60 = tpu.assume_multiple %add3A_59, 128 : i32
    %dma_start3A_61 = arith.constant 0 : i32
    %dma_start3A_62 = tpu.memref_slice %arg10[%multiple_of3A_60, %dma_start3A_61] : memref<10240x128xf32, #tpu.memory_space<vmem_shared>> -> memref<128x128xf32, #tpu.memory_space<vmem_shared>>
    %dma_start3A_63 = arith.constant 0 : i32
    %dma_start3A_64 = tpu.memref_slice %arg10[%multiple_of3A_60, %dma_start3A_63] : memref<10240x128xf32, #tpu.memory_space<vmem_shared>> -> memref<128x128xf32, #tpu.memory_space<vmem_shared>>
    tpu.enqueue_dma source(%arg8 : memref<128x128xf32, #tpu.memory_space<vmem>>) target(%dma_start3A_64 : memref<128x128xf32, #tpu.memory_space<vmem_shared>>) target_semaphore(%arg13 : memref<!tpu.dma_semaphore, #tpu.memory_space<semaphore_mem>>)
    %mul3A_65 = arith.constant 640 : i32
    %mul3A_66 = arith.muli %arg1, %mul3A_65 : i32
    %add3A_67 = arith.constant 0 : i32
    %add3A_68 = arith.addi %mul3A_66, %add3A_67 : i32
    %multiple_of3A_69 = tpu.assume_multiple %add3A_68, 128 : i32
    %dma_wait3A = arith.constant 0 : i32
    %dma_wait3A_70 = tpu.memref_slice %arg10[%multiple_of3A_69, %dma_wait3A] : memref<10240x128xf32, #tpu.memory_space<vmem_shared>> -> memref<128x128xf32, #tpu.memory_space<vmem_shared>>
    %dma_wait3A_71 = arith.constant 0 : i32
    %dma_wait3A_72 = tpu.memref_slice %arg10[%multiple_of3A_69, %dma_wait3A_71] : memref<10240x128xf32, #tpu.memory_space<vmem_shared>> -> memref<128x128xf32, #tpu.memory_space<vmem_shared>>
    tpu.wait_dma2 semaphore(%arg13 : memref<!tpu.dma_semaphore, #tpu.memory_space<semaphore_mem>>) src(%arg8 : memref<128x128xf32, #tpu.memory_space<vmem>>) dst(%dma_wait3A_72 : memref<128x128xf32, #tpu.memory_space<vmem_shared>>)
    %mul3A_73 = arith.constant 640 : i32
    %mul3A_74 = arith.muli %arg1, %mul3A_73 : i32
    %add3A_75 = arith.constant 128 : i32
    %add3A_76 = arith.addi %mul3A_74, %add3A_75 : i32
    %multiple_of3A_77 = tpu.assume_multiple %add3A_76, 128 : i32
    %dma_wait3A_78 = arith.constant 0 : i32
    %dma_wait3A_79 = tpu.memref_slice %arg10[%multiple_of3A_77, %dma_wait3A_78] : memref<10240x128xf32, #tpu.memory_space<vmem_shared>> -> memref<128x128xf32, #tpu.memory_space<vmem_shared>>
    %dma_wait3A_80 = arith.constant 0 : i32
    %dma_wait3A_81 = tpu.memref_slice %arg10[%multiple_of3A_77, %dma_wait3A_80] : memref<10240x128xf32, #tpu.memory_space<vmem_shared>> -> memref<128x128xf32, #tpu.memory_space<vmem_shared>>
    tpu.wait_dma2 semaphore(%arg13 : memref<!tpu.dma_semaphore, #tpu.memory_space<semaphore_mem>>) src(%arg8 : memref<128x128xf32, #tpu.memory_space<vmem>>) dst(%dma_wait3A_81 : memref<128x128xf32, #tpu.memory_space<vmem_shared>>)
    %mul3A_82 = arith.constant 640 : i32
    %mul3A_83 = arith.muli %arg1, %mul3A_82 : i32
    %add3A_84 = arith.constant 256 : i32
    %add3A_85 = arith.addi %mul3A_83, %add3A_84 : i32
    %multiple_of3A_86 = tpu.assume_multiple %add3A_85, 128 : i32
    %dma_wait3A_87 = arith.constant 0 : i32
    %dma_wait3A_88 = tpu.memref_slice %arg10[%multiple_of3A_86, %dma_wait3A_87] : memref<10240x128xf32, #tpu.memory_space<vmem_shared>> -> memref<128x128xf32, #tpu.memory_space<vmem_shared>>
    %dma_wait3A_89 = arith.constant 0 : i32
    %dma_wait3A_90 = tpu.memref_slice %arg10[%multiple_of3A_86, %dma_wait3A_89] : memref<10240x128xf32, #tpu.memory_space<vmem_shared>> -> memref<128x128xf32, #tpu.memory_space<vmem_shared>>
    tpu.wait_dma2 semaphore(%arg13 : memref<!tpu.dma_semaphore, #tpu.memory_space<semaphore_mem>>) src(%arg8 : memref<128x128xf32, #tpu.memory_space<vmem>>) dst(%dma_wait3A_90 : memref<128x128xf32, #tpu.memory_space<vmem_shared>>)
    %mul3A_91 = arith.constant 640 : i32
    %mul3A_92 = arith.muli %arg1, %mul3A_91 : i32
    %add3A_93 = arith.constant 384 : i32
    %add3A_94 = arith.addi %mul3A_92, %add3A_93 : i32
    %multiple_of3A_95 = tpu.assume_multiple %add3A_94, 128 : i32
    %dma_wait3A_96 = arith.constant 0 : i32
    %dma_wait3A_97 = tpu.memref_slice %arg10[%multiple_of3A_95, %dma_wait3A_96] : memref<10240x128xf32, #tpu.memory_space<vmem_shared>> -> memref<128x128xf32, #tpu.memory_space<vmem_shared>>
    %dma_wait3A_98 = arith.constant 0 : i32
    %dma_wait3A_99 = tpu.memref_slice %arg10[%multiple_of3A_95, %dma_wait3A_98] : memref<10240x128xf32, #tpu.memory_space<vmem_shared>> -> memref<128x128xf32, #tpu.memory_space<vmem_shared>>
    tpu.wait_dma2 semaphore(%arg13 : memref<!tpu.dma_semaphore, #tpu.memory_space<semaphore_mem>>) src(%arg8 : memref<128x128xf32, #tpu.memory_space<vmem>>) dst(%dma_wait3A_99 : memref<128x128xf32, #tpu.memory_space<vmem_shared>>)
    %mul3A_100 = arith.constant 640 : i32
    %mul3A_101 = arith.muli %arg1, %mul3A_100 : i32
    %add3A_102 = arith.constant 512 : i32
    %add3A_103 = arith.addi %mul3A_101, %add3A_102 : i32
    %multiple_of3A_104 = tpu.assume_multiple %add3A_103, 128 : i32
    %dma_wait3A_105 = arith.constant 0 : i32
    %dma_wait3A_106 = tpu.memref_slice %arg10[%multiple_of3A_104, %dma_wait3A_105] : memref<10240x128xf32, #tpu.memory_space<vmem_shared>> -> memref<128x128xf32, #tpu.memory_space<vmem_shared>>
    %dma_wait3A_107 = arith.constant 0 : i32
    %dma_wait3A_108 = tpu.memref_slice %arg10[%multiple_of3A_104, %dma_wait3A_107] : memref<10240x128xf32, #tpu.memory_space<vmem_shared>> -> memref<128x128xf32, #tpu.memory_space<vmem_shared>>
    tpu.wait_dma2 semaphore(%arg13 : memref<!tpu.dma_semaphore, #tpu.memory_space<semaphore_mem>>) src(%arg8 : memref<128x128xf32, #tpu.memory_space<vmem>>) dst(%dma_wait3A_108 : memref<128x128xf32, #tpu.memory_space<vmem_shared>>)
    %dma_wait3A_109 = arith.constant 0 : i32
    %dma_wait3A_110 = arith.constant 0 : i32
    %dma_wait3A_111 = tpu.memref_slice %arg3[%add3A, %dma_wait3A_109, %dma_wait3A_110] : memref<32x80x128xi32, #tpu.memory_space<hbm>> -> memref<1x40x128xi32, #tpu.memory_space<hbm>>
    %dma_wait3A_112 = tpu.memref_squeeze %dma_wait3A_111 : memref<1x40x128xi32, #tpu.memory_space<hbm>> -> memref<40x128xi32, #tpu.memory_space<hbm>>
    %dma_wait3A_113 = arith.constant 0 : i32
    %dma_wait3A_114 = arith.constant 0 : i32
    %dma_wait3A_115 = tpu.memref_slice %arg3[%add3A, %dma_wait3A_113, %dma_wait3A_114] : memref<32x80x128xi32, #tpu.memory_space<hbm>> -> memref<1x40x128xi32, #tpu.memory_space<hbm>>
    %dma_wait3A_116 = tpu.memref_squeeze %dma_wait3A_115 : memref<1x40x128xi32, #tpu.memory_space<hbm>> -> memref<40x128xi32, #tpu.memory_space<hbm>>
    tpu.wait_dma2 semaphore(%arg11 : memref<!tpu.dma_semaphore, #tpu.memory_space<semaphore_mem>>) src(%dma_wait3A_116 : memref<40x128xi32, #tpu.memory_space<hbm>>) dst(%arg6 : memref<40x128xi32, #tpu.memory_space<vmem>>)
    %dma_wait3A_117 = arith.constant 0 : i32
    %dma_wait3A_118 = arith.constant 0 : i32
    %dma_wait3A_119 = tpu.memref_slice %arg4[%add3A, %dma_wait3A_117, %dma_wait3A_118] : memref<32x80x128xi32, #tpu.memory_space<hbm>> -> memref<1x40x128xi32, #tpu.memory_space<hbm>>
    %dma_wait3A_120 = tpu.memref_squeeze %dma_wait3A_119 : memref<1x40x128xi32, #tpu.memory_space<hbm>> -> memref<40x128xi32, #tpu.memory_space<hbm>>
    %dma_wait3A_121 = arith.constant 0 : i32
    %dma_wait3A_122 = arith.constant 0 : i32
    %dma_wait3A_123 = tpu.memref_slice %arg4[%add3A, %dma_wait3A_121, %dma_wait3A_122] : memref<32x80x128xi32, #tpu.memory_space<hbm>> -> memref<1x40x128xi32, #tpu.memory_space<hbm>>
    %dma_wait3A_124 = tpu.memref_squeeze %dma_wait3A_123 : memref<1x40x128xi32, #tpu.memory_space<hbm>> -> memref<40x128xi32, #tpu.memory_space<hbm>>
    tpu.wait_dma2 semaphore(%arg12 : memref<!tpu.dma_semaphore, #tpu.memory_space<semaphore_mem>>) src(%dma_wait3A_124 : memref<40x128xi32, #tpu.memory_space<hbm>>) dst(%arg7 : memref<40x128xi32, #tpu.memory_space<vmem>>)
    %dma_start3A_125 = arith.constant 0 : i32
    %dma_start3A_126 = arith.constant 0 : i32
    %dma_start3A_127 = tpu.memref_slice %arg6[%dma_start3A_125, %dma_start3A_126] : memref<40x128xi32, #tpu.memory_space<vmem>> -> memref<1x128xi32, #tpu.memory_space<vmem>>
    %dma_start3A_128 = tpu.memref_squeeze %dma_start3A_127 : memref<1x128xi32, #tpu.memory_space<vmem>> -> memref<128xi32, #tpu.memory_space<vmem>>
    %dma_start3A_129 = arith.constant 0 : i32
    %dma_start3A_130 = arith.constant 0 : i32
    %dma_start3A_131 = tpu.memref_slice %arg2[%dma_start3A_129, %dma_start3A_130] : memref<10000x128xf32, #tpu.memory_space<hbm>> -> memref<10000x128xf32, #tpu.memory_space<hbm>>
    tpu.enqueue_indirect_dma source(%dma_start3A_131 : memref<10000x128xf32, #tpu.memory_space<hbm>>) target(%arg8 : memref<128x128xf32, #tpu.memory_space<vmem>>) offsets(%dma_start3A_128 : memref<128xi32, #tpu.memory_space<vmem>>) semaphore(%arg11 : memref<!tpu.dma_semaphore, #tpu.memory_space<semaphore_mem>>)
    %barrier3A = arith.constant 0 : index
    tpu.barrier barrier_id(%barrier3A)
    %scan3A_132 = arith.constant 0 : i32
    %scan3A_133 = arith.constant 0 : i32
    %scan3A_134 = arith.constant 20 : i32
    %scan3A_135 = arith.addi %scan3A_133, %scan3A_134 : i32
    %scan3A_136 = arith.constant 1 : i32
    scf.for %scan3A_307 = %scan3A_133 to %scan3A_135 step %scan3A_136  : i32 {
      %mul3A_308 = arith.constant 2 : i32
      %mul3A_309 = arith.muli %mul3A_308, %scan3A_307 : i32
      %add3A_310 = arith.constant 1 : i32
      %add3A_311 = arith.addi %mul3A_309, %add3A_310 : i32
      %dma_wait3A_312 = arith.constant 0 : i32
      %dma_wait3A_313 = tpu.memref_slice %arg6[%mul3A_309, %dma_wait3A_312] : memref<40x128xi32, #tpu.memory_space<vmem>> -> memref<1x128xi32, #tpu.memory_space<vmem>>
      %dma_wait3A_314 = tpu.memref_squeeze %dma_wait3A_313 : memref<1x128xi32, #tpu.memory_space<vmem>> -> memref<128xi32, #tpu.memory_space<vmem>>
      %dma_wait3A_315 = arith.constant 0 : i32
      %dma_wait3A_316 = arith.constant 0 : i32
      %dma_wait3A_317 = tpu.memref_slice %arg2[%dma_wait3A_315, %dma_wait3A_316] : memref<10000x128xf32, #tpu.memory_space<hbm>> -> memref<10000x128xf32, #tpu.memory_space<hbm>>
      tpu.wait_indirect_dma semaphore(%arg11 : memref<!tpu.dma_semaphore, #tpu.memory_space<semaphore_mem>>) src(%dma_wait3A_317 : memref<10000x128xf32, #tpu.memory_space<hbm>>) dst(%arg8 : memref<128x128xf32, #tpu.memory_space<vmem>>)
      %dma_start3A_318 = arith.constant 0 : i32
      %dma_start3A_319 = tpu.memref_slice %arg7[%mul3A_309, %dma_start3A_318] : memref<40x128xi32, #tpu.memory_space<vmem>> -> memref<1x128xi32, #tpu.memory_space<vmem>>
      %dma_start3A_320 = tpu.memref_squeeze %dma_start3A_319 : memref<1x128xi32, #tpu.memory_space<vmem>> -> memref<128xi32, #tpu.memory_space<vmem>>
      %dma_start3A_321 = arith.constant 0 : i32
      %dma_start3A_322 = arith.constant 0 : i32
      %dma_start3A_323 = tpu.memref_slice %arg10[%dma_start3A_321, %dma_start3A_322] : memref<10240x128xf32, #tpu.memory_space<vmem_shared>> -> memref<10240x128xf32, #tpu.memory_space<vmem_shared>>
      tpu.enqueue_indirect_dma source(%arg8 : memref<128x128xf32, #tpu.memory_space<vmem>>) target(%dma_start3A_323 : memref<10240x128xf32, #tpu.memory_space<vmem_shared>>) offsets(%dma_start3A_320 : memref<128xi32, #tpu.memory_space<vmem>>) semaphore(%arg13 : memref<!tpu.dma_semaphore, #tpu.memory_space<semaphore_mem>>) {add = true}
      %gt3A = arith.constant 0 : i32
      %gt3A_324 = arith.cmpi sgt, %mul3A_309, %gt3A : i32
      %convert_element_type3A = arith.extui %gt3A_324 : i1 to i32
      %cond3A = arith.constant 0 : i32
      %cond3A_325 = arith.cmpi ne, %convert_element_type3A, %cond3A : i32
      scf.if %cond3A_325 {
        %sub3A = arith.constant 1 : i32
        %sub3A_356 = arith.subi %mul3A_309, %sub3A : i32
        %dma_wait3A_357 = arith.constant 0 : i32
        %dma_wait3A_358 = tpu.memref_slice %arg7[%sub3A_356, %dma_wait3A_357] : memref<40x128xi32, #tpu.memory_space<vmem>> -> memref<1x128xi32, #tpu.memory_space<vmem>>
        %dma_wait3A_359 = tpu.memref_squeeze %dma_wait3A_358 : memref<1x128xi32, #tpu.memory_space<vmem>> -> memref<128xi32, #tpu.memory_space<vmem>>
        %dma_wait3A_360 = arith.constant 0 : i32
        %dma_wait3A_361 = arith.constant 0 : i32
        %dma_wait3A_362 = tpu.memref_slice %arg10[%dma_wait3A_360, %dma_wait3A_361] : memref<10240x128xf32, #tpu.memory_space<vmem_shared>> -> memref<10240x128xf32, #tpu.memory_space<vmem_shared>>
        tpu.wait_indirect_dma semaphore(%arg14 : memref<!tpu.dma_semaphore, #tpu.memory_space<semaphore_mem>>) src(%arg9 : memref<128x128xf32, #tpu.memory_space<vmem>>) dst(%dma_wait3A_362 : memref<10240x128xf32, #tpu.memory_space<vmem_shared>>)
      } else {
      }
      %dma_start3A_326 = arith.constant 0 : i32
      %dma_start3A_327 = tpu.memref_slice %arg6[%add3A_311, %dma_start3A_326] : memref<40x128xi32, #tpu.memory_space<vmem>> -> memref<1x128xi32, #tpu.memory_space<vmem>>
      %dma_start3A_328 = tpu.memref_squeeze %dma_start3A_327 : memref<1x128xi32, #tpu.memory_space<vmem>> -> memref<128xi32, #tpu.memory_space<vmem>>
      %dma_start3A_329 = arith.constant 0 : i32
      %dma_start3A_330 = arith.constant 0 : i32
      %dma_start3A_331 = tpu.memref_slice %arg2[%dma_start3A_329, %dma_start3A_330] : memref<10000x128xf32, #tpu.memory_space<hbm>> -> memref<10000x128xf32, #tpu.memory_space<hbm>>
      tpu.enqueue_indirect_dma source(%dma_start3A_331 : memref<10000x128xf32, #tpu.memory_space<hbm>>) target(%arg9 : memref<128x128xf32, #tpu.memory_space<vmem>>) offsets(%dma_start3A_328 : memref<128xi32, #tpu.memory_space<vmem>>) semaphore(%arg12 : memref<!tpu.dma_semaphore, #tpu.memory_space<semaphore_mem>>)
      %dma_wait3A_332 = arith.constant 0 : i32
      %dma_wait3A_333 = tpu.memref_slice %arg6[%add3A_311, %dma_wait3A_332] : memref<40x128xi32, #tpu.memory_space<vmem>> -> memref<1x128xi32, #tpu.memory_space<vmem>>
      %dma_wait3A_334 = tpu.memref_squeeze %dma_wait3A_333 : memref<1x128xi32, #tpu.memory_space<vmem>> -> memref<128xi32, #tpu.memory_space<vmem>>
      %dma_wait3A_335 = arith.constant 0 : i32
      %dma_wait3A_336 = arith.constant 0 : i32
      %dma_wait3A_337 = tpu.memref_slice %arg2[%dma_wait3A_335, %dma_wait3A_336] : memref<10000x128xf32, #tpu.memory_space<hbm>> -> memref<10000x128xf32, #tpu.memory_space<hbm>>
      tpu.wait_indirect_dma semaphore(%arg12 : memref<!tpu.dma_semaphore, #tpu.memory_space<semaphore_mem>>) src(%dma_wait3A_337 : memref<10000x128xf32, #tpu.memory_space<hbm>>) dst(%arg9 : memref<128x128xf32, #tpu.memory_space<vmem>>)
      %dma_start3A_338 = arith.constant 0 : i32
      %dma_start3A_339 = tpu.memref_slice %arg7[%add3A_311, %dma_start3A_338] : memref<40x128xi32, #tpu.memory_space<vmem>> -> memref<1x128xi32, #tpu.memory_space<vmem>>
      %dma_start3A_340 = tpu.memref_squeeze %dma_start3A_339 : memref<1x128xi32, #tpu.memory_space<vmem>> -> memref<128xi32, #tpu.memory_space<vmem>>
      %dma_start3A_341 = arith.constant 0 : i32
      %dma_start3A_342 = arith.constant 0 : i32
      %dma_start3A_343 = tpu.memref_slice %arg10[%dma_start3A_341, %dma_start3A_342] : memref<10240x128xf32, #tpu.memory_space<vmem_shared>> -> memref<10240x128xf32, #tpu.memory_space<vmem_shared>>
      tpu.enqueue_indirect_dma source(%arg9 : memref<128x128xf32, #tpu.memory_space<vmem>>) target(%dma_start3A_343 : memref<10240x128xf32, #tpu.memory_space<vmem_shared>>) offsets(%dma_start3A_340 : memref<128xi32, #tpu.memory_space<vmem>>) semaphore(%arg14 : memref<!tpu.dma_semaphore, #tpu.memory_space<semaphore_mem>>) {add = true}
      %dma_wait3A_344 = arith.constant 0 : i32
      %dma_wait3A_345 = tpu.memref_slice %arg7[%mul3A_309, %dma_wait3A_344] : memref<40x128xi32, #tpu.memory_space<vmem>> -> memref<1x128xi32, #tpu.memory_space<vmem>>
      %dma_wait3A_346 = tpu.memref_squeeze %dma_wait3A_345 : memref<1x128xi32, #tpu.memory_space<vmem>> -> memref<128xi32, #tpu.memory_space<vmem>>
      %dma_wait3A_347 = arith.constant 0 : i32
      %dma_wait3A_348 = arith.constant 0 : i32
      %dma_wait3A_349 = tpu.memref_slice %arg10[%dma_wait3A_347, %dma_wait3A_348] : memref<10240x128xf32, #tpu.memory_space<vmem_shared>> -> memref<10240x128xf32, #tpu.memory_space<vmem_shared>>
      tpu.wait_indirect_dma semaphore(%arg13 : memref<!tpu.dma_semaphore, #tpu.memory_space<semaphore_mem>>) src(%arg8 : memref<128x128xf32, #tpu.memory_space<vmem>>) dst(%dma_wait3A_349 : memref<10240x128xf32, #tpu.memory_space<vmem_shared>>)
      %add3A_350 = arith.constant 1 : i32
      %add3A_351 = arith.addi %add3A_311, %add3A_350 : i32
      %lt3A = arith.constant 40 : i32
      %lt3A_352 = arith.cmpi slt, %add3A_351, %lt3A : i32
      %convert_element_type3A_353 = arith.extui %lt3A_352 : i1 to i32
      %cond3A_354 = arith.constant 0 : i32
      %cond3A_355 = arith.cmpi ne, %convert_element_type3A_353, %cond3A_354 : i32
      scf.if %cond3A_355 {
        %add3A_356 = arith.constant 1 : i32
        %add3A_357 = arith.addi %add3A_311, %add3A_356 : i32
        %dma_start3A_358 = arith.constant 0 : i32
        %dma_start3A_359 = tpu.memref_slice %arg6[%add3A_357, %dma_start3A_358] : memref<40x128xi32, #tpu.memory_space<vmem>> -> memref<1x128xi32, #tpu.memory_space<vmem>>
        %dma_start3A_360 = tpu.memref_squeeze %dma_start3A_359 : memref<1x128xi32, #tpu.memory_space<vmem>> -> memref<128xi32, #tpu.memory_space<vmem>>
        %dma_start3A_361 = arith.constant 0 : i32
        %dma_start3A_362 = arith.constant 0 : i32
        %dma_start3A_363 = tpu.memref_slice %arg2[%dma_start3A_361, %dma_start3A_362] : memref<10000x128xf32, #tpu.memory_space<hbm>> -> memref<10000x128xf32, #tpu.memory_space<hbm>>
        tpu.enqueue_indirect_dma source(%dma_start3A_363 : memref<10000x128xf32, #tpu.memory_space<hbm>>) target(%arg8 : memref<128x128xf32, #tpu.memory_space<vmem>>) offsets(%dma_start3A_360 : memref<128xi32, #tpu.memory_space<vmem>>) semaphore(%arg11 : memref<!tpu.dma_semaphore, #tpu.memory_space<semaphore_mem>>)
      } else {
      }
    }
    %scan3A_137 = arith.constant 20 : i32
    %dma_start3A_138 = arith.constant 40 : i32
    %dma_start3A_139 = arith.constant 0 : i32
    %dma_start3A_140 = tpu.memref_slice %arg3[%add3A, %dma_start3A_138, %dma_start3A_139] : memref<32x80x128xi32, #tpu.memory_space<hbm>> -> memref<1x40x128xi32, #tpu.memory_space<hbm>>
    %dma_start3A_141 = tpu.memref_squeeze %dma_start3A_140 : memref<1x40x128xi32, #tpu.memory_space<hbm>> -> memref<40x128xi32, #tpu.memory_space<hbm>>
    %dma_start3A_142 = arith.constant 40 : i32
    %dma_start3A_143 = arith.constant 0 : i32
    %dma_start3A_144 = tpu.memref_slice %arg3[%add3A, %dma_start3A_142, %dma_start3A_143] : memref<32x80x128xi32, #tpu.memory_space<hbm>> -> memref<1x40x128xi32, #tpu.memory_space<hbm>>
    %dma_start3A_145 = tpu.memref_squeeze %dma_start3A_144 : memref<1x40x128xi32, #tpu.memory_space<hbm>> -> memref<40x128xi32, #tpu.memory_space<hbm>>
    tpu.enqueue_dma source(%dma_start3A_145 : memref<40x128xi32, #tpu.memory_space<hbm>>) target(%arg6 : memref<40x128xi32, #tpu.memory_space<vmem>>) target_semaphore(%arg11 : memref<!tpu.dma_semaphore, #tpu.memory_space<semaphore_mem>>)
    %dma_wait3A_146 = arith.constant 39 : i32
    %dma_wait3A_147 = arith.constant 0 : i32
    %dma_wait3A_148 = tpu.memref_slice %arg7[%dma_wait3A_146, %dma_wait3A_147] : memref<40x128xi32, #tpu.memory_space<vmem>> -> memref<1x128xi32, #tpu.memory_space<vmem>>
    %dma_wait3A_149 = tpu.memref_squeeze %dma_wait3A_148 : memref<1x128xi32, #tpu.memory_space<vmem>> -> memref<128xi32, #tpu.memory_space<vmem>>
    %dma_wait3A_150 = arith.constant 0 : i32
    %dma_wait3A_151 = arith.constant 0 : i32
    %dma_wait3A_152 = tpu.memref_slice %arg10[%dma_wait3A_150, %dma_wait3A_151] : memref<10240x128xf32, #tpu.memory_space<vmem_shared>> -> memref<10240x128xf32, #tpu.memory_space<vmem_shared>>
    tpu.wait_indirect_dma semaphore(%arg14 : memref<!tpu.dma_semaphore, #tpu.memory_space<semaphore_mem>>) src(%arg9 : memref<128x128xf32, #tpu.memory_space<vmem>>) dst(%dma_wait3A_152 : memref<10240x128xf32, #tpu.memory_space<vmem_shared>>)
    "tpu.region"() ({
      %run_scoped3A = tpu.sem_alloc : memref<!tpu.dma_semaphore, #tpu.memory_space<semaphore_mem>>
      %dma_start3A_307 = arith.constant 40 : i32
      %dma_start3A_308 = arith.constant 0 : i32
      %dma_start3A_309 = tpu.memref_slice %arg4[%add3A, %dma_start3A_307, %dma_start3A_308] : memref<32x80x128xi32, #tpu.memory_space<hbm>> -> memref<1x40x128xi32, #tpu.memory_space<hbm>>
      %dma_start3A_310 = tpu.memref_squeeze %dma_start3A_309 : memref<1x40x128xi32, #tpu.memory_space<hbm>> -> memref<40x128xi32, #tpu.memory_space<hbm>>
      %dma_start3A_311 = arith.constant 40 : i32
      %dma_start3A_312 = arith.constant 0 : i32
      %dma_start3A_313 = tpu.memref_slice %arg4[%add3A, %dma_start3A_311, %dma_start3A_312] : memref<32x80x128xi32, #tpu.memory_space<hbm>> -> memref<1x40x128xi32, #tpu.memory_space<hbm>>
      %dma_start3A_314 = tpu.memref_squeeze %dma_start3A_313 : memref<1x40x128xi32, #tpu.memory_space<hbm>> -> memref<40x128xi32, #tpu.memory_space<hbm>>
      tpu.enqueue_dma source(%dma_start3A_314 : memref<40x128xi32, #tpu.memory_space<hbm>>) target(%arg7 : memref<40x128xi32, #tpu.memory_space<vmem>>) target_semaphore(%run_scoped3A : memref<!tpu.dma_semaphore, #tpu.memory_space<semaphore_mem>>)
      %dma_wait3A_315 = arith.constant 40 : i32
      %dma_wait3A_316 = arith.constant 0 : i32
      %dma_wait3A_317 = tpu.memref_slice %arg4[%add3A, %dma_wait3A_315, %dma_wait3A_316] : memref<32x80x128xi32, #tpu.memory_space<hbm>> -> memref<1x40x128xi32, #tpu.memory_space<hbm>>
      %dma_wait3A_318 = tpu.memref_squeeze %dma_wait3A_317 : memref<1x40x128xi32, #tpu.memory_space<hbm>> -> memref<40x128xi32, #tpu.memory_space<hbm>>
      %dma_wait3A_319 = arith.constant 40 : i32
      %dma_wait3A_320 = arith.constant 0 : i32
      %dma_wait3A_321 = tpu.memref_slice %arg4[%add3A, %dma_wait3A_319, %dma_wait3A_320] : memref<32x80x128xi32, #tpu.memory_space<hbm>> -> memref<1x40x128xi32, #tpu.memory_space<hbm>>
      %dma_wait3A_322 = tpu.memref_squeeze %dma_wait3A_321 : memref<1x40x128xi32, #tpu.memory_space<hbm>> -> memref<40x128xi32, #tpu.memory_space<hbm>>
      tpu.wait_dma2 semaphore(%run_scoped3A : memref<!tpu.dma_semaphore, #tpu.memory_space<semaphore_mem>>) src(%dma_wait3A_322 : memref<40x128xi32, #tpu.memory_space<hbm>>) dst(%arg7 : memref<40x128xi32, #tpu.memory_space<vmem>>)
      tpu.yield
    }) : () -> ()
    %dma_wait3A_153 = arith.constant 40 : i32
    %dma_wait3A_154 = arith.constant 0 : i32
    %dma_wait3A_155 = tpu.memref_slice %arg3[%add3A, %dma_wait3A_153, %dma_wait3A_154] : memref<32x80x128xi32, #tpu.memory_space<hbm>> -> memref<1x40x128xi32, #tpu.memory_space<hbm>>
    %dma_wait3A_156 = tpu.memref_squeeze %dma_wait3A_155 : memref<1x40x128xi32, #tpu.memory_space<hbm>> -> memref<40x128xi32, #tpu.memory_space<hbm>>
    %dma_wait3A_157 = arith.constant 40 : i32
    %dma_wait3A_158 = arith.constant 0 : i32
    %dma_wait3A_159 = tpu.memref_slice %arg3[%add3A, %dma_wait3A_157, %dma_wait3A_158] : memref<32x80x128xi32, #tpu.memory_space<hbm>> -> memref<1x40x128xi32, #tpu.memory_space<hbm>>
    %dma_wait3A_160 = tpu.memref_squeeze %dma_wait3A_159 : memref<1x40x128xi32, #tpu.memory_space<hbm>> -> memref<40x128xi32, #tpu.memory_space<hbm>>
    tpu.wait_dma2 semaphore(%arg11 : memref<!tpu.dma_semaphore, #tpu.memory_space<semaphore_mem>>) src(%dma_wait3A_160 : memref<40x128xi32, #tpu.memory_space<hbm>>) dst(%arg6 : memref<40x128xi32, #tpu.memory_space<vmem>>)
    %dma_start3A_161 = arith.constant 0 : i32
    %dma_start3A_162 = arith.constant 0 : i32
    %dma_start3A_163 = tpu.memref_slice %arg6[%dma_start3A_161, %dma_start3A_162] : memref<40x128xi32, #tpu.memory_space<vmem>> -> memref<1x128xi32, #tpu.memory_space<vmem>>
    %dma_start3A_164 = tpu.memref_squeeze %dma_start3A_163 : memref<1x128xi32, #tpu.memory_space<vmem>> -> memref<128xi32, #tpu.memory_space<vmem>>
    %dma_start3A_165 = arith.constant 0 : i32
    %dma_start3A_166 = arith.constant 0 : i32
    %dma_start3A_167 = tpu.memref_slice %arg2[%dma_start3A_165, %dma_start3A_166] : memref<10000x128xf32, #tpu.memory_space<hbm>> -> memref<10000x128xf32, #tpu.memory_space<hbm>>
    tpu.enqueue_indirect_dma source(%dma_start3A_167 : memref<10000x128xf32, #tpu.memory_space<hbm>>) target(%arg8 : memref<128x128xf32, #tpu.memory_space<vmem>>) offsets(%dma_start3A_164 : memref<128xi32, #tpu.memory_space<vmem>>) semaphore(%arg11 : memref<!tpu.dma_semaphore, #tpu.memory_space<semaphore_mem>>)
    %scan3A_168 = arith.constant 0 : i32
    %scan3A_169 = arith.constant 0 : i32
    %scan3A_170 = arith.constant 20 : i32
    %scan3A_171 = arith.addi %scan3A_169, %scan3A_170 : i32
    %scan3A_172 = arith.constant 1 : i32
    scf.for %scan3A_307 = %scan3A_169 to %scan3A_171 step %scan3A_172  : i32 {
      %mul3A_308 = arith.constant 2 : i32
      %mul3A_309 = arith.muli %mul3A_308, %scan3A_307 : i32
      %add3A_310 = arith.constant 1 : i32
      %add3A_311 = arith.addi %mul3A_309, %add3A_310 : i32
      %dma_wait3A_312 = arith.constant 0 : i32
      %dma_wait3A_313 = tpu.memref_slice %arg6[%mul3A_309, %dma_wait3A_312] : memref<40x128xi32, #tpu.memory_space<vmem>> -> memref<1x128xi32, #tpu.memory_space<vmem>>
      %dma_wait3A_314 = tpu.memref_squeeze %dma_wait3A_313 : memref<1x128xi32, #tpu.memory_space<vmem>> -> memref<128xi32, #tpu.memory_space<vmem>>
      %dma_wait3A_315 = arith.constant 0 : i32
      %dma_wait3A_316 = arith.constant 0 : i32
      %dma_wait3A_317 = tpu.memref_slice %arg2[%dma_wait3A_315, %dma_wait3A_316] : memref<10000x128xf32, #tpu.memory_space<hbm>> -> memref<10000x128xf32, #tpu.memory_space<hbm>>
      tpu.wait_indirect_dma semaphore(%arg11 : memref<!tpu.dma_semaphore, #tpu.memory_space<semaphore_mem>>) src(%dma_wait3A_317 : memref<10000x128xf32, #tpu.memory_space<hbm>>) dst(%arg8 : memref<128x128xf32, #tpu.memory_space<vmem>>)
      %dma_start3A_318 = arith.constant 0 : i32
      %dma_start3A_319 = tpu.memref_slice %arg7[%mul3A_309, %dma_start3A_318] : memref<40x128xi32, #tpu.memory_space<vmem>> -> memref<1x128xi32, #tpu.memory_space<vmem>>
      %dma_start3A_320 = tpu.memref_squeeze %dma_start3A_319 : memref<1x128xi32, #tpu.memory_space<vmem>> -> memref<128xi32, #tpu.memory_space<vmem>>
      %dma_start3A_321 = arith.constant 0 : i32
      %dma_start3A_322 = arith.constant 0 : i32
      %dma_start3A_323 = tpu.memref_slice %arg10[%dma_start3A_321, %dma_start3A_322] : memref<10240x128xf32, #tpu.memory_space<vmem_shared>> -> memref<10240x128xf32, #tpu.memory_space<vmem_shared>>
      tpu.enqueue_indirect_dma source(%arg8 : memref<128x128xf32, #tpu.memory_space<vmem>>) target(%dma_start3A_323 : memref<10240x128xf32, #tpu.memory_space<vmem_shared>>) offsets(%dma_start3A_320 : memref<128xi32, #tpu.memory_space<vmem>>) semaphore(%arg13 : memref<!tpu.dma_semaphore, #tpu.memory_space<semaphore_mem>>) {add = true}
      %gt3A = arith.constant 0 : i32
      %gt3A_324 = arith.cmpi sgt, %mul3A_309, %gt3A : i32
      %convert_element_type3A = arith.extui %gt3A_324 : i1 to i32
      %cond3A = arith.constant 0 : i32
      %cond3A_325 = arith.cmpi ne, %convert_element_type3A, %cond3A : i32
      scf.if %cond3A_325 {
        %sub3A = arith.constant 1 : i32
        %sub3A_356 = arith.subi %mul3A_309, %sub3A : i32
        %dma_wait3A_357 = arith.constant 0 : i32
        %dma_wait3A_358 = tpu.memref_slice %arg7[%sub3A_356, %dma_wait3A_357] : memref<40x128xi32, #tpu.memory_space<vmem>> -> memref<1x128xi32, #tpu.memory_space<vmem>>
        %dma_wait3A_359 = tpu.memref_squeeze %dma_wait3A_358 : memref<1x128xi32, #tpu.memory_space<vmem>> -> memref<128xi32, #tpu.memory_space<vmem>>
        %dma_wait3A_360 = arith.constant 0 : i32
        %dma_wait3A_361 = arith.constant 0 : i32
        %dma_wait3A_362 = tpu.memref_slice %arg10[%dma_wait3A_360, %dma_wait3A_361] : memref<10240x128xf32, #tpu.memory_space<vmem_shared>> -> memref<10240x128xf32, #tpu.memory_space<vmem_shared>>
        tpu.wait_indirect_dma semaphore(%arg14 : memref<!tpu.dma_semaphore, #tpu.memory_space<semaphore_mem>>) src(%arg9 : memref<128x128xf32, #tpu.memory_space<vmem>>) dst(%dma_wait3A_362 : memref<10240x128xf32, #tpu.memory_space<vmem_shared>>)
      } else {
      }
      %dma_start3A_326 = arith.constant 0 : i32
      %dma_start3A_327 = tpu.memref_slice %arg6[%add3A_311, %dma_start3A_326] : memref<40x128xi32, #tpu.memory_space<vmem>> -> memref<1x128xi32, #tpu.memory_space<vmem>>
      %dma_start3A_328 = tpu.memref_squeeze %dma_start3A_327 : memref<1x128xi32, #tpu.memory_space<vmem>> -> memref<128xi32, #tpu.memory_space<vmem>>
      %dma_start3A_329 = arith.constant 0 : i32
      %dma_start3A_330 = arith.constant 0 : i32
      %dma_start3A_331 = tpu.memref_slice %arg2[%dma_start3A_329, %dma_start3A_330] : memref<10000x128xf32, #tpu.memory_space<hbm>> -> memref<10000x128xf32, #tpu.memory_space<hbm>>
      tpu.enqueue_indirect_dma source(%dma_start3A_331 : memref<10000x128xf32, #tpu.memory_space<hbm>>) target(%arg9 : memref<128x128xf32, #tpu.memory_space<vmem>>) offsets(%dma_start3A_328 : memref<128xi32, #tpu.memory_space<vmem>>) semaphore(%arg12 : memref<!tpu.dma_semaphore, #tpu.memory_space<semaphore_mem>>)
      %dma_wait3A_332 = arith.constant 0 : i32
      %dma_wait3A_333 = tpu.memref_slice %arg6[%add3A_311, %dma_wait3A_332] : memref<40x128xi32, #tpu.memory_space<vmem>> -> memref<1x128xi32, #tpu.memory_space<vmem>>
      %dma_wait3A_334 = tpu.memref_squeeze %dma_wait3A_333 : memref<1x128xi32, #tpu.memory_space<vmem>> -> memref<128xi32, #tpu.memory_space<vmem>>
      %dma_wait3A_335 = arith.constant 0 : i32
      %dma_wait3A_336 = arith.constant 0 : i32
      %dma_wait3A_337 = tpu.memref_slice %arg2[%dma_wait3A_335, %dma_wait3A_336] : memref<10000x128xf32, #tpu.memory_space<hbm>> -> memref<10000x128xf32, #tpu.memory_space<hbm>>
      tpu.wait_indirect_dma semaphore(%arg12 : memref<!tpu.dma_semaphore, #tpu.memory_space<semaphore_mem>>) src(%dma_wait3A_337 : memref<10000x128xf32, #tpu.memory_space<hbm>>) dst(%arg9 : memref<128x128xf32, #tpu.memory_space<vmem>>)
      %dma_start3A_338 = arith.constant 0 : i32
      %dma_start3A_339 = tpu.memref_slice %arg7[%add3A_311, %dma_start3A_338] : memref<40x128xi32, #tpu.memory_space<vmem>> -> memref<1x128xi32, #tpu.memory_space<vmem>>
      %dma_start3A_340 = tpu.memref_squeeze %dma_start3A_339 : memref<1x128xi32, #tpu.memory_space<vmem>> -> memref<128xi32, #tpu.memory_space<vmem>>
      %dma_start3A_341 = arith.constant 0 : i32
      %dma_start3A_342 = arith.constant 0 : i32
      %dma_start3A_343 = tpu.memref_slice %arg10[%dma_start3A_341, %dma_start3A_342] : memref<10240x128xf32, #tpu.memory_space<vmem_shared>> -> memref<10240x128xf32, #tpu.memory_space<vmem_shared>>
      tpu.enqueue_indirect_dma source(%arg9 : memref<128x128xf32, #tpu.memory_space<vmem>>) target(%dma_start3A_343 : memref<10240x128xf32, #tpu.memory_space<vmem_shared>>) offsets(%dma_start3A_340 : memref<128xi32, #tpu.memory_space<vmem>>) semaphore(%arg14 : memref<!tpu.dma_semaphore, #tpu.memory_space<semaphore_mem>>) {add = true}
      %dma_wait3A_344 = arith.constant 0 : i32
      %dma_wait3A_345 = tpu.memref_slice %arg7[%mul3A_309, %dma_wait3A_344] : memref<40x128xi32, #tpu.memory_space<vmem>> -> memref<1x128xi32, #tpu.memory_space<vmem>>
      %dma_wait3A_346 = tpu.memref_squeeze %dma_wait3A_345 : memref<1x128xi32, #tpu.memory_space<vmem>> -> memref<128xi32, #tpu.memory_space<vmem>>
      %dma_wait3A_347 = arith.constant 0 : i32
      %dma_wait3A_348 = arith.constant 0 : i32
      %dma_wait3A_349 = tpu.memref_slice %arg10[%dma_wait3A_347, %dma_wait3A_348] : memref<10240x128xf32, #tpu.memory_space<vmem_shared>> -> memref<10240x128xf32, #tpu.memory_space<vmem_shared>>
      tpu.wait_indirect_dma semaphore(%arg13 : memref<!tpu.dma_semaphore, #tpu.memory_space<semaphore_mem>>) src(%arg8 : memref<128x128xf32, #tpu.memory_space<vmem>>) dst(%dma_wait3A_349 : memref<10240x128xf32, #tpu.memory_space<vmem_shared>>)
      %add3A_350 = arith.constant 1 : i32
      %add3A_351 = arith.addi %add3A_311, %add3A_350 : i32
      %lt3A = arith.constant 40 : i32
      %lt3A_352 = arith.cmpi slt, %add3A_351, %lt3A : i32
      %convert_element_type3A_353 = arith.extui %lt3A_352 : i1 to i32
      %cond3A_354 = arith.constant 0 : i32
      %cond3A_355 = arith.cmpi ne, %convert_element_type3A_353, %cond3A_354 : i32
      scf.if %cond3A_355 {
        %add3A_356 = arith.constant 1 : i32
        %add3A_357 = arith.addi %add3A_311, %add3A_356 : i32
        %dma_start3A_358 = arith.constant 0 : i32
        %dma_start3A_359 = tpu.memref_slice %arg6[%add3A_357, %dma_start3A_358] : memref<40x128xi32, #tpu.memory_space<vmem>> -> memref<1x128xi32, #tpu.memory_space<vmem>>
        %dma_start3A_360 = tpu.memref_squeeze %dma_start3A_359 : memref<1x128xi32, #tpu.memory_space<vmem>> -> memref<128xi32, #tpu.memory_space<vmem>>
        %dma_start3A_361 = arith.constant 0 : i32
        %dma_start3A_362 = arith.constant 0 : i32
        %dma_start3A_363 = tpu.memref_slice %arg2[%dma_start3A_361, %dma_start3A_362] : memref<10000x128xf32, #tpu.memory_space<hbm>> -> memref<10000x128xf32, #tpu.memory_space<hbm>>
        tpu.enqueue_indirect_dma source(%dma_start3A_363 : memref<10000x128xf32, #tpu.memory_space<hbm>>) target(%arg8 : memref<128x128xf32, #tpu.memory_space<vmem>>) offsets(%dma_start3A_360 : memref<128xi32, #tpu.memory_space<vmem>>) semaphore(%arg11 : memref<!tpu.dma_semaphore, #tpu.memory_space<semaphore_mem>>)
      } else {
      }
    }
    %scan3A_173 = arith.constant 20 : i32
    %dma_wait3A_174 = arith.constant 39 : i32
    %dma_wait3A_175 = arith.constant 0 : i32
    %dma_wait3A_176 = tpu.memref_slice %arg7[%dma_wait3A_174, %dma_wait3A_175] : memref<40x128xi32, #tpu.memory_space<vmem>> -> memref<1x128xi32, #tpu.memory_space<vmem>>
    %dma_wait3A_177 = tpu.memref_squeeze %dma_wait3A_176 : memref<1x128xi32, #tpu.memory_space<vmem>> -> memref<128xi32, #tpu.memory_space<vmem>>
    %dma_wait3A_178 = arith.constant 0 : i32
    %dma_wait3A_179 = arith.constant 0 : i32
    %dma_wait3A_180 = tpu.memref_slice %arg10[%dma_wait3A_178, %dma_wait3A_179] : memref<10240x128xf32, #tpu.memory_space<vmem_shared>> -> memref<10240x128xf32, #tpu.memory_space<vmem_shared>>
    tpu.wait_indirect_dma semaphore(%arg14 : memref<!tpu.dma_semaphore, #tpu.memory_space<semaphore_mem>>) src(%arg9 : memref<128x128xf32, #tpu.memory_space<vmem>>) dst(%dma_wait3A_180 : memref<10240x128xf32, #tpu.memory_space<vmem_shared>>)
    %barrier3A_181 = arith.constant 0 : index
    tpu.barrier barrier_id(%barrier3A_181)
    %mul3A_182 = arith.constant 640 : i32
    %mul3A_183 = arith.muli %arg1, %mul3A_182 : i32
    %add3A_184 = arith.constant 0 : i32
    %add3A_185 = arith.addi %mul3A_183, %add3A_184 : i32
    %multiple_of3A_186 = tpu.assume_multiple %add3A_185, 128 : i32
    %mul3A_187 = arith.constant 640 : i32
    %mul3A_188 = arith.muli %arg1, %mul3A_187 : i32
    %add3A_189 = arith.constant 128 : i32
    %add3A_190 = arith.addi %mul3A_188, %add3A_189 : i32
    %multiple_of3A_191 = tpu.assume_multiple %add3A_190, 128 : i32
    %mul3A_192 = arith.constant 640 : i32
    %mul3A_193 = arith.muli %arg1, %mul3A_192 : i32
    %add3A_194 = arith.constant 256 : i32
    %add3A_195 = arith.addi %mul3A_193, %add3A_194 : i32
    %multiple_of3A_196 = tpu.assume_multiple %add3A_195, 128 : i32
    %mul3A_197 = arith.constant 640 : i32
    %mul3A_198 = arith.muli %arg1, %mul3A_197 : i32
    %add3A_199 = arith.constant 384 : i32
    %add3A_200 = arith.addi %mul3A_198, %add3A_199 : i32
    %multiple_of3A_201 = tpu.assume_multiple %add3A_200, 128 : i32
    %mul3A_202 = arith.constant 640 : i32
    %mul3A_203 = arith.muli %arg1, %mul3A_202 : i32
    %add3A_204 = arith.constant 512 : i32
    %add3A_205 = arith.addi %mul3A_203, %add3A_204 : i32
    %multiple_of3A_206 = tpu.assume_multiple %add3A_205, 128 : i32
    %dma_start3A_207 = arith.constant 0 : i32
    %dma_start3A_208 = tpu.memref_slice %arg10[%multiple_of3A_186, %dma_start3A_207] : memref<10240x128xf32, #tpu.memory_space<vmem_shared>> -> memref<128x128xf32, #tpu.memory_space<vmem_shared>>
    %dma_start3A_209 = arith.constant 0 : i32
    %dma_start3A_210 = tpu.memref_slice %arg10[%multiple_of3A_186, %dma_start3A_209] : memref<10240x128xf32, #tpu.memory_space<vmem_shared>> -> memref<128x128xf32, #tpu.memory_space<vmem_shared>>
    tpu.enqueue_dma source(%dma_start3A_210 : memref<128x128xf32, #tpu.memory_space<vmem_shared>>) target(%arg8 : memref<128x128xf32, #tpu.memory_space<vmem>>) target_semaphore(%arg11 : memref<!tpu.dma_semaphore, #tpu.memory_space<semaphore_mem>>)
    %dma_wait3A_211 = arith.constant 0 : i32
    %dma_wait3A_212 = tpu.memref_slice %arg10[%multiple_of3A_186, %dma_wait3A_211] : memref<10240x128xf32, #tpu.memory_space<vmem_shared>> -> memref<128x128xf32, #tpu.memory_space<vmem_shared>>
    %dma_wait3A_213 = arith.constant 0 : i32
    %dma_wait3A_214 = tpu.memref_slice %arg10[%multiple_of3A_186, %dma_wait3A_213] : memref<10240x128xf32, #tpu.memory_space<vmem_shared>> -> memref<128x128xf32, #tpu.memory_space<vmem_shared>>
    tpu.wait_dma2 semaphore(%arg11 : memref<!tpu.dma_semaphore, #tpu.memory_space<semaphore_mem>>) src(%dma_wait3A_214 : memref<128x128xf32, #tpu.memory_space<vmem_shared>>) dst(%arg8 : memref<128x128xf32, #tpu.memory_space<vmem>>)
    %dma_start3A_215 = arith.constant 0 : i32
    %dma_start3A_216 = tpu.memref_slice %arg5[%arg0, %multiple_of3A_186, %dma_start3A_215] : memref<2x10240x128xf32, #tpu.memory_space<hbm>> -> memref<1x128x128xf32, #tpu.memory_space<hbm>>
    %dma_start3A_217 = tpu.memref_squeeze %dma_start3A_216 : memref<1x128x128xf32, #tpu.memory_space<hbm>> -> memref<128x128xf32, #tpu.memory_space<hbm>>
    %dma_start3A_218 = arith.constant 0 : i32
    %dma_start3A_219 = tpu.memref_slice %arg5[%arg0, %multiple_of3A_186, %dma_start3A_218] : memref<2x10240x128xf32, #tpu.memory_space<hbm>> -> memref<1x128x128xf32, #tpu.memory_space<hbm>>
    %dma_start3A_220 = tpu.memref_squeeze %dma_start3A_219 : memref<1x128x128xf32, #tpu.memory_space<hbm>> -> memref<128x128xf32, #tpu.memory_space<hbm>>
    tpu.enqueue_dma source(%arg8 : memref<128x128xf32, #tpu.memory_space<vmem>>) target(%dma_start3A_220 : memref<128x128xf32, #tpu.memory_space<hbm>>) target_semaphore(%arg13 : memref<!tpu.dma_semaphore, #tpu.memory_space<semaphore_mem>>)
    %dma_start3A_221 = arith.constant 0 : i32
    %dma_start3A_222 = tpu.memref_slice %arg10[%multiple_of3A_191, %dma_start3A_221] : memref<10240x128xf32, #tpu.memory_space<vmem_shared>> -> memref<128x128xf32, #tpu.memory_space<vmem_shared>>
    %dma_start3A_223 = arith.constant 0 : i32
    %dma_start3A_224 = tpu.memref_slice %arg10[%multiple_of3A_191, %dma_start3A_223] : memref<10240x128xf32, #tpu.memory_space<vmem_shared>> -> memref<128x128xf32, #tpu.memory_space<vmem_shared>>
    tpu.enqueue_dma source(%dma_start3A_224 : memref<128x128xf32, #tpu.memory_space<vmem_shared>>) target(%arg9 : memref<128x128xf32, #tpu.memory_space<vmem>>) target_semaphore(%arg12 : memref<!tpu.dma_semaphore, #tpu.memory_space<semaphore_mem>>)
    %dma_wait3A_225 = arith.constant 0 : i32
    %dma_wait3A_226 = tpu.memref_slice %arg10[%multiple_of3A_191, %dma_wait3A_225] : memref<10240x128xf32, #tpu.memory_space<vmem_shared>> -> memref<128x128xf32, #tpu.memory_space<vmem_shared>>
    %dma_wait3A_227 = arith.constant 0 : i32
    %dma_wait3A_228 = tpu.memref_slice %arg10[%multiple_of3A_191, %dma_wait3A_227] : memref<10240x128xf32, #tpu.memory_space<vmem_shared>> -> memref<128x128xf32, #tpu.memory_space<vmem_shared>>
    tpu.wait_dma2 semaphore(%arg12 : memref<!tpu.dma_semaphore, #tpu.memory_space<semaphore_mem>>) src(%dma_wait3A_228 : memref<128x128xf32, #tpu.memory_space<vmem_shared>>) dst(%arg9 : memref<128x128xf32, #tpu.memory_space<vmem>>)
    %dma_wait3A_229 = arith.constant 0 : i32
    %dma_wait3A_230 = tpu.memref_slice %arg5[%arg0, %multiple_of3A_186, %dma_wait3A_229] : memref<2x10240x128xf32, #tpu.memory_space<hbm>> -> memref<1x128x128xf32, #tpu.memory_space<hbm>>
    %dma_wait3A_231 = tpu.memref_squeeze %dma_wait3A_230 : memref<1x128x128xf32, #tpu.memory_space<hbm>> -> memref<128x128xf32, #tpu.memory_space<hbm>>
    %dma_wait3A_232 = arith.constant 0 : i32
    %dma_wait3A_233 = tpu.memref_slice %arg5[%arg0, %multiple_of3A_186, %dma_wait3A_232] : memref<2x10240x128xf32, #tpu.memory_space<hbm>> -> memref<1x128x128xf32, #tpu.memory_space<hbm>>
    %dma_wait3A_234 = tpu.memref_squeeze %dma_wait3A_233 : memref<1x128x128xf32, #tpu.memory_space<hbm>> -> memref<128x128xf32, #tpu.memory_space<hbm>>
    tpu.wait_dma2 semaphore(%arg13 : memref<!tpu.dma_semaphore, #tpu.memory_space<semaphore_mem>>) src(%arg8 : memref<128x128xf32, #tpu.memory_space<vmem>>) dst(%dma_wait3A_234 : memref<128x128xf32, #tpu.memory_space<hbm>>)
    %dma_start3A_235 = arith.constant 0 : i32
    %dma_start3A_236 = tpu.memref_slice %arg5[%arg0, %multiple_of3A_191, %dma_start3A_235] : memref<2x10240x128xf32, #tpu.memory_space<hbm>> -> memref<1x128x128xf32, #tpu.memory_space<hbm>>
    %dma_start3A_237 = tpu.memref_squeeze %dma_start3A_236 : memref<1x128x128xf32, #tpu.memory_space<hbm>> -> memref<128x128xf32, #tpu.memory_space<hbm>>
    %dma_start3A_238 = arith.constant 0 : i32
    %dma_start3A_239 = tpu.memref_slice %arg5[%arg0, %multiple_of3A_191, %dma_start3A_238] : memref<2x10240x128xf32, #tpu.memory_space<hbm>> -> memref<1x128x128xf32, #tpu.memory_space<hbm>>
    %dma_start3A_240 = tpu.memref_squeeze %dma_start3A_239 : memref<1x128x128xf32, #tpu.memory_space<hbm>> -> memref<128x128xf32, #tpu.memory_space<hbm>>
    tpu.enqueue_dma source(%arg9 : memref<128x128xf32, #tpu.memory_space<vmem>>) target(%dma_start3A_240 : memref<128x128xf32, #tpu.memory_space<hbm>>) target_semaphore(%arg14 : memref<!tpu.dma_semaphore, #tpu.memory_space<semaphore_mem>>)
    %dma_start3A_241 = arith.constant 0 : i32
    %dma_start3A_242 = tpu.memref_slice %arg10[%multiple_of3A_196, %dma_start3A_241] : memref<10240x128xf32, #tpu.memory_space<vmem_shared>> -> memref<128x128xf32, #tpu.memory_space<vmem_shared>>
    %dma_start3A_243 = arith.constant 0 : i32
    %dma_start3A_244 = tpu.memref_slice %arg10[%multiple_of3A_196, %dma_start3A_243] : memref<10240x128xf32, #tpu.memory_space<vmem_shared>> -> memref<128x128xf32, #tpu.memory_space<vmem_shared>>
    tpu.enqueue_dma source(%dma_start3A_244 : memref<128x128xf32, #tpu.memory_space<vmem_shared>>) target(%arg8 : memref<128x128xf32, #tpu.memory_space<vmem>>) target_semaphore(%arg11 : memref<!tpu.dma_semaphore, #tpu.memory_space<semaphore_mem>>)
    %dma_wait3A_245 = arith.constant 0 : i32
    %dma_wait3A_246 = tpu.memref_slice %arg10[%multiple_of3A_196, %dma_wait3A_245] : memref<10240x128xf32, #tpu.memory_space<vmem_shared>> -> memref<128x128xf32, #tpu.memory_space<vmem_shared>>
    %dma_wait3A_247 = arith.constant 0 : i32
    %dma_wait3A_248 = tpu.memref_slice %arg10[%multiple_of3A_196, %dma_wait3A_247] : memref<10240x128xf32, #tpu.memory_space<vmem_shared>> -> memref<128x128xf32, #tpu.memory_space<vmem_shared>>
    tpu.wait_dma2 semaphore(%arg11 : memref<!tpu.dma_semaphore, #tpu.memory_space<semaphore_mem>>) src(%dma_wait3A_248 : memref<128x128xf32, #tpu.memory_space<vmem_shared>>) dst(%arg8 : memref<128x128xf32, #tpu.memory_space<vmem>>)
    %dma_wait3A_249 = arith.constant 0 : i32
    %dma_wait3A_250 = tpu.memref_slice %arg5[%arg0, %multiple_of3A_191, %dma_wait3A_249] : memref<2x10240x128xf32, #tpu.memory_space<hbm>> -> memref<1x128x128xf32, #tpu.memory_space<hbm>>
    %dma_wait3A_251 = tpu.memref_squeeze %dma_wait3A_250 : memref<1x128x128xf32, #tpu.memory_space<hbm>> -> memref<128x128xf32, #tpu.memory_space<hbm>>
    %dma_wait3A_252 = arith.constant 0 : i32
    %dma_wait3A_253 = tpu.memref_slice %arg5[%arg0, %multiple_of3A_191, %dma_wait3A_252] : memref<2x10240x128xf32, #tpu.memory_space<hbm>> -> memref<1x128x128xf32, #tpu.memory_space<hbm>>
    %dma_wait3A_254 = tpu.memref_squeeze %dma_wait3A_253 : memref<1x128x128xf32, #tpu.memory_space<hbm>> -> memref<128x128xf32, #tpu.memory_space<hbm>>
    tpu.wait_dma2 semaphore(%arg14 : memref<!tpu.dma_semaphore, #tpu.memory_space<semaphore_mem>>) src(%arg9 : memref<128x128xf32, #tpu.memory_space<vmem>>) dst(%dma_wait3A_254 : memref<128x128xf32, #tpu.memory_space<hbm>>)
    %dma_start3A_255 = arith.constant 0 : i32
    %dma_start3A_256 = tpu.memref_slice %arg5[%arg0, %multiple_of3A_196, %dma_start3A_255] : memref<2x10240x128xf32, #tpu.memory_space<hbm>> -> memref<1x128x128xf32, #tpu.memory_space<hbm>>
    %dma_start3A_257 = tpu.memref_squeeze %dma_start3A_256 : memref<1x128x128xf32, #tpu.memory_space<hbm>> -> memref<128x128xf32, #tpu.memory_space<hbm>>
    %dma_start3A_258 = arith.constant 0 : i32
    %dma_start3A_259 = tpu.memref_slice %arg5[%arg0, %multiple_of3A_196, %dma_start3A_258] : memref<2x10240x128xf32, #tpu.memory_space<hbm>> -> memref<1x128x128xf32, #tpu.memory_space<hbm>>
    %dma_start3A_260 = tpu.memref_squeeze %dma_start3A_259 : memref<1x128x128xf32, #tpu.memory_space<hbm>> -> memref<128x128xf32, #tpu.memory_space<hbm>>
    tpu.enqueue_dma source(%arg8 : memref<128x128xf32, #tpu.memory_space<vmem>>) target(%dma_start3A_260 : memref<128x128xf32, #tpu.memory_space<hbm>>) target_semaphore(%arg13 : memref<!tpu.dma_semaphore, #tpu.memory_space<semaphore_mem>>)
    %dma_start3A_261 = arith.constant 0 : i32
    %dma_start3A_262 = tpu.memref_slice %arg10[%multiple_of3A_201, %dma_start3A_261] : memref<10240x128xf32, #tpu.memory_space<vmem_shared>> -> memref<128x128xf32, #tpu.memory_space<vmem_shared>>
    %dma_start3A_263 = arith.constant 0 : i32
    %dma_start3A_264 = tpu.memref_slice %arg10[%multiple_of3A_201, %dma_start3A_263] : memref<10240x128xf32, #tpu.memory_space<vmem_shared>> -> memref<128x128xf32, #tpu.memory_space<vmem_shared>>
    tpu.enqueue_dma source(%dma_start3A_264 : memref<128x128xf32, #tpu.memory_space<vmem_shared>>) target(%arg9 : memref<128x128xf32, #tpu.memory_space<vmem>>) target_semaphore(%arg12 : memref<!tpu.dma_semaphore, #tpu.memory_space<semaphore_mem>>)
    %dma_wait3A_265 = arith.constant 0 : i32
    %dma_wait3A_266 = tpu.memref_slice %arg10[%multiple_of3A_201, %dma_wait3A_265] : memref<10240x128xf32, #tpu.memory_space<vmem_shared>> -> memref<128x128xf32, #tpu.memory_space<vmem_shared>>
    %dma_wait3A_267 = arith.constant 0 : i32
    %dma_wait3A_268 = tpu.memref_slice %arg10[%multiple_of3A_201, %dma_wait3A_267] : memref<10240x128xf32, #tpu.memory_space<vmem_shared>> -> memref<128x128xf32, #tpu.memory_space<vmem_shared>>
    tpu.wait_dma2 semaphore(%arg12 : memref<!tpu.dma_semaphore, #tpu.memory_space<semaphore_mem>>) src(%dma_wait3A_268 : memref<128x128xf32, #tpu.memory_space<vmem_shared>>) dst(%arg9 : memref<128x128xf32, #tpu.memory_space<vmem>>)
    %dma_wait3A_269 = arith.constant 0 : i32
    %dma_wait3A_270 = tpu.memref_slice %arg5[%arg0, %multiple_of3A_196, %dma_wait3A_269] : memref<2x10240x128xf32, #tpu.memory_space<hbm>> -> memref<1x128x128xf32, #tpu.memory_space<hbm>>
    %dma_wait3A_271 = tpu.memref_squeeze %dma_wait3A_270 : memref<1x128x128xf32, #tpu.memory_space<hbm>> -> memref<128x128xf32, #tpu.memory_space<hbm>>
    %dma_wait3A_272 = arith.constant 0 : i32
    %dma_wait3A_273 = tpu.memref_slice %arg5[%arg0, %multiple_of3A_196, %dma_wait3A_272] : memref<2x10240x128xf32, #tpu.memory_space<hbm>> -> memref<1x128x128xf32, #tpu.memory_space<hbm>>
    %dma_wait3A_274 = tpu.memref_squeeze %dma_wait3A_273 : memref<1x128x128xf32, #tpu.memory_space<hbm>> -> memref<128x128xf32, #tpu.memory_space<hbm>>
    tpu.wait_dma2 semaphore(%arg13 : memref<!tpu.dma_semaphore, #tpu.memory_space<semaphore_mem>>) src(%arg8 : memref<128x128xf32, #tpu.memory_space<vmem>>) dst(%dma_wait3A_274 : memref<128x128xf32, #tpu.memory_space<hbm>>)
    %dma_start3A_275 = arith.constant 0 : i32
    %dma_start3A_276 = tpu.memref_slice %arg5[%arg0, %multiple_of3A_201, %dma_start3A_275] : memref<2x10240x128xf32, #tpu.memory_space<hbm>> -> memref<1x128x128xf32, #tpu.memory_space<hbm>>
    %dma_start3A_277 = tpu.memref_squeeze %dma_start3A_276 : memref<1x128x128xf32, #tpu.memory_space<hbm>> -> memref<128x128xf32, #tpu.memory_space<hbm>>
    %dma_start3A_278 = arith.constant 0 : i32
    %dma_start3A_279 = tpu.memref_slice %arg5[%arg0, %multiple_of3A_201, %dma_start3A_278] : memref<2x10240x128xf32, #tpu.memory_space<hbm>> -> memref<1x128x128xf32, #tpu.memory_space<hbm>>
    %dma_start3A_280 = tpu.memref_squeeze %dma_start3A_279 : memref<1x128x128xf32, #tpu.memory_space<hbm>> -> memref<128x128xf32, #tpu.memory_space<hbm>>
    tpu.enqueue_dma source(%arg9 : memref<128x128xf32, #tpu.memory_space<vmem>>) target(%dma_start3A_280 : memref<128x128xf32, #tpu.memory_space<hbm>>) target_semaphore(%arg14 : memref<!tpu.dma_semaphore, #tpu.memory_space<semaphore_mem>>)
    %dma_start3A_281 = arith.constant 0 : i32
    %dma_start3A_282 = tpu.memref_slice %arg10[%multiple_of3A_206, %dma_start3A_281] : memref<10240x128xf32, #tpu.memory_space<vmem_shared>> -> memref<128x128xf32, #tpu.memory_space<vmem_shared>>
    %dma_start3A_283 = arith.constant 0 : i32
    %dma_start3A_284 = tpu.memref_slice %arg10[%multiple_of3A_206, %dma_start3A_283] : memref<10240x128xf32, #tpu.memory_space<vmem_shared>> -> memref<128x128xf32, #tpu.memory_space<vmem_shared>>
    tpu.enqueue_dma source(%dma_start3A_284 : memref<128x128xf32, #tpu.memory_space<vmem_shared>>) target(%arg8 : memref<128x128xf32, #tpu.memory_space<vmem>>) target_semaphore(%arg11 : memref<!tpu.dma_semaphore, #tpu.memory_space<semaphore_mem>>)
    %dma_wait3A_285 = arith.constant 0 : i32
    %dma_wait3A_286 = tpu.memref_slice %arg10[%multiple_of3A_206, %dma_wait3A_285] : memref<10240x128xf32, #tpu.memory_space<vmem_shared>> -> memref<128x128xf32, #tpu.memory_space<vmem_shared>>
    %dma_wait3A_287 = arith.constant 0 : i32
    %dma_wait3A_288 = tpu.memref_slice %arg10[%multiple_of3A_206, %dma_wait3A_287] : memref<10240x128xf32, #tpu.memory_space<vmem_shared>> -> memref<128x128xf32, #tpu.memory_space<vmem_shared>>
    tpu.wait_dma2 semaphore(%arg11 : memref<!tpu.dma_semaphore, #tpu.memory_space<semaphore_mem>>) src(%dma_wait3A_288 : memref<128x128xf32, #tpu.memory_space<vmem_shared>>) dst(%arg8 : memref<128x128xf32, #tpu.memory_space<vmem>>)
    %dma_wait3A_289 = arith.constant 0 : i32
    %dma_wait3A_290 = tpu.memref_slice %arg5[%arg0, %multiple_of3A_201, %dma_wait3A_289] : memref<2x10240x128xf32, #tpu.memory_space<hbm>> -> memref<1x128x128xf32, #tpu.memory_space<hbm>>
    %dma_wait3A_291 = tpu.memref_squeeze %dma_wait3A_290 : memref<1x128x128xf32, #tpu.memory_space<hbm>> -> memref<128x128xf32, #tpu.memory_space<hbm>>
    %dma_wait3A_292 = arith.constant 0 : i32
    %dma_wait3A_293 = tpu.memref_slice %arg5[%arg0, %multiple_of3A_201, %dma_wait3A_292] : memref<2x10240x128xf32, #tpu.memory_space<hbm>> -> memref<1x128x128xf32, #tpu.memory_space<hbm>>
    %dma_wait3A_294 = tpu.memref_squeeze %dma_wait3A_293 : memref<1x128x128xf32, #tpu.memory_space<hbm>> -> memref<128x128xf32, #tpu.memory_space<hbm>>
    tpu.wait_dma2 semaphore(%arg14 : memref<!tpu.dma_semaphore, #tpu.memory_space<semaphore_mem>>) src(%arg9 : memref<128x128xf32, #tpu.memory_space<vmem>>) dst(%dma_wait3A_294 : memref<128x128xf32, #tpu.memory_space<hbm>>)
    %dma_start3A_295 = arith.constant 0 : i32
    %dma_start3A_296 = tpu.memref_slice %arg5[%arg0, %multiple_of3A_206, %dma_start3A_295] : memref<2x10240x128xf32, #tpu.memory_space<hbm>> -> memref<1x128x128xf32, #tpu.memory_space<hbm>>
    %dma_start3A_297 = tpu.memref_squeeze %dma_start3A_296 : memref<1x128x128xf32, #tpu.memory_space<hbm>> -> memref<128x128xf32, #tpu.memory_space<hbm>>
    %dma_start3A_298 = arith.constant 0 : i32
    %dma_start3A_299 = tpu.memref_slice %arg5[%arg0, %multiple_of3A_206, %dma_start3A_298] : memref<2x10240x128xf32, #tpu.memory_space<hbm>> -> memref<1x128x128xf32, #tpu.memory_space<hbm>>
    %dma_start3A_300 = tpu.memref_squeeze %dma_start3A_299 : memref<1x128x128xf32, #tpu.memory_space<hbm>> -> memref<128x128xf32, #tpu.memory_space<hbm>>
    tpu.enqueue_dma source(%arg8 : memref<128x128xf32, #tpu.memory_space<vmem>>) target(%dma_start3A_300 : memref<128x128xf32, #tpu.memory_space<hbm>>) target_semaphore(%arg13 : memref<!tpu.dma_semaphore, #tpu.memory_space<semaphore_mem>>)
    %dma_wait3A_301 = arith.constant 0 : i32
    %dma_wait3A_302 = tpu.memref_slice %arg5[%arg0, %multiple_of3A_206, %dma_wait3A_301] : memref<2x10240x128xf32, #tpu.memory_space<hbm>> -> memref<1x128x128xf32, #tpu.memory_space<hbm>>
    %dma_wait3A_303 = tpu.memref_squeeze %dma_wait3A_302 : memref<1x128x128xf32, #tpu.memory_space<hbm>> -> memref<128x128xf32, #tpu.memory_space<hbm>>
    %dma_wait3A_304 = arith.constant 0 : i32
    %dma_wait3A_305 = tpu.memref_slice %arg5[%arg0, %multiple_of3A_206, %dma_wait3A_304] : memref<2x10240x128xf32, #tpu.memory_space<hbm>> -> memref<1x128x128xf32, #tpu.memory_space<hbm>>
    %dma_wait3A_306 = tpu.memref_squeeze %dma_wait3A_305 : memref<1x128x128xf32, #tpu.memory_space<hbm>> -> memref<128x128xf32, #tpu.memory_space<hbm>>
    tpu.wait_dma2 semaphore(%arg13 : memref<!tpu.dma_semaphore, #tpu.memory_space<semaphore_mem>>) src(%arg8 : memref<128x128xf32, #tpu.memory_space<vmem>>) dst(%dma_wait3A_306 : memref<128x128xf32, #tpu.memory_space<hbm>>)
    return
  }
}

#map = affine_map<(d0, d1) -> (0, 0)>
#map1 = affine_map<(d0, d1) -> (0, 0, 0)>
module attributes {stable_mosaic.version = 14 : i64} {
  func.func @k(%arg0: i32, %arg1: i32, %arg2: memref<10000x128xf32, #tpu.memory_space<hbm>>, %arg3: memref<32x80x128xi32, #tpu.memory_space<hbm>>, %arg4: memref<32x80x128xi32, #tpu.memory_space<hbm>>, %arg5: memref<2x10240x128xf32, #tpu.memory_space<hbm>>, %arg6: memref<40x128xi32, #tpu.memory_space<vmem>>, %arg7: memref<40x128xi32, #tpu.memory_space<vmem>>, %arg8: memref<128x128xf32, #tpu.memory_space<vmem>>, %arg9: memref<128x128xf32, #tpu.memory_space<vmem>>, %arg10: memref<10240x128xf32, #tpu.memory_space<vmem_shared>>, %arg11: memref<!tpu.dma_semaphore, #tpu.memory_space<semaphore_mem>>, %arg12: memref<!tpu.dma_semaphore, #tpu.memory_space<semaphore_mem>>, %arg13: memref<!tpu.dma_semaphore, #tpu.memory_space<semaphore_mem>>, %arg14: memref<!tpu.dma_semaphore, #tpu.memory_space<semaphore_mem>>) attributes {dimension_semantics = [#tpu.dimension_semantics<core_parallel>, #tpu.dimension_semantics<subcore_parallel>], iteration_bounds = array<i64: 2, 16>, scalar_prefetch = 0 : i64, scratch_operands = 9 : i64, tpu.core_type = #tpu.core_type<sc_vector_subcore>, window_params = [{transform_indices = #map}, {transform_indices = #map1}, {transform_indices = #map1}, {transform_indices = #map1}]} {
    %mul3A = arith.constant 2 : i32
    %mul3A_0 = arith.muli %arg1, %mul3A : i32
    %add3A = arith.addi %mul3A_0, %arg0 : i32
    %dma_start3A = arith.constant 0 : i32
    %dma_start3A_1 = arith.constant 0 : i32
    %dma_start3A_2 = tpu.memref_slice %arg3[%add3A, %dma_start3A, %dma_start3A_1] : memref<32x80x128xi32, #tpu.memory_space<hbm>> -> memref<1x40x128xi32, #tpu.memory_space<hbm>>
    %dma_start3A_3 = tpu.memref_squeeze %dma_start3A_2 : memref<1x40x128xi32, #tpu.memory_space<hbm>> -> memref<40x128xi32, #tpu.memory_space<hbm>>
    %dma_start3A_4 = arith.constant 0 : i32
    %dma_start3A_5 = arith.constant 0 : i32
    %dma_start3A_6 = tpu.memref_slice %arg3[%add3A, %dma_start3A_4, %dma_start3A_5] : memref<32x80x128xi32, #tpu.memory_space<hbm>> -> memref<1x40x128xi32, #tpu.memory_space<hbm>>
    %dma_start3A_7 = tpu.memref_squeeze %dma_start3A_6 : memref<1x40x128xi32, #tpu.memory_space<hbm>> -> memref<40x128xi32, #tpu.memory_space<hbm>>
    tpu.enqueue_dma source(%dma_start3A_7 : memref<40x128xi32, #tpu.memory_space<hbm>>) target(%arg6 : memref<40x128xi32, #tpu.memory_space<vmem>>) target_semaphore(%arg11 : memref<!tpu.dma_semaphore, #tpu.memory_space<semaphore_mem>>)
    %dma_start3A_8 = arith.constant 0 : i32
    %dma_start3A_9 = arith.constant 0 : i32
    %dma_start3A_10 = tpu.memref_slice %arg4[%add3A, %dma_start3A_8, %dma_start3A_9] : memref<32x80x128xi32, #tpu.memory_space<hbm>> -> memref<1x40x128xi32, #tpu.memory_space<hbm>>
    %dma_start3A_11 = tpu.memref_squeeze %dma_start3A_10 : memref<1x40x128xi32, #tpu.memory_space<hbm>> -> memref<40x128xi32, #tpu.memory_space<hbm>>
    %dma_start3A_12 = arith.constant 0 : i32
    %dma_start3A_13 = arith.constant 0 : i32
    %dma_start3A_14 = tpu.memref_slice %arg4[%add3A, %dma_start3A_12, %dma_start3A_13] : memref<32x80x128xi32, #tpu.memory_space<hbm>> -> memref<1x40x128xi32, #tpu.memory_space<hbm>>
    %dma_start3A_15 = tpu.memref_squeeze %dma_start3A_14 : memref<1x40x128xi32, #tpu.memory_space<hbm>> -> memref<40x128xi32, #tpu.memory_space<hbm>>
    tpu.enqueue_dma source(%dma_start3A_15 : memref<40x128xi32, #tpu.memory_space<hbm>>) target(%arg7 : memref<40x128xi32, #tpu.memory_space<vmem>>) target_semaphore(%arg12 : memref<!tpu.dma_semaphore, #tpu.memory_space<semaphore_mem>>)
    %scan3A = arith.constant 0 : i32
    %scan3A_16 = arith.constant 0 : i32
    %scan3A_17 = arith.constant 1024 : i32
    %scan3A_18 = arith.addi %scan3A_16, %scan3A_17 : i32
    %scan3A_19 = arith.constant 1 : i32
    scf.for %scan3A_307 = %scan3A_16 to %scan3A_18 step %scan3A_19  : i32 {
      %shift_right_arithmetic3A = arith.constant 3 : i32
      %shift_right_arithmetic3A_308 = arith.shrsi %scan3A_307, %shift_right_arithmetic3A : i32
      %and3A = arith.constant 7 : i32
      %and3A_309 = arith.andi %scan3A_307, %and3A : i32
      %shift_left3A = arith.constant 4 : i32
      %shift_left3A_310 = arith.shli %and3A_309, %shift_left3A : i32
      %broadcast_in_dim3A = arith.constant 0.000000e+00 : f32
      %broadcast_in_dim3A_311 = vector.broadcast %broadcast_in_dim3A : f32 to vector<16xf32>
      %swap3A = arith.index_cast %shift_right_arithmetic3A_308 : i32 to index
      %swap3A_312 = arith.index_cast %shift_left3A_310 : i32 to index
      %swap3A_313 = tpu.vector_load %arg8[%swap3A, %swap3A_312] {strides = array<i32>} : memref<128x128xf32, #tpu.memory_space<vmem>>, vector<1x16xf32>,
      %swap3A_314 = vector.shape_cast %swap3A_313 : vector<1x16xf32> to vector<16xf32>
      %swap3A_315 = vector.shape_cast %broadcast_in_dim3A_311 : vector<16xf32> to vector<1x16xf32>
      tpu.vector_store %arg8[%swap3A, %swap3A_312], %swap3A_315 {strides = array<i32>} : memref<128x128xf32, #tpu.memory_space<vmem>>, vector<1x16xf32>,
    }
    %scan3A_20 = arith.constant 1024 : i32
    %mul3A_21 = arith.constant 640 : i32
    %mul3A_22 = arith.muli %arg1, %mul3A_21 : i32
    %add3A_23 = arith.constant 0 : i32
    %add3A_24 = arith.addi %mul3A_22, %add3A_23 : i32
    %multiple_of3A = tpu.assume_multiple %add3A_24, 128 : i32
    %dma_start3A_25 = arith.constant 0 : i32
    %dma_start3A_26 = tpu.memref_slice %arg10[%multiple_of3A, %dma_start3A_25] : memref<10240x128xf32, #tpu.memory_space<vmem_shared>> -> memref<128x128xf32, #tpu.memory_space<vmem_shared>>
    %dma_start3A_27 = arith.constant 0 : i32
    %dma_start3A_28 = tpu.memref_slice %arg10[%multiple_of3A, %dma_start3A_27] : memref<10240x128xf32, #tpu.memory_space<vmem_shared>> -> memref<128x128xf32, #tpu.memory_space<vmem_shared>>
    tpu.enqueue_dma source(%arg8 : memref<128x128xf32, #tpu.memory_space<vmem>>) target(%dma_start3A_28 : memref<128x128xf32, #tpu.memory_space<vmem_shared>>) target_semaphore(%arg13 : memref<!tpu.dma_semaphore, #tpu.memory_space<semaphore_mem>>)
    %mul3A_29 = arith.constant 640 : i32
    %mul3A_30 = arith.muli %arg1, %mul3A_29 : i32
    %add3A_31 = arith.constant 128 : i32
    %add3A_32 = arith.addi %mul3A_30, %add3A_31 : i32
    %multiple_of3A_33 = tpu.assume_multiple %add3A_32, 128 : i32
    %dma_start3A_34 = arith.constant 0 : i32
    %dma_start3A_35 = tpu.memref_slice %arg10[%multiple_of3A_33, %dma_start3A_34] : memref<10240x128xf32, #tpu.memory_space<vmem_shared>> -> memref<128x128xf32, #tpu.memory_space<vmem_shared>>
    %dma_start3A_36 = arith.constant 0 : i32
    %dma_start3A_37 = tpu.memref_slice %arg10[%multiple_of3A_33, %dma_start3A_36] : memref<10240x128xf32, #tpu.memory_space<vmem_shared>> -> memref<128x128xf32, #tpu.memory_space<vmem_shared>>
    tpu.enqueue_dma source(%arg8 : memref<128x128xf32, #tpu.memory_space<vmem>>) target(%dma_start3A_37 : memref<128x128xf32, #tpu.memory_space<vmem_shared>>) target_semaphore(%arg13 : memref<!tpu.dma_semaphore, #tpu.memory_space<semaphore_mem>>)
    %mul3A_38 = arith.constant 640 : i32
    %mul3A_39 = arith.muli %arg1, %mul3A_38 : i32
    %add3A_40 = arith.constant 256 : i32
    %add3A_41 = arith.addi %mul3A_39, %add3A_40 : i32
    %multiple_of3A_42 = tpu.assume_multiple %add3A_41, 128 : i32
    %dma_start3A_43 = arith.constant 0 : i32
    %dma_start3A_44 = tpu.memref_slice %arg10[%multiple_of3A_42, %dma_start3A_43] : memref<10240x128xf32, #tpu.memory_space<vmem_shared>> -> memref<128x128xf32, #tpu.memory_space<vmem_shared>>
    %dma_start3A_45 = arith.constant 0 : i32
    %dma_start3A_46 = tpu.memref_slice %arg10[%multiple_of3A_42, %dma_start3A_45] : memref<10240x128xf32, #tpu.memory_space<vmem_shared>> -> memref<128x128xf32, #tpu.memory_space<vmem_shared>>
    tpu.enqueue_dma source(%arg8 : memref<128x128xf32, #tpu.memory_space<vmem>>) target(%dma_start3A_46 : memref<128x128xf32, #tpu.memory_space<vmem_shared>>) target_semaphore(%arg13 : memref<!tpu.dma_semaphore, #tpu.memory_space<semaphore_mem>>)
    %mul3A_47 = arith.constant 640 : i32
    %mul3A_48 = arith.muli %arg1, %mul3A_47 : i32
    %add3A_49 = arith.constant 384 : i32
    %add3A_50 = arith.addi %mul3A_48, %add3A_49 : i32
    %multiple_of3A_51 = tpu.assume_multiple %add3A_50, 128 : i32
    %dma_start3A_52 = arith.constant 0 : i32
    %dma_start3A_53 = tpu.memref_slice %arg10[%multiple_of3A_51, %dma_start3A_52] : memref<10240x128xf32, #tpu.memory_space<vmem_shared>> -> memref<128x128xf32, #tpu.memory_space<vmem_shared>>
    %dma_start3A_54 = arith.constant 0 : i32
    %dma_start3A_55 = tpu.memref_slice %arg10[%multiple_of3A_51, %dma_start3A_54] : memref<10240x128xf32, #tpu.memory_space<vmem_shared>> -> memref<128x128xf32, #tpu.memory_space<vmem_shared>>
    tpu.enqueue_dma source(%arg8 : memref<128x128xf32, #tpu.memory_space<vmem>>) target(%dma_start3A_55 : memref<128x128xf32, #tpu.memory_space<vmem_shared>>) target_semaphore(%arg13 : memref<!tpu.dma_semaphore, #tpu.memory_space<semaphore_mem>>)
    %mul3A_56 = arith.constant 640 : i32
    %mul3A_57 = arith.muli %arg1, %mul3A_56 : i32
    %add3A_58 = arith.constant 512 : i32
    %add3A_59 = arith.addi %mul3A_57, %add3A_58 : i32
    %multiple_of3A_60 = tpu.assume_multiple %add3A_59, 128 : i32
    %dma_start3A_61 = arith.constant 0 : i32
    %dma_start3A_62 = tpu.memref_slice %arg10[%multiple_of3A_60, %dma_start3A_61] : memref<10240x128xf32, #tpu.memory_space<vmem_shared>> -> memref<128x128xf32, #tpu.memory_space<vmem_shared>>
    %dma_start3A_63 = arith.constant 0 : i32
    %dma_start3A_64 = tpu.memref_slice %arg10[%multiple_of3A_60, %dma_start3A_63] : memref<10240x128xf32, #tpu.memory_space<vmem_shared>> -> memref<128x128xf32, #tpu.memory_space<vmem_shared>>
    tpu.enqueue_dma source(%arg8 : memref<128x128xf32, #tpu.memory_space<vmem>>) target(%dma_start3A_64 : memref<128x128xf32, #tpu.memory_space<vmem_shared>>) target_semaphore(%arg13 : memref<!tpu.dma_semaphore, #tpu.memory_space<semaphore_mem>>)
    %mul3A_65 = arith.constant 640 : i32
    %mul3A_66 = arith.muli %arg1, %mul3A_65 : i32
    %add3A_67 = arith.constant 0 : i32
    %add3A_68 = arith.addi %mul3A_66, %add3A_67 : i32
    %multiple_of3A_69 = tpu.assume_multiple %add3A_68, 128 : i32
    %dma_wait3A = arith.constant 0 : i32
    %dma_wait3A_70 = tpu.memref_slice %arg10[%multiple_of3A_69, %dma_wait3A] : memref<10240x128xf32, #tpu.memory_space<vmem_shared>> -> memref<128x128xf32, #tpu.memory_space<vmem_shared>>
    %dma_wait3A_71 = arith.constant 0 : i32
    %dma_wait3A_72 = tpu.memref_slice %arg10[%multiple_of3A_69, %dma_wait3A_71] : memref<10240x128xf32, #tpu.memory_space<vmem_shared>> -> memref<128x128xf32, #tpu.memory_space<vmem_shared>>
    tpu.wait_dma2 semaphore(%arg13 : memref<!tpu.dma_semaphore, #tpu.memory_space<semaphore_mem>>) src(%arg8 : memref<128x128xf32, #tpu.memory_space<vmem>>) dst(%dma_wait3A_72 : memref<128x128xf32, #tpu.memory_space<vmem_shared>>)
    %mul3A_73 = arith.constant 640 : i32
    %mul3A_74 = arith.muli %arg1, %mul3A_73 : i32
    %add3A_75 = arith.constant 128 : i32
    %add3A_76 = arith.addi %mul3A_74, %add3A_75 : i32
    %multiple_of3A_77 = tpu.assume_multiple %add3A_76, 128 : i32
    %dma_wait3A_78 = arith.constant 0 : i32
    %dma_wait3A_79 = tpu.memref_slice %arg10[%multiple_of3A_77, %dma_wait3A_78] : memref<10240x128xf32, #tpu.memory_space<vmem_shared>> -> memref<128x128xf32, #tpu.memory_space<vmem_shared>>
    %dma_wait3A_80 = arith.constant 0 : i32
    %dma_wait3A_81 = tpu.memref_slice %arg10[%multiple_of3A_77, %dma_wait3A_80] : memref<10240x128xf32, #tpu.memory_space<vmem_shared>> -> memref<128x128xf32, #tpu.memory_space<vmem_shared>>
    tpu.wait_dma2 semaphore(%arg13 : memref<!tpu.dma_semaphore, #tpu.memory_space<semaphore_mem>>) src(%arg8 : memref<128x128xf32, #tpu.memory_space<vmem>>) dst(%dma_wait3A_81 : memref<128x128xf32, #tpu.memory_space<vmem_shared>>)
    %mul3A_82 = arith.constant 640 : i32
    %mul3A_83 = arith.muli %arg1, %mul3A_82 : i32
    %add3A_84 = arith.constant 256 : i32
    %add3A_85 = arith.addi %mul3A_83, %add3A_84 : i32
    %multiple_of3A_86 = tpu.assume_multiple %add3A_85, 128 : i32
    %dma_wait3A_87 = arith.constant 0 : i32
    %dma_wait3A_88 = tpu.memref_slice %arg10[%multiple_of3A_86, %dma_wait3A_87] : memref<10240x128xf32, #tpu.memory_space<vmem_shared>> -> memref<128x128xf32, #tpu.memory_space<vmem_shared>>
    %dma_wait3A_89 = arith.constant 0 : i32
    %dma_wait3A_90 = tpu.memref_slice %arg10[%multiple_of3A_86, %dma_wait3A_89] : memref<10240x128xf32, #tpu.memory_space<vmem_shared>> -> memref<128x128xf32, #tpu.memory_space<vmem_shared>>
    tpu.wait_dma2 semaphore(%arg13 : memref<!tpu.dma_semaphore, #tpu.memory_space<semaphore_mem>>) src(%arg8 : memref<128x128xf32, #tpu.memory_space<vmem>>) dst(%dma_wait3A_90 : memref<128x128xf32, #tpu.memory_space<vmem_shared>>)
    %mul3A_91 = arith.constant 640 : i32
    %mul3A_92 = arith.muli %arg1, %mul3A_91 : i32
    %add3A_93 = arith.constant 384 : i32
    %add3A_94 = arith.addi %mul3A_92, %add3A_93 : i32
    %multiple_of3A_95 = tpu.assume_multiple %add3A_94, 128 : i32
    %dma_wait3A_96 = arith.constant 0 : i32
    %dma_wait3A_97 = tpu.memref_slice %arg10[%multiple_of3A_95, %dma_wait3A_96] : memref<10240x128xf32, #tpu.memory_space<vmem_shared>> -> memref<128x128xf32, #tpu.memory_space<vmem_shared>>
    %dma_wait3A_98 = arith.constant 0 : i32
    %dma_wait3A_99 = tpu.memref_slice %arg10[%multiple_of3A_95, %dma_wait3A_98] : memref<10240x128xf32, #tpu.memory_space<vmem_shared>> -> memref<128x128xf32, #tpu.memory_space<vmem_shared>>
    tpu.wait_dma2 semaphore(%arg13 : memref<!tpu.dma_semaphore, #tpu.memory_space<semaphore_mem>>) src(%arg8 : memref<128x128xf32, #tpu.memory_space<vmem>>) dst(%dma_wait3A_99 : memref<128x128xf32, #tpu.memory_space<vmem_shared>>)
    %mul3A_100 = arith.constant 640 : i32
    %mul3A_101 = arith.muli %arg1, %mul3A_100 : i32
    %add3A_102 = arith.constant 512 : i32
    %add3A_103 = arith.addi %mul3A_101, %add3A_102 : i32
    %multiple_of3A_104 = tpu.assume_multiple %add3A_103, 128 : i32
    %dma_wait3A_105 = arith.constant 0 : i32
    %dma_wait3A_106 = tpu.memref_slice %arg10[%multiple_of3A_104, %dma_wait3A_105] : memref<10240x128xf32, #tpu.memory_space<vmem_shared>> -> memref<128x128xf32, #tpu.memory_space<vmem_shared>>
    %dma_wait3A_107 = arith.constant 0 : i32
    %dma_wait3A_108 = tpu.memref_slice %arg10[%multiple_of3A_104, %dma_wait3A_107] : memref<10240x128xf32, #tpu.memory_space<vmem_shared>> -> memref<128x128xf32, #tpu.memory_space<vmem_shared>>
    tpu.wait_dma2 semaphore(%arg13 : memref<!tpu.dma_semaphore, #tpu.memory_space<semaphore_mem>>) src(%arg8 : memref<128x128xf32, #tpu.memory_space<vmem>>) dst(%dma_wait3A_108 : memref<128x128xf32, #tpu.memory_space<vmem_shared>>)
    %dma_wait3A_109 = arith.constant 0 : i32
    %dma_wait3A_110 = arith.constant 0 : i32
    %dma_wait3A_111 = tpu.memref_slice %arg3[%add3A, %dma_wait3A_109, %dma_wait3A_110] : memref<32x80x128xi32, #tpu.memory_space<hbm>> -> memref<1x40x128xi32, #tpu.memory_space<hbm>>
    %dma_wait3A_112 = tpu.memref_squeeze %dma_wait3A_111 : memref<1x40x128xi32, #tpu.memory_space<hbm>> -> memref<40x128xi32, #tpu.memory_space<hbm>>
    %dma_wait3A_113 = arith.constant 0 : i32
    %dma_wait3A_114 = arith.constant 0 : i32
    %dma_wait3A_115 = tpu.memref_slice %arg3[%add3A, %dma_wait3A_113, %dma_wait3A_114] : memref<32x80x128xi32, #tpu.memory_space<hbm>> -> memref<1x40x128xi32, #tpu.memory_space<hbm>>
    %dma_wait3A_116 = tpu.memref_squeeze %dma_wait3A_115 : memref<1x40x128xi32, #tpu.memory_space<hbm>> -> memref<40x128xi32, #tpu.memory_space<hbm>>
    tpu.wait_dma2 semaphore(%arg11 : memref<!tpu.dma_semaphore, #tpu.memory_space<semaphore_mem>>) src(%dma_wait3A_116 : memref<40x128xi32, #tpu.memory_space<hbm>>) dst(%arg6 : memref<40x128xi32, #tpu.memory_space<vmem>>)
    %dma_wait3A_117 = arith.constant 0 : i32
    %dma_wait3A_118 = arith.constant 0 : i32
    %dma_wait3A_119 = tpu.memref_slice %arg4[%add3A, %dma_wait3A_117, %dma_wait3A_118] : memref<32x80x128xi32, #tpu.memory_space<hbm>> -> memref<1x40x128xi32, #tpu.memory_space<hbm>>
    %dma_wait3A_120 = tpu.memref_squeeze %dma_wait3A_119 : memref<1x40x128xi32, #tpu.memory_space<hbm>> -> memref<40x128xi32, #tpu.memory_space<hbm>>
    %dma_wait3A_121 = arith.constant 0 : i32
    %dma_wait3A_122 = arith.constant 0 : i32
    %dma_wait3A_123 = tpu.memref_slice %arg4[%add3A, %dma_wait3A_121, %dma_wait3A_122] : memref<32x80x128xi32, #tpu.memory_space<hbm>> -> memref<1x40x128xi32, #tpu.memory_space<hbm>>
    %dma_wait3A_124 = tpu.memref_squeeze %dma_wait3A_123 : memref<1x40x128xi32, #tpu.memory_space<hbm>> -> memref<40x128xi32, #tpu.memory_space<hbm>>
    tpu.wait_dma2 semaphore(%arg12 : memref<!tpu.dma_semaphore, #tpu.memory_space<semaphore_mem>>) src(%dma_wait3A_124 : memref<40x128xi32, #tpu.memory_space<hbm>>) dst(%arg7 : memref<40x128xi32, #tpu.memory_space<vmem>>)
    %dma_start3A_125 = arith.constant 0 : i32
    %dma_start3A_126 = arith.constant 0 : i32
    %dma_start3A_127 = tpu.memref_slice %arg6[%dma_start3A_125, %dma_start3A_126] : memref<40x128xi32, #tpu.memory_space<vmem>> -> memref<1x128xi32, #tpu.memory_space<vmem>>
    %dma_start3A_128 = tpu.memref_squeeze %dma_start3A_127 : memref<1x128xi32, #tpu.memory_space<vmem>> -> memref<128xi32, #tpu.memory_space<vmem>>
    %dma_start3A_129 = arith.constant 0 : i32
    %dma_start3A_130 = arith.constant 0 : i32
    %dma_start3A_131 = tpu.memref_slice %arg2[%dma_start3A_129, %dma_start3A_130] : memref<10000x128xf32, #tpu.memory_space<hbm>> -> memref<10000x128xf32, #tpu.memory_space<hbm>>
    tpu.enqueue_indirect_dma source(%dma_start3A_131 : memref<10000x128xf32, #tpu.memory_space<hbm>>) target(%arg8 : memref<128x128xf32, #tpu.memory_space<vmem>>) offsets(%dma_start3A_128 : memref<128xi32, #tpu.memory_space<vmem>>) semaphore(%arg11 : memref<!tpu.dma_semaphore, #tpu.memory_space<semaphore_mem>>)
    %barrier3A = arith.constant 0 : index
    tpu.barrier barrier_id(%barrier3A)
    %scan3A_132 = arith.constant 0 : i32
    %scan3A_133 = arith.constant 0 : i32
    %scan3A_134 = arith.constant 20 : i32
    %scan3A_135 = arith.addi %scan3A_133, %scan3A_134 : i32
    %scan3A_136 = arith.constant 1 : i32
    scf.for %scan3A_307 = %scan3A_133 to %scan3A_135 step %scan3A_136  : i32 {
      %mul3A_308 = arith.constant 2 : i32
      %mul3A_309 = arith.muli %mul3A_308, %scan3A_307 : i32
      %add3A_310 = arith.constant 1 : i32
      %add3A_311 = arith.addi %mul3A_309, %add3A_310 : i32
      %dma_wait3A_312 = arith.constant 0 : i32
      %dma_wait3A_313 = tpu.memref_slice %arg6[%mul3A_309, %dma_wait3A_312] : memref<40x128xi32, #tpu.memory_space<vmem>> -> memref<1x128xi32, #tpu.memory_space<vmem>>
      %dma_wait3A_314 = tpu.memref_squeeze %dma_wait3A_313 : memref<1x128xi32, #tpu.memory_space<vmem>> -> memref<128xi32, #tpu.memory_space<vmem>>
      %dma_wait3A_315 = arith.constant 0 : i32
      %dma_wait3A_316 = arith.constant 0 : i32
      %dma_wait3A_317 = tpu.memref_slice %arg2[%dma_wait3A_315, %dma_wait3A_316] : memref<10000x128xf32, #tpu.memory_space<hbm>> -> memref<10000x128xf32, #tpu.memory_space<hbm>>
      tpu.wait_indirect_dma semaphore(%arg11 : memref<!tpu.dma_semaphore, #tpu.memory_space<semaphore_mem>>) src(%dma_wait3A_317 : memref<10000x128xf32, #tpu.memory_space<hbm>>) dst(%arg8 : memref<128x128xf32, #tpu.memory_space<vmem>>)
      %dma_start3A_318 = arith.constant 0 : i32
      %dma_start3A_319 = tpu.memref_slice %arg7[%mul3A_309, %dma_start3A_318] : memref<40x128xi32, #tpu.memory_space<vmem>> -> memref<1x128xi32, #tpu.memory_space<vmem>>
      %dma_start3A_320 = tpu.memref_squeeze %dma_start3A_319 : memref<1x128xi32, #tpu.memory_space<vmem>> -> memref<128xi32, #tpu.memory_space<vmem>>
      %dma_start3A_321 = arith.constant 0 : i32
      %dma_start3A_322 = arith.constant 0 : i32
      %dma_start3A_323 = tpu.memref_slice %arg10[%dma_start3A_321, %dma_start3A_322] : memref<10240x128xf32, #tpu.memory_space<vmem_shared>> -> memref<10240x128xf32, #tpu.memory_space<vmem_shared>>
      tpu.enqueue_indirect_dma source(%arg8 : memref<128x128xf32, #tpu.memory_space<vmem>>) target(%dma_start3A_323 : memref<10240x128xf32, #tpu.memory_space<vmem_shared>>) offsets(%dma_start3A_320 : memref<128xi32, #tpu.memory_space<vmem>>) semaphore(%arg13 : memref<!tpu.dma_semaphore, #tpu.memory_space<semaphore_mem>>) {add = true}
      %gt3A = arith.constant 0 : i32
      %gt3A_324 = arith.cmpi sgt, %mul3A_309, %gt3A : i32
      %convert_element_type3A = arith.extui %gt3A_324 : i1 to i32
      %cond3A = arith.constant 0 : i32
      %cond3A_325 = arith.cmpi ne, %convert_element_type3A, %cond3A : i32
      scf.if %cond3A_325 {
        %sub3A = arith.constant 1 : i32
        %sub3A_356 = arith.subi %mul3A_309, %sub3A : i32
        %dma_wait3A_357 = arith.constant 0 : i32
        %dma_wait3A_358 = tpu.memref_slice %arg7[%sub3A_356, %dma_wait3A_357] : memref<40x128xi32, #tpu.memory_space<vmem>> -> memref<1x128xi32, #tpu.memory_space<vmem>>
        %dma_wait3A_359 = tpu.memref_squeeze %dma_wait3A_358 : memref<1x128xi32, #tpu.memory_space<vmem>> -> memref<128xi32, #tpu.memory_space<vmem>>
        %dma_wait3A_360 = arith.constant 0 : i32
        %dma_wait3A_361 = arith.constant 0 : i32
        %dma_wait3A_362 = tpu.memref_slice %arg10[%dma_wait3A_360, %dma_wait3A_361] : memref<10240x128xf32, #tpu.memory_space<vmem_shared>> -> memref<10240x128xf32, #tpu.memory_space<vmem_shared>>
        tpu.wait_indirect_dma semaphore(%arg14 : memref<!tpu.dma_semaphore, #tpu.memory_space<semaphore_mem>>) src(%arg9 : memref<128x128xf32, #tpu.memory_space<vmem>>) dst(%dma_wait3A_362 : memref<10240x128xf32, #tpu.memory_space<vmem_shared>>)
      } else {
      }
      %dma_start3A_326 = arith.constant 0 : i32
      %dma_start3A_327 = tpu.memref_slice %arg6[%add3A_311, %dma_start3A_326] : memref<40x128xi32, #tpu.memory_space<vmem>> -> memref<1x128xi32, #tpu.memory_space<vmem>>
      %dma_start3A_328 = tpu.memref_squeeze %dma_start3A_327 : memref<1x128xi32, #tpu.memory_space<vmem>> -> memref<128xi32, #tpu.memory_space<vmem>>
      %dma_start3A_329 = arith.constant 0 : i32
      %dma_start3A_330 = arith.constant 0 : i32
      %dma_start3A_331 = tpu.memref_slice %arg2[%dma_start3A_329, %dma_start3A_330] : memref<10000x128xf32, #tpu.memory_space<hbm>> -> memref<10000x128xf32, #tpu.memory_space<hbm>>
      tpu.enqueue_indirect_dma source(%dma_start3A_331 : memref<10000x128xf32, #tpu.memory_space<hbm>>) target(%arg9 : memref<128x128xf32, #tpu.memory_space<vmem>>) offsets(%dma_start3A_328 : memref<128xi32, #tpu.memory_space<vmem>>) semaphore(%arg12 : memref<!tpu.dma_semaphore, #tpu.memory_space<semaphore_mem>>)
      %dma_wait3A_332 = arith.constant 0 : i32
      %dma_wait3A_333 = tpu.memref_slice %arg6[%add3A_311, %dma_wait3A_332] : memref<40x128xi32, #tpu.memory_space<vmem>> -> memref<1x128xi32, #tpu.memory_space<vmem>>
      %dma_wait3A_334 = tpu.memref_squeeze %dma_wait3A_333 : memref<1x128xi32, #tpu.memory_space<vmem>> -> memref<128xi32, #tpu.memory_space<vmem>>
      %dma_wait3A_335 = arith.constant 0 : i32
      %dma_wait3A_336 = arith.constant 0 : i32
      %dma_wait3A_337 = tpu.memref_slice %arg2[%dma_wait3A_335, %dma_wait3A_336] : memref<10000x128xf32, #tpu.memory_space<hbm>> -> memref<10000x128xf32, #tpu.memory_space<hbm>>
      tpu.wait_indirect_dma semaphore(%arg12 : memref<!tpu.dma_semaphore, #tpu.memory_space<semaphore_mem>>) src(%dma_wait3A_337 : memref<10000x128xf32, #tpu.memory_space<hbm>>) dst(%arg9 : memref<128x128xf32, #tpu.memory_space<vmem>>)
      %dma_start3A_338 = arith.constant 0 : i32
      %dma_start3A_339 = tpu.memref_slice %arg7[%add3A_311, %dma_start3A_338] : memref<40x128xi32, #tpu.memory_space<vmem>> -> memref<1x128xi32, #tpu.memory_space<vmem>>
      %dma_start3A_340 = tpu.memref_squeeze %dma_start3A_339 : memref<1x128xi32, #tpu.memory_space<vmem>> -> memref<128xi32, #tpu.memory_space<vmem>>
      %dma_start3A_341 = arith.constant 0 : i32
      %dma_start3A_342 = arith.constant 0 : i32
      %dma_start3A_343 = tpu.memref_slice %arg10[%dma_start3A_341, %dma_start3A_342] : memref<10240x128xf32, #tpu.memory_space<vmem_shared>> -> memref<10240x128xf32, #tpu.memory_space<vmem_shared>>
      tpu.enqueue_indirect_dma source(%arg9 : memref<128x128xf32, #tpu.memory_space<vmem>>) target(%dma_start3A_343 : memref<10240x128xf32, #tpu.memory_space<vmem_shared>>) offsets(%dma_start3A_340 : memref<128xi32, #tpu.memory_space<vmem>>) semaphore(%arg14 : memref<!tpu.dma_semaphore, #tpu.memory_space<semaphore_mem>>) {add = true}
      %dma_wait3A_344 = arith.constant 0 : i32
      %dma_wait3A_345 = tpu.memref_slice %arg7[%mul3A_309, %dma_wait3A_344] : memref<40x128xi32, #tpu.memory_space<vmem>> -> memref<1x128xi32, #tpu.memory_space<vmem>>
      %dma_wait3A_346 = tpu.memref_squeeze %dma_wait3A_345 : memref<1x128xi32, #tpu.memory_space<vmem>> -> memref<128xi32, #tpu.memory_space<vmem>>
      %dma_wait3A_347 = arith.constant 0 : i32
      %dma_wait3A_348 = arith.constant 0 : i32
      %dma_wait3A_349 = tpu.memref_slice %arg10[%dma_wait3A_347, %dma_wait3A_348] : memref<10240x128xf32, #tpu.memory_space<vmem_shared>> -> memref<10240x128xf32, #tpu.memory_space<vmem_shared>>
      tpu.wait_indirect_dma semaphore(%arg13 : memref<!tpu.dma_semaphore, #tpu.memory_space<semaphore_mem>>) src(%arg8 : memref<128x128xf32, #tpu.memory_space<vmem>>) dst(%dma_wait3A_349 : memref<10240x128xf32, #tpu.memory_space<vmem_shared>>)
      %add3A_350 = arith.constant 1 : i32
      %add3A_351 = arith.addi %add3A_311, %add3A_350 : i32
      %lt3A = arith.constant 40 : i32
      %lt3A_352 = arith.cmpi slt, %add3A_351, %lt3A : i32
      %convert_element_type3A_353 = arith.extui %lt3A_352 : i1 to i32
      %cond3A_354 = arith.constant 0 : i32
      %cond3A_355 = arith.cmpi ne, %convert_element_type3A_353, %cond3A_354 : i32
      scf.if %cond3A_355 {
        %add3A_356 = arith.constant 1 : i32
        %add3A_357 = arith.addi %add3A_311, %add3A_356 : i32
        %dma_start3A_358 = arith.constant 0 : i32
        %dma_start3A_359 = tpu.memref_slice %arg6[%add3A_357, %dma_start3A_358] : memref<40x128xi32, #tpu.memory_space<vmem>> -> memref<1x128xi32, #tpu.memory_space<vmem>>
        %dma_start3A_360 = tpu.memref_squeeze %dma_start3A_359 : memref<1x128xi32, #tpu.memory_space<vmem>> -> memref<128xi32, #tpu.memory_space<vmem>>
        %dma_start3A_361 = arith.constant 0 : i32
        %dma_start3A_362 = arith.constant 0 : i32
        %dma_start3A_363 = tpu.memref_slice %arg2[%dma_start3A_361, %dma_start3A_362] : memref<10000x128xf32, #tpu.memory_space<hbm>> -> memref<10000x128xf32, #tpu.memory_space<hbm>>
        tpu.enqueue_indirect_dma source(%dma_start3A_363 : memref<10000x128xf32, #tpu.memory_space<hbm>>) target(%arg8 : memref<128x128xf32, #tpu.memory_space<vmem>>) offsets(%dma_start3A_360 : memref<128xi32, #tpu.memory_space<vmem>>) semaphore(%arg11 : memref<!tpu.dma_semaphore, #tpu.memory_space<semaphore_mem>>)
      } else {
      }
    }
    %scan3A_137 = arith.constant 20 : i32
    %dma_start3A_138 = arith.constant 40 : i32
    %dma_start3A_139 = arith.constant 0 : i32
    %dma_start3A_140 = tpu.memref_slice %arg3[%add3A, %dma_start3A_138, %dma_start3A_139] : memref<32x80x128xi32, #tpu.memory_space<hbm>> -> memref<1x40x128xi32, #tpu.memory_space<hbm>>
    %dma_start3A_141 = tpu.memref_squeeze %dma_start3A_140 : memref<1x40x128xi32, #tpu.memory_space<hbm>> -> memref<40x128xi32, #tpu.memory_space<hbm>>
    %dma_start3A_142 = arith.constant 40 : i32
    %dma_start3A_143 = arith.constant 0 : i32
    %dma_start3A_144 = tpu.memref_slice %arg3[%add3A, %dma_start3A_142, %dma_start3A_143] : memref<32x80x128xi32, #tpu.memory_space<hbm>> -> memref<1x40x128xi32, #tpu.memory_space<hbm>>
    %dma_start3A_145 = tpu.memref_squeeze %dma_start3A_144 : memref<1x40x128xi32, #tpu.memory_space<hbm>> -> memref<40x128xi32, #tpu.memory_space<hbm>>
    tpu.enqueue_dma source(%dma_start3A_145 : memref<40x128xi32, #tpu.memory_space<hbm>>) target(%arg6 : memref<40x128xi32, #tpu.memory_space<vmem>>) target_semaphore(%arg11 : memref<!tpu.dma_semaphore, #tpu.memory_space<semaphore_mem>>)
    %dma_wait3A_146 = arith.constant 39 : i32
    %dma_wait3A_147 = arith.constant 0 : i32
    %dma_wait3A_148 = tpu.memref_slice %arg7[%dma_wait3A_146, %dma_wait3A_147] : memref<40x128xi32, #tpu.memory_space<vmem>> -> memref<1x128xi32, #tpu.memory_space<vmem>>
    %dma_wait3A_149 = tpu.memref_squeeze %dma_wait3A_148 : memref<1x128xi32, #tpu.memory_space<vmem>> -> memref<128xi32, #tpu.memory_space<vmem>>
    %dma_wait3A_150 = arith.constant 0 : i32
    %dma_wait3A_151 = arith.constant 0 : i32
    %dma_wait3A_152 = tpu.memref_slice %arg10[%dma_wait3A_150, %dma_wait3A_151] : memref<10240x128xf32, #tpu.memory_space<vmem_shared>> -> memref<10240x128xf32, #tpu.memory_space<vmem_shared>>
    tpu.wait_indirect_dma semaphore(%arg14 : memref<!tpu.dma_semaphore, #tpu.memory_space<semaphore_mem>>) src(%arg9 : memref<128x128xf32, #tpu.memory_space<vmem>>) dst(%dma_wait3A_152 : memref<10240x128xf32, #tpu.memory_space<vmem_shared>>)
    "tpu.region"() ({
      %run_scoped3A = tpu.sem_alloc : memref<!tpu.dma_semaphore, #tpu.memory_space<semaphore_mem>>
      %dma_start3A_307 = arith.constant 40 : i32
      %dma_start3A_308 = arith.constant 0 : i32
      %dma_start3A_309 = tpu.memref_slice %arg4[%add3A, %dma_start3A_307, %dma_start3A_308] : memref<32x80x128xi32, #tpu.memory_space<hbm>> -> memref<1x40x128xi32, #tpu.memory_space<hbm>>
      %dma_start3A_310 = tpu.memref_squeeze %dma_start3A_309 : memref<1x40x128xi32, #tpu.memory_space<hbm>> -> memref<40x128xi32, #tpu.memory_space<hbm>>
      %dma_start3A_311 = arith.constant 40 : i32
      %dma_start3A_312 = arith.constant 0 : i32
      %dma_start3A_313 = tpu.memref_slice %arg4[%add3A, %dma_start3A_311, %dma_start3A_312] : memref<32x80x128xi32, #tpu.memory_space<hbm>> -> memref<1x40x128xi32, #tpu.memory_space<hbm>>
      %dma_start3A_314 = tpu.memref_squeeze %dma_start3A_313 : memref<1x40x128xi32, #tpu.memory_space<hbm>> -> memref<40x128xi32, #tpu.memory_space<hbm>>
      tpu.enqueue_dma source(%dma_start3A_314 : memref<40x128xi32, #tpu.memory_space<hbm>>) target(%arg7 : memref<40x128xi32, #tpu.memory_space<vmem>>) target_semaphore(%run_scoped3A : memref<!tpu.dma_semaphore, #tpu.memory_space<semaphore_mem>>)
      %dma_wait3A_315 = arith.constant 40 : i32
      %dma_wait3A_316 = arith.constant 0 : i32
      %dma_wait3A_317 = tpu.memref_slice %arg4[%add3A, %dma_wait3A_315, %dma_wait3A_316] : memref<32x80x128xi32, #tpu.memory_space<hbm>> -> memref<1x40x128xi32, #tpu.memory_space<hbm>>
      %dma_wait3A_318 = tpu.memref_squeeze %dma_wait3A_317 : memref<1x40x128xi32, #tpu.memory_space<hbm>> -> memref<40x128xi32, #tpu.memory_space<hbm>>
      %dma_wait3A_319 = arith.constant 40 : i32
      %dma_wait3A_320 = arith.constant 0 : i32
      %dma_wait3A_321 = tpu.memref_slice %arg4[%add3A, %dma_wait3A_319, %dma_wait3A_320] : memref<32x80x128xi32, #tpu.memory_space<hbm>> -> memref<1x40x128xi32, #tpu.memory_space<hbm>>
      %dma_wait3A_322 = tpu.memref_squeeze %dma_wait3A_321 : memref<1x40x128xi32, #tpu.memory_space<hbm>> -> memref<40x128xi32, #tpu.memory_space<hbm>>
      tpu.wait_dma2 semaphore(%run_scoped3A : memref<!tpu.dma_semaphore, #tpu.memory_space<semaphore_mem>>) src(%dma_wait3A_322 : memref<40x128xi32, #tpu.memory_space<hbm>>) dst(%arg7 : memref<40x128xi32, #tpu.memory_space<vmem>>)
      tpu.yield
    }) : () -> ()
    %dma_wait3A_153 = arith.constant 40 : i32
    %dma_wait3A_154 = arith.constant 0 : i32
    %dma_wait3A_155 = tpu.memref_slice %arg3[%add3A, %dma_wait3A_153, %dma_wait3A_154] : memref<32x80x128xi32, #tpu.memory_space<hbm>> -> memref<1x40x128xi32, #tpu.memory_space<hbm>>
    %dma_wait3A_156 = tpu.memref_squeeze %dma_wait3A_155 : memref<1x40x128xi32, #tpu.memory_space<hbm>> -> memref<40x128xi32, #tpu.memory_space<hbm>>
    %dma_wait3A_157 = arith.constant 40 : i32
    %dma_wait3A_158 = arith.constant 0 : i32
    %dma_wait3A_159 = tpu.memref_slice %arg3[%add3A, %dma_wait3A_157, %dma_wait3A_158] : memref<32x80x128xi32, #tpu.memory_space<hbm>> -> memref<1x40x128xi32, #tpu.memory_space<hbm>>
    %dma_wait3A_160 = tpu.memref_squeeze %dma_wait3A_159 : memref<1x40x128xi32, #tpu.memory_space<hbm>> -> memref<40x128xi32, #tpu.memory_space<hbm>>
    tpu.wait_dma2 semaphore(%arg11 : memref<!tpu.dma_semaphore, #tpu.memory_space<semaphore_mem>>) src(%dma_wait3A_160 : memref<40x128xi32, #tpu.memory_space<hbm>>) dst(%arg6 : memref<40x128xi32, #tpu.memory_space<vmem>>)
    %dma_start3A_161 = arith.constant 0 : i32
    %dma_start3A_162 = arith.constant 0 : i32
    %dma_start3A_163 = tpu.memref_slice %arg6[%dma_start3A_161, %dma_start3A_162] : memref<40x128xi32, #tpu.memory_space<vmem>> -> memref<1x128xi32, #tpu.memory_space<vmem>>
    %dma_start3A_164 = tpu.memref_squeeze %dma_start3A_163 : memref<1x128xi32, #tpu.memory_space<vmem>> -> memref<128xi32, #tpu.memory_space<vmem>>
    %dma_start3A_165 = arith.constant 0 : i32
    %dma_start3A_166 = arith.constant 0 : i32
    %dma_start3A_167 = tpu.memref_slice %arg2[%dma_start3A_165, %dma_start3A_166] : memref<10000x128xf32, #tpu.memory_space<hbm>> -> memref<10000x128xf32, #tpu.memory_space<hbm>>
    tpu.enqueue_indirect_dma source(%dma_start3A_167 : memref<10000x128xf32, #tpu.memory_space<hbm>>) target(%arg8 : memref<128x128xf32, #tpu.memory_space<vmem>>) offsets(%dma_start3A_164 : memref<128xi32, #tpu.memory_space<vmem>>) semaphore(%arg11 : memref<!tpu.dma_semaphore, #tpu.memory_space<semaphore_mem>>)
    %scan3A_168 = arith.constant 0 : i32
    %scan3A_169 = arith.constant 0 : i32
    %scan3A_170 = arith.constant 20 : i32
    %scan3A_171 = arith.addi %scan3A_169, %scan3A_170 : i32
    %scan3A_172 = arith.constant 1 : i32
    scf.for %scan3A_307 = %scan3A_169 to %scan3A_171 step %scan3A_172  : i32 {
      %mul3A_308 = arith.constant 2 : i32
      %mul3A_309 = arith.muli %mul3A_308, %scan3A_307 : i32
      %add3A_310 = arith.constant 1 : i32
      %add3A_311 = arith.addi %mul3A_309, %add3A_310 : i32
      %dma_wait3A_312 = arith.constant 0 : i32
      %dma_wait3A_313 = tpu.memref_slice %arg6[%mul3A_309, %dma_wait3A_312] : memref<40x128xi32, #tpu.memory_space<vmem>> -> memref<1x128xi32, #tpu.memory_space<vmem>>
      %dma_wait3A_314 = tpu.memref_squeeze %dma_wait3A_313 : memref<1x128xi32, #tpu.memory_space<vmem>> -> memref<128xi32, #tpu.memory_space<vmem>>
      %dma_wait3A_315 = arith.constant 0 : i32
      %dma_wait3A_316 = arith.constant 0 : i32
      %dma_wait3A_317 = tpu.memref_slice %arg2[%dma_wait3A_315, %dma_wait3A_316] : memref<10000x128xf32, #tpu.memory_space<hbm>> -> memref<10000x128xf32, #tpu.memory_space<hbm>>
      tpu.wait_indirect_dma semaphore(%arg11 : memref<!tpu.dma_semaphore, #tpu.memory_space<semaphore_mem>>) src(%dma_wait3A_317 : memref<10000x128xf32, #tpu.memory_space<hbm>>) dst(%arg8 : memref<128x128xf32, #tpu.memory_space<vmem>>)
      %dma_start3A_318 = arith.constant 0 : i32
      %dma_start3A_319 = tpu.memref_slice %arg7[%mul3A_309, %dma_start3A_318] : memref<40x128xi32, #tpu.memory_space<vmem>> -> memref<1x128xi32, #tpu.memory_space<vmem>>
      %dma_start3A_320 = tpu.memref_squeeze %dma_start3A_319 : memref<1x128xi32, #tpu.memory_space<vmem>> -> memref<128xi32, #tpu.memory_space<vmem>>
      %dma_start3A_321 = arith.constant 0 : i32
      %dma_start3A_322 = arith.constant 0 : i32
      %dma_start3A_323 = tpu.memref_slice %arg10[%dma_start3A_321, %dma_start3A_322] : memref<10240x128xf32, #tpu.memory_space<vmem_shared>> -> memref<10240x128xf32, #tpu.memory_space<vmem_shared>>
      tpu.enqueue_indirect_dma source(%arg8 : memref<128x128xf32, #tpu.memory_space<vmem>>) target(%dma_start3A_323 : memref<10240x128xf32, #tpu.memory_space<vmem_shared>>) offsets(%dma_start3A_320 : memref<128xi32, #tpu.memory_space<vmem>>) semaphore(%arg13 : memref<!tpu.dma_semaphore, #tpu.memory_space<semaphore_mem>>) {add = true}
      %gt3A = arith.constant 0 : i32
      %gt3A_324 = arith.cmpi sgt, %mul3A_309, %gt3A : i32
      %convert_element_type3A = arith.extui %gt3A_324 : i1 to i32
      %cond3A = arith.constant 0 : i32
      %cond3A_325 = arith.cmpi ne, %convert_element_type3A, %cond3A : i32
      scf.if %cond3A_325 {
        %sub3A = arith.constant 1 : i32
        %sub3A_356 = arith.subi %mul3A_309, %sub3A : i32
        %dma_wait3A_357 = arith.constant 0 : i32
        %dma_wait3A_358 = tpu.memref_slice %arg7[%sub3A_356, %dma_wait3A_357] : memref<40x128xi32, #tpu.memory_space<vmem>> -> memref<1x128xi32, #tpu.memory_space<vmem>>
        %dma_wait3A_359 = tpu.memref_squeeze %dma_wait3A_358 : memref<1x128xi32, #tpu.memory_space<vmem>> -> memref<128xi32, #tpu.memory_space<vmem>>
        %dma_wait3A_360 = arith.constant 0 : i32
        %dma_wait3A_361 = arith.constant 0 : i32
        %dma_wait3A_362 = tpu.memref_slice %arg10[%dma_wait3A_360, %dma_wait3A_361] : memref<10240x128xf32, #tpu.memory_space<vmem_shared>> -> memref<10240x128xf32, #tpu.memory_space<vmem_shared>>
        tpu.wait_indirect_dma semaphore(%arg14 : memref<!tpu.dma_semaphore, #tpu.memory_space<semaphore_mem>>) src(%arg9 : memref<128x128xf32, #tpu.memory_space<vmem>>) dst(%dma_wait3A_362 : memref<10240x128xf32, #tpu.memory_space<vmem_shared>>)
      } else {
      }
      %dma_start3A_326 = arith.constant 0 : i32
      %dma_start3A_327 = tpu.memref_slice %arg6[%add3A_311, %dma_start3A_326] : memref<40x128xi32, #tpu.memory_space<vmem>> -> memref<1x128xi32, #tpu.memory_space<vmem>>
      %dma_start3A_328 = tpu.memref_squeeze %dma_start3A_327 : memref<1x128xi32, #tpu.memory_space<vmem>> -> memref<128xi32, #tpu.memory_space<vmem>>
      %dma_start3A_329 = arith.constant 0 : i32
      %dma_start3A_330 = arith.constant 0 : i32
      %dma_start3A_331 = tpu.memref_slice %arg2[%dma_start3A_329, %dma_start3A_330] : memref<10000x128xf32, #tpu.memory_space<hbm>> -> memref<10000x128xf32, #tpu.memory_space<hbm>>
      tpu.enqueue_indirect_dma source(%dma_start3A_331 : memref<10000x128xf32, #tpu.memory_space<hbm>>) target(%arg9 : memref<128x128xf32, #tpu.memory_space<vmem>>) offsets(%dma_start3A_328 : memref<128xi32, #tpu.memory_space<vmem>>) semaphore(%arg12 : memref<!tpu.dma_semaphore, #tpu.memory_space<semaphore_mem>>)
      %dma_wait3A_332 = arith.constant 0 : i32
      %dma_wait3A_333 = tpu.memref_slice %arg6[%add3A_311, %dma_wait3A_332] : memref<40x128xi32, #tpu.memory_space<vmem>> -> memref<1x128xi32, #tpu.memory_space<vmem>>
      %dma_wait3A_334 = tpu.memref_squeeze %dma_wait3A_333 : memref<1x128xi32, #tpu.memory_space<vmem>> -> memref<128xi32, #tpu.memory_space<vmem>>
      %dma_wait3A_335 = arith.constant 0 : i32
      %dma_wait3A_336 = arith.constant 0 : i32
      %dma_wait3A_337 = tpu.memref_slice %arg2[%dma_wait3A_335, %dma_wait3A_336] : memref<10000x128xf32, #tpu.memory_space<hbm>> -> memref<10000x128xf32, #tpu.memory_space<hbm>>
      tpu.wait_indirect_dma semaphore(%arg12 : memref<!tpu.dma_semaphore, #tpu.memory_space<semaphore_mem>>) src(%dma_wait3A_337 : memref<10000x128xf32, #tpu.memory_space<hbm>>) dst(%arg9 : memref<128x128xf32, #tpu.memory_space<vmem>>)
      %dma_start3A_338 = arith.constant 0 : i32
      %dma_start3A_339 = tpu.memref_slice %arg7[%add3A_311, %dma_start3A_338] : memref<40x128xi32, #tpu.memory_space<vmem>> -> memref<1x128xi32, #tpu.memory_space<vmem>>
      %dma_start3A_340 = tpu.memref_squeeze %dma_start3A_339 : memref<1x128xi32, #tpu.memory_space<vmem>> -> memref<128xi32, #tpu.memory_space<vmem>>
      %dma_start3A_341 = arith.constant 0 : i32
      %dma_start3A_342 = arith.constant 0 : i32
      %dma_start3A_343 = tpu.memref_slice %arg10[%dma_start3A_341, %dma_start3A_342] : memref<10240x128xf32, #tpu.memory_space<vmem_shared>> -> memref<10240x128xf32, #tpu.memory_space<vmem_shared>>
      tpu.enqueue_indirect_dma source(%arg9 : memref<128x128xf32, #tpu.memory_space<vmem>>) target(%dma_start3A_343 : memref<10240x128xf32, #tpu.memory_space<vmem_shared>>) offsets(%dma_start3A_340 : memref<128xi32, #tpu.memory_space<vmem>>) semaphore(%arg14 : memref<!tpu.dma_semaphore, #tpu.memory_space<semaphore_mem>>) {add = true}
      %dma_wait3A_344 = arith.constant 0 : i32
      %dma_wait3A_345 = tpu.memref_slice %arg7[%mul3A_309, %dma_wait3A_344] : memref<40x128xi32, #tpu.memory_space<vmem>> -> memref<1x128xi32, #tpu.memory_space<vmem>>
      %dma_wait3A_346 = tpu.memref_squeeze %dma_wait3A_345 : memref<1x128xi32, #tpu.memory_space<vmem>> -> memref<128xi32, #tpu.memory_space<vmem>>
      %dma_wait3A_347 = arith.constant 0 : i32
      %dma_wait3A_348 = arith.constant 0 : i32
      %dma_wait3A_349 = tpu.memref_slice %arg10[%dma_wait3A_347, %dma_wait3A_348] : memref<10240x128xf32, #tpu.memory_space<vmem_shared>> -> memref<10240x128xf32, #tpu.memory_space<vmem_shared>>
      tpu.wait_indirect_dma semaphore(%arg13 : memref<!tpu.dma_semaphore, #tpu.memory_space<semaphore_mem>>) src(%arg8 : memref<128x128xf32, #tpu.memory_space<vmem>>) dst(%dma_wait3A_349 : memref<10240x128xf32, #tpu.memory_space<vmem_shared>>)
      %add3A_350 = arith.constant 1 : i32
      %add3A_351 = arith.addi %add3A_311, %add3A_350 : i32
      %lt3A = arith.constant 40 : i32
      %lt3A_352 = arith.cmpi slt, %add3A_351, %lt3A : i32
      %convert_element_type3A_353 = arith.extui %lt3A_352 : i1 to i32
      %cond3A_354 = arith.constant 0 : i32
      %cond3A_355 = arith.cmpi ne, %convert_element_type3A_353, %cond3A_354 : i32
      scf.if %cond3A_355 {
        %add3A_356 = arith.constant 1 : i32
        %add3A_357 = arith.addi %add3A_311, %add3A_356 : i32
        %dma_start3A_358 = arith.constant 0 : i32
        %dma_start3A_359 = tpu.memref_slice %arg6[%add3A_357, %dma_start3A_358] : memref<40x128xi32, #tpu.memory_space<vmem>> -> memref<1x128xi32, #tpu.memory_space<vmem>>
        %dma_start3A_360 = tpu.memref_squeeze %dma_start3A_359 : memref<1x128xi32, #tpu.memory_space<vmem>> -> memref<128xi32, #tpu.memory_space<vmem>>
        %dma_start3A_361 = arith.constant 0 : i32
        %dma_start3A_362 = arith.constant 0 : i32
        %dma_start3A_363 = tpu.memref_slice %arg2[%dma_start3A_361, %dma_start3A_362] : memref<10000x128xf32, #tpu.memory_space<hbm>> -> memref<10000x128xf32, #tpu.memory_space<hbm>>
        tpu.enqueue_indirect_dma source(%dma_start3A_363 : memref<10000x128xf32, #tpu.memory_space<hbm>>) target(%arg8 : memref<128x128xf32, #tpu.memory_space<vmem>>) offsets(%dma_start3A_360 : memref<128xi32, #tpu.memory_space<vmem>>) semaphore(%arg11 : memref<!tpu.dma_semaphore, #tpu.memory_space<semaphore_mem>>)
      } else {
      }
    }
    %scan3A_173 = arith.constant 20 : i32
    %dma_wait3A_174 = arith.constant 39 : i32
    %dma_wait3A_175 = arith.constant 0 : i32
    %dma_wait3A_176 = tpu.memref_slice %arg7[%dma_wait3A_174, %dma_wait3A_175] : memref<40x128xi32, #tpu.memory_space<vmem>> -> memref<1x128xi32, #tpu.memory_space<vmem>>
    %dma_wait3A_177 = tpu.memref_squeeze %dma_wait3A_176 : memref<1x128xi32, #tpu.memory_space<vmem>> -> memref<128xi32, #tpu.memory_space<vmem>>
    %dma_wait3A_178 = arith.constant 0 : i32
    %dma_wait3A_179 = arith.constant 0 : i32
    %dma_wait3A_180 = tpu.memref_slice %arg10[%dma_wait3A_178, %dma_wait3A_179] : memref<10240x128xf32, #tpu.memory_space<vmem_shared>> -> memref<10240x128xf32, #tpu.memory_space<vmem_shared>>
    tpu.wait_indirect_dma semaphore(%arg14 : memref<!tpu.dma_semaphore, #tpu.memory_space<semaphore_mem>>) src(%arg9 : memref<128x128xf32, #tpu.memory_space<vmem>>) dst(%dma_wait3A_180 : memref<10240x128xf32, #tpu.memory_space<vmem_shared>>)
    %barrier3A_181 = arith.constant 0 : index
    tpu.barrier barrier_id(%barrier3A_181)
    %mul3A_182 = arith.constant 640 : i32
    %mul3A_183 = arith.muli %arg1, %mul3A_182 : i32
    %add3A_184 = arith.constant 0 : i32
    %add3A_185 = arith.addi %mul3A_183, %add3A_184 : i32
    %multiple_of3A_186 = tpu.assume_multiple %add3A_185, 128 : i32
    %mul3A_187 = arith.constant 640 : i32
    %mul3A_188 = arith.muli %arg1, %mul3A_187 : i32
    %add3A_189 = arith.constant 128 : i32
    %add3A_190 = arith.addi %mul3A_188, %add3A_189 : i32
    %multiple_of3A_191 = tpu.assume_multiple %add3A_190, 128 : i32
    %mul3A_192 = arith.constant 640 : i32
    %mul3A_193 = arith.muli %arg1, %mul3A_192 : i32
    %add3A_194 = arith.constant 256 : i32
    %add3A_195 = arith.addi %mul3A_193, %add3A_194 : i32
    %multiple_of3A_196 = tpu.assume_multiple %add3A_195, 128 : i32
    %mul3A_197 = arith.constant 640 : i32
    %mul3A_198 = arith.muli %arg1, %mul3A_197 : i32
    %add3A_199 = arith.constant 384 : i32
    %add3A_200 = arith.addi %mul3A_198, %add3A_199 : i32
    %multiple_of3A_201 = tpu.assume_multiple %add3A_200, 128 : i32
    %mul3A_202 = arith.constant 640 : i32
    %mul3A_203 = arith.muli %arg1, %mul3A_202 : i32
    %add3A_204 = arith.constant 512 : i32
    %add3A_205 = arith.addi %mul3A_203, %add3A_204 : i32
    %multiple_of3A_206 = tpu.assume_multiple %add3A_205, 128 : i32
    %dma_start3A_207 = arith.constant 0 : i32
    %dma_start3A_208 = tpu.memref_slice %arg10[%multiple_of3A_186, %dma_start3A_207] : memref<10240x128xf32, #tpu.memory_space<vmem_shared>> -> memref<128x128xf32, #tpu.memory_space<vmem_shared>>
    %dma_start3A_209 = arith.constant 0 : i32
    %dma_start3A_210 = tpu.memref_slice %arg10[%multiple_of3A_186, %dma_start3A_209] : memref<10240x128xf32, #tpu.memory_space<vmem_shared>> -> memref<128x128xf32, #tpu.memory_space<vmem_shared>>
    tpu.enqueue_dma source(%dma_start3A_210 : memref<128x128xf32, #tpu.memory_space<vmem_shared>>) target(%arg8 : memref<128x128xf32, #tpu.memory_space<vmem>>) target_semaphore(%arg11 : memref<!tpu.dma_semaphore, #tpu.memory_space<semaphore_mem>>)
    %dma_wait3A_211 = arith.constant 0 : i32
    %dma_wait3A_212 = tpu.memref_slice %arg10[%multiple_of3A_186, %dma_wait3A_211] : memref<10240x128xf32, #tpu.memory_space<vmem_shared>> -> memref<128x128xf32, #tpu.memory_space<vmem_shared>>
    %dma_wait3A_213 = arith.constant 0 : i32
    %dma_wait3A_214 = tpu.memref_slice %arg10[%multiple_of3A_186, %dma_wait3A_213] : memref<10240x128xf32, #tpu.memory_space<vmem_shared>> -> memref<128x128xf32, #tpu.memory_space<vmem_shared>>
    tpu.wait_dma2 semaphore(%arg11 : memref<!tpu.dma_semaphore, #tpu.memory_space<semaphore_mem>>) src(%dma_wait3A_214 : memref<128x128xf32, #tpu.memory_space<vmem_shared>>) dst(%arg8 : memref<128x128xf32, #tpu.memory_space<vmem>>)
    %dma_start3A_215 = arith.constant 0 : i32
    %dma_start3A_216 = tpu.memref_slice %arg5[%arg0, %multiple_of3A_186, %dma_start3A_215] : memref<2x10240x128xf32, #tpu.memory_space<hbm>> -> memref<1x128x128xf32, #tpu.memory_space<hbm>>
    %dma_start3A_217 = tpu.memref_squeeze %dma_start3A_216 : memref<1x128x128xf32, #tpu.memory_space<hbm>> -> memref<128x128xf32, #tpu.memory_space<hbm>>
    %dma_start3A_218 = arith.constant 0 : i32
    %dma_start3A_219 = tpu.memref_slice %arg5[%arg0, %multiple_of3A_186, %dma_start3A_218] : memref<2x10240x128xf32, #tpu.memory_space<hbm>> -> memref<1x128x128xf32, #tpu.memory_space<hbm>>
    %dma_start3A_220 = tpu.memref_squeeze %dma_start3A_219 : memref<1x128x128xf32, #tpu.memory_space<hbm>> -> memref<128x128xf32, #tpu.memory_space<hbm>>
    tpu.enqueue_dma source(%arg8 : memref<128x128xf32, #tpu.memory_space<vmem>>) target(%dma_start3A_220 : memref<128x128xf32, #tpu.memory_space<hbm>>) target_semaphore(%arg13 : memref<!tpu.dma_semaphore, #tpu.memory_space<semaphore_mem>>)
    %dma_start3A_221 = arith.constant 0 : i32
    %dma_start3A_222 = tpu.memref_slice %arg10[%multiple_of3A_191, %dma_start3A_221] : memref<10240x128xf32, #tpu.memory_space<vmem_shared>> -> memref<128x128xf32, #tpu.memory_space<vmem_shared>>
    %dma_start3A_223 = arith.constant 0 : i32
    %dma_start3A_224 = tpu.memref_slice %arg10[%multiple_of3A_191, %dma_start3A_223] : memref<10240x128xf32, #tpu.memory_space<vmem_shared>> -> memref<128x128xf32, #tpu.memory_space<vmem_shared>>
    tpu.enqueue_dma source(%dma_start3A_224 : memref<128x128xf32, #tpu.memory_space<vmem_shared>>) target(%arg9 : memref<128x128xf32, #tpu.memory_space<vmem>>) target_semaphore(%arg12 : memref<!tpu.dma_semaphore, #tpu.memory_space<semaphore_mem>>)
    %dma_wait3A_225 = arith.constant 0 : i32
    %dma_wait3A_226 = tpu.memref_slice %arg10[%multiple_of3A_191, %dma_wait3A_225] : memref<10240x128xf32, #tpu.memory_space<vmem_shared>> -> memref<128x128xf32, #tpu.memory_space<vmem_shared>>
    %dma_wait3A_227 = arith.constant 0 : i32
    %dma_wait3A_228 = tpu.memref_slice %arg10[%multiple_of3A_191, %dma_wait3A_227] : memref<10240x128xf32, #tpu.memory_space<vmem_shared>> -> memref<128x128xf32, #tpu.memory_space<vmem_shared>>
    tpu.wait_dma2 semaphore(%arg12 : memref<!tpu.dma_semaphore, #tpu.memory_space<semaphore_mem>>) src(%dma_wait3A_228 : memref<128x128xf32, #tpu.memory_space<vmem_shared>>) dst(%arg9 : memref<128x128xf32, #tpu.memory_space<vmem>>)
    %dma_wait3A_229 = arith.constant 0 : i32
    %dma_wait3A_230 = tpu.memref_slice %arg5[%arg0, %multiple_of3A_186, %dma_wait3A_229] : memref<2x10240x128xf32, #tpu.memory_space<hbm>> -> memref<1x128x128xf32, #tpu.memory_space<hbm>>
    %dma_wait3A_231 = tpu.memref_squeeze %dma_wait3A_230 : memref<1x128x128xf32, #tpu.memory_space<hbm>> -> memref<128x128xf32, #tpu.memory_space<hbm>>
    %dma_wait3A_232 = arith.constant 0 : i32
    %dma_wait3A_233 = tpu.memref_slice %arg5[%arg0, %multiple_of3A_186, %dma_wait3A_232] : memref<2x10240x128xf32, #tpu.memory_space<hbm>> -> memref<1x128x128xf32, #tpu.memory_space<hbm>>
    %dma_wait3A_234 = tpu.memref_squeeze %dma_wait3A_233 : memref<1x128x128xf32, #tpu.memory_space<hbm>> -> memref<128x128xf32, #tpu.memory_space<hbm>>
    tpu.wait_dma2 semaphore(%arg13 : memref<!tpu.dma_semaphore, #tpu.memory_space<semaphore_mem>>) src(%arg8 : memref<128x128xf32, #tpu.memory_space<vmem>>) dst(%dma_wait3A_234 : memref<128x128xf32, #tpu.memory_space<hbm>>)
    %dma_start3A_235 = arith.constant 0 : i32
    %dma_start3A_236 = tpu.memref_slice %arg5[%arg0, %multiple_of3A_191, %dma_start3A_235] : memref<2x10240x128xf32, #tpu.memory_space<hbm>> -> memref<1x128x128xf32, #tpu.memory_space<hbm>>
    %dma_start3A_237 = tpu.memref_squeeze %dma_start3A_236 : memref<1x128x128xf32, #tpu.memory_space<hbm>> -> memref<128x128xf32, #tpu.memory_space<hbm>>
    %dma_start3A_238 = arith.constant 0 : i32
    %dma_start3A_239 = tpu.memref_slice %arg5[%arg0, %multiple_of3A_191, %dma_start3A_238] : memref<2x10240x128xf32, #tpu.memory_space<hbm>> -> memref<1x128x128xf32, #tpu.memory_space<hbm>>
    %dma_start3A_240 = tpu.memref_squeeze %dma_start3A_239 : memref<1x128x128xf32, #tpu.memory_space<hbm>> -> memref<128x128xf32, #tpu.memory_space<hbm>>
    tpu.enqueue_dma source(%arg9 : memref<128x128xf32, #tpu.memory_space<vmem>>) target(%dma_start3A_240 : memref<128x128xf32, #tpu.memory_space<hbm>>) target_semaphore(%arg14 : memref<!tpu.dma_semaphore, #tpu.memory_space<semaphore_mem>>)
    %dma_start3A_241 = arith.constant 0 : i32
    %dma_start3A_242 = tpu.memref_slice %arg10[%multiple_of3A_196, %dma_start3A_241] : memref<10240x128xf32, #tpu.memory_space<vmem_shared>> -> memref<128x128xf32, #tpu.memory_space<vmem_shared>>
    %dma_start3A_243 = arith.constant 0 : i32
    %dma_start3A_244 = tpu.memref_slice %arg10[%multiple_of3A_196, %dma_start3A_243] : memref<10240x128xf32, #tpu.memory_space<vmem_shared>> -> memref<128x128xf32, #tpu.memory_space<vmem_shared>>
    tpu.enqueue_dma source(%dma_start3A_244 : memref<128x128xf32, #tpu.memory_space<vmem_shared>>) target(%arg8 : memref<128x128xf32, #tpu.memory_space<vmem>>) target_semaphore(%arg11 : memref<!tpu.dma_semaphore, #tpu.memory_space<semaphore_mem>>)
    %dma_wait3A_245 = arith.constant 0 : i32
    %dma_wait3A_246 = tpu.memref_slice %arg10[%multiple_of3A_196, %dma_wait3A_245] : memref<10240x128xf32, #tpu.memory_space<vmem_shared>> -> memref<128x128xf32, #tpu.memory_space<vmem_shared>>
    %dma_wait3A_247 = arith.constant 0 : i32
    %dma_wait3A_248 = tpu.memref_slice %arg10[%multiple_of3A_196, %dma_wait3A_247] : memref<10240x128xf32, #tpu.memory_space<vmem_shared>> -> memref<128x128xf32, #tpu.memory_space<vmem_shared>>
    tpu.wait_dma2 semaphore(%arg11 : memref<!tpu.dma_semaphore, #tpu.memory_space<semaphore_mem>>) src(%dma_wait3A_248 : memref<128x128xf32, #tpu.memory_space<vmem_shared>>) dst(%arg8 : memref<128x128xf32, #tpu.memory_space<vmem>>)
    %dma_wait3A_249 = arith.constant 0 : i32
    %dma_wait3A_250 = tpu.memref_slice %arg5[%arg0, %multiple_of3A_191, %dma_wait3A_249] : memref<2x10240x128xf32, #tpu.memory_space<hbm>> -> memref<1x128x128xf32, #tpu.memory_space<hbm>>
    %dma_wait3A_251 = tpu.memref_squeeze %dma_wait3A_250 : memref<1x128x128xf32, #tpu.memory_space<hbm>> -> memref<128x128xf32, #tpu.memory_space<hbm>>
    %dma_wait3A_252 = arith.constant 0 : i32
    %dma_wait3A_253 = tpu.memref_slice %arg5[%arg0, %multiple_of3A_191, %dma_wait3A_252] : memref<2x10240x128xf32, #tpu.memory_space<hbm>> -> memref<1x128x128xf32, #tpu.memory_space<hbm>>
    %dma_wait3A_254 = tpu.memref_squeeze %dma_wait3A_253 : memref<1x128x128xf32, #tpu.memory_space<hbm>> -> memref<128x128xf32, #tpu.memory_space<hbm>>
    tpu.wait_dma2 semaphore(%arg14 : memref<!tpu.dma_semaphore, #tpu.memory_space<semaphore_mem>>) src(%arg9 : memref<128x128xf32, #tpu.memory_space<vmem>>) dst(%dma_wait3A_254 : memref<128x128xf32, #tpu.memory_space<hbm>>)
    %dma_start3A_255 = arith.constant 0 : i32
    %dma_start3A_256 = tpu.memref_slice %arg5[%arg0, %multiple_of3A_196, %dma_start3A_255] : memref<2x10240x128xf32, #tpu.memory_space<hbm>> -> memref<1x128x128xf32, #tpu.memory_space<hbm>>
    %dma_start3A_257 = tpu.memref_squeeze %dma_start3A_256 : memref<1x128x128xf32, #tpu.memory_space<hbm>> -> memref<128x128xf32, #tpu.memory_space<hbm>>
    %dma_start3A_258 = arith.constant 0 : i32
    %dma_start3A_259 = tpu.memref_slice %arg5[%arg0, %multiple_of3A_196, %dma_start3A_258] : memref<2x10240x128xf32, #tpu.memory_space<hbm>> -> memref<1x128x128xf32, #tpu.memory_space<hbm>>
    %dma_start3A_260 = tpu.memref_squeeze %dma_start3A_259 : memref<1x128x128xf32, #tpu.memory_space<hbm>> -> memref<128x128xf32, #tpu.memory_space<hbm>>
    tpu.enqueue_dma source(%arg8 : memref<128x128xf32, #tpu.memory_space<vmem>>) target(%dma_start3A_260 : memref<128x128xf32, #tpu.memory_space<hbm>>) target_semaphore(%arg13 : memref<!tpu.dma_semaphore, #tpu.memory_space<semaphore_mem>>)
    %dma_start3A_261 = arith.constant 0 : i32
    %dma_start3A_262 = tpu.memref_slice %arg10[%multiple_of3A_201, %dma_start3A_261] : memref<10240x128xf32, #tpu.memory_space<vmem_shared>> -> memref<128x128xf32, #tpu.memory_space<vmem_shared>>
    %dma_start3A_263 = arith.constant 0 : i32
    %dma_start3A_264 = tpu.memref_slice %arg10[%multiple_of3A_201, %dma_start3A_263] : memref<10240x128xf32, #tpu.memory_space<vmem_shared>> -> memref<128x128xf32, #tpu.memory_space<vmem_shared>>
    tpu.enqueue_dma source(%dma_start3A_264 : memref<128x128xf32, #tpu.memory_space<vmem_shared>>) target(%arg9 : memref<128x128xf32, #tpu.memory_space<vmem>>) target_semaphore(%arg12 : memref<!tpu.dma_semaphore, #tpu.memory_space<semaphore_mem>>)
    %dma_wait3A_265 = arith.constant 0 : i32
    %dma_wait3A_266 = tpu.memref_slice %arg10[%multiple_of3A_201, %dma_wait3A_265] : memref<10240x128xf32, #tpu.memory_space<vmem_shared>> -> memref<128x128xf32, #tpu.memory_space<vmem_shared>>
    %dma_wait3A_267 = arith.constant 0 : i32
    %dma_wait3A_268 = tpu.memref_slice %arg10[%multiple_of3A_201, %dma_wait3A_267] : memref<10240x128xf32, #tpu.memory_space<vmem_shared>> -> memref<128x128xf32, #tpu.memory_space<vmem_shared>>
    tpu.wait_dma2 semaphore(%arg12 : memref<!tpu.dma_semaphore, #tpu.memory_space<semaphore_mem>>) src(%dma_wait3A_268 : memref<128x128xf32, #tpu.memory_space<vmem_shared>>) dst(%arg9 : memref<128x128xf32, #tpu.memory_space<vmem>>)
    %dma_wait3A_269 = arith.constant 0 : i32
    %dma_wait3A_270 = tpu.memref_slice %arg5[%arg0, %multiple_of3A_196, %dma_wait3A_269] : memref<2x10240x128xf32, #tpu.memory_space<hbm>> -> memref<1x128x128xf32, #tpu.memory_space<hbm>>
    %dma_wait3A_271 = tpu.memref_squeeze %dma_wait3A_270 : memref<1x128x128xf32, #tpu.memory_space<hbm>> -> memref<128x128xf32, #tpu.memory_space<hbm>>
    %dma_wait3A_272 = arith.constant 0 : i32
    %dma_wait3A_273 = tpu.memref_slice %arg5[%arg0, %multiple_of3A_196, %dma_wait3A_272] : memref<2x10240x128xf32, #tpu.memory_space<hbm>> -> memref<1x128x128xf32, #tpu.memory_space<hbm>>
    %dma_wait3A_274 = tpu.memref_squeeze %dma_wait3A_273 : memref<1x128x128xf32, #tpu.memory_space<hbm>> -> memref<128x128xf32, #tpu.memory_space<hbm>>
    tpu.wait_dma2 semaphore(%arg13 : memref<!tpu.dma_semaphore, #tpu.memory_space<semaphore_mem>>) src(%arg8 : memref<128x128xf32, #tpu.memory_space<vmem>>) dst(%dma_wait3A_274 : memref<128x128xf32, #tpu.memory_space<hbm>>)
    %dma_start3A_275 = arith.constant 0 : i32
    %dma_start3A_276 = tpu.memref_slice %arg5[%arg0, %multiple_of3A_201, %dma_start3A_275] : memref<2x10240x128xf32, #tpu.memory_space<hbm>> -> memref<1x128x128xf32, #tpu.memory_space<hbm>>
    %dma_start3A_277 = tpu.memref_squeeze %dma_start3A_276 : memref<1x128x128xf32, #tpu.memory_space<hbm>> -> memref<128x128xf32, #tpu.memory_space<hbm>>
    %dma_start3A_278 = arith.constant 0 : i32
    %dma_start3A_279 = tpu.memref_slice %arg5[%arg0, %multiple_of3A_201, %dma_start3A_278] : memref<2x10240x128xf32, #tpu.memory_space<hbm>> -> memref<1x128x128xf32, #tpu.memory_space<hbm>>
    %dma_start3A_280 = tpu.memref_squeeze %dma_start3A_279 : memref<1x128x128xf32, #tpu.memory_space<hbm>> -> memref<128x128xf32, #tpu.memory_space<hbm>>
    tpu.enqueue_dma source(%arg9 : memref<128x128xf32, #tpu.memory_space<vmem>>) target(%dma_start3A_280 : memref<128x128xf32, #tpu.memory_space<hbm>>) target_semaphore(%arg14 : memref<!tpu.dma_semaphore, #tpu.memory_space<semaphore_mem>>)
    %dma_start3A_281 = arith.constant 0 : i32
    %dma_start3A_282 = tpu.memref_slice %arg10[%multiple_of3A_206, %dma_start3A_281] : memref<10240x128xf32, #tpu.memory_space<vmem_shared>> -> memref<128x128xf32, #tpu.memory_space<vmem_shared>>
    %dma_start3A_283 = arith.constant 0 : i32
    %dma_start3A_284 = tpu.memref_slice %arg10[%multiple_of3A_206, %dma_start3A_283] : memref<10240x128xf32, #tpu.memory_space<vmem_shared>> -> memref<128x128xf32, #tpu.memory_space<vmem_shared>>
    tpu.enqueue_dma source(%dma_start3A_284 : memref<128x128xf32, #tpu.memory_space<vmem_shared>>) target(%arg8 : memref<128x128xf32, #tpu.memory_space<vmem>>) target_semaphore(%arg11 : memref<!tpu.dma_semaphore, #tpu.memory_space<semaphore_mem>>)
    %dma_wait3A_285 = arith.constant 0 : i32
    %dma_wait3A_286 = tpu.memref_slice %arg10[%multiple_of3A_206, %dma_wait3A_285] : memref<10240x128xf32, #tpu.memory_space<vmem_shared>> -> memref<128x128xf32, #tpu.memory_space<vmem_shared>>
    %dma_wait3A_287 = arith.constant 0 : i32
    %dma_wait3A_288 = tpu.memref_slice %arg10[%multiple_of3A_206, %dma_wait3A_287] : memref<10240x128xf32, #tpu.memory_space<vmem_shared>> -> memref<128x128xf32, #tpu.memory_space<vmem_shared>>
    tpu.wait_dma2 semaphore(%arg11 : memref<!tpu.dma_semaphore, #tpu.memory_space<semaphore_mem>>) src(%dma_wait3A_288 : memref<128x128xf32, #tpu.memory_space<vmem_shared>>) dst(%arg8 : memref<128x128xf32, #tpu.memory_space<vmem>>)
    %dma_wait3A_289 = arith.constant 0 : i32
    %dma_wait3A_290 = tpu.memref_slice %arg5[%arg0, %multiple_of3A_201, %dma_wait3A_289] : memref<2x10240x128xf32, #tpu.memory_space<hbm>> -> memref<1x128x128xf32, #tpu.memory_space<hbm>>
    %dma_wait3A_291 = tpu.memref_squeeze %dma_wait3A_290 : memref<1x128x128xf32, #tpu.memory_space<hbm>> -> memref<128x128xf32, #tpu.memory_space<hbm>>
    %dma_wait3A_292 = arith.constant 0 : i32
    %dma_wait3A_293 = tpu.memref_slice %arg5[%arg0, %multiple_of3A_201, %dma_wait3A_292] : memref<2x10240x128xf32, #tpu.memory_space<hbm>> -> memref<1x128x128xf32, #tpu.memory_space<hbm>>
    %dma_wait3A_294 = tpu.memref_squeeze %dma_wait3A_293 : memref<1x128x128xf32, #tpu.memory_space<hbm>> -> memref<128x128xf32, #tpu.memory_space<hbm>>
    tpu.wait_dma2 semaphore(%arg14 : memref<!tpu.dma_semaphore, #tpu.memory_space<semaphore_mem>>) src(%arg9 : memref<128x128xf32, #tpu.memory_space<vmem>>) dst(%dma_wait3A_294 : memref<128x128xf32, #tpu.memory_space<hbm>>)
    %dma_start3A_295 = arith.constant 0 : i32
    %dma_start3A_296 = tpu.memref_slice %arg5[%arg0, %multiple_of3A_206, %dma_start3A_295] : memref<2x10240x128xf32, #tpu.memory_space<hbm>> -> memref<1x128x128xf32, #tpu.memory_space<hbm>>
    %dma_start3A_297 = tpu.memref_squeeze %dma_start3A_296 : memref<1x128x128xf32, #tpu.memory_space<hbm>> -> memref<128x128xf32, #tpu.memory_space<hbm>>
    %dma_start3A_298 = arith.constant 0 : i32
    %dma_start3A_299 = tpu.memref_slice %arg5[%arg0, %multiple_of3A_206, %dma_start3A_298] : memref<2x10240x128xf32, #tpu.memory_space<hbm>> -> memref<1x128x128xf32, #tpu.memory_space<hbm>>
    %dma_start3A_300 = tpu.memref_squeeze %dma_start3A_299 : memref<1x128x128xf32, #tpu.memory_space<hbm>> -> memref<128x128xf32, #tpu.memory_space<hbm>>
    tpu.enqueue_dma source(%arg8 : memref<128x128xf32, #tpu.memory_space<vmem>>) target(%dma_start3A_300 : memref<128x128xf32, #tpu.memory_space<hbm>>) target_semaphore(%arg13 : memref<!tpu.dma_semaphore, #tpu.memory_space<semaphore_mem>>)
    %dma_wait3A_301 = arith.constant 0 : i32
    %dma_wait3A_302 = tpu.memref_slice %arg5[%arg0, %multiple_of3A_206, %dma_wait3A_301] : memref<2x10240x128xf32, #tpu.memory_space<hbm>> -> memref<1x128x128xf32, #tpu.memory_space<hbm>>
    %dma_wait3A_303 = tpu.memref_squeeze %dma_wait3A_302 : memref<1x128x128xf32, #tpu.memory_space<hbm>> -> memref<128x128xf32, #tpu.memory_space<hbm>>
    %dma_wait3A_304 = arith.constant 0 : i32
    %dma_wait3A_305 = tpu.memref_slice %arg5[%arg0, %multiple_of3A_206, %dma_wait3A_304] : memref<2x10240x128xf32, #tpu.memory_space<hbm>> -> memref<1x128x128xf32, #tpu.memory_space<hbm>>
    %dma_wait3A_306 = tpu.memref_squeeze %dma_wait3A_305 : memref<1x128x128xf32, #tpu.memory_space<hbm>> -> memref<128x128xf32, #tpu.memory_space<hbm>>
    tpu.wait_dma2 semaphore(%arg13 : memref<!tpu.dma_semaphore, #tpu.memory_space<semaphore_mem>>) src(%arg8 : memref<128x128xf32, #tpu.memory_space<vmem>>) dst(%dma_wait3A_306 : memref<128x128xf32, #tpu.memory_space<hbm>>)
    return
  }
}

#map = affine_map<(d0, d1) -> (0, 0)>
#map1 = affine_map<(d0, d1) -> (0, 0, 0)>
module attributes {stable_mosaic.version = 14 : i64} {
  func.func @k(%arg0: i32, %arg1: i32, %arg2: memref<10000x128xf32, #tpu.memory_space<hbm>>, %arg3: memref<32x80x128xi32, #tpu.memory_space<hbm>>, %arg4: memref<32x80x128xi32, #tpu.memory_space<hbm>>, %arg5: memref<2x10240x128xf32, #tpu.memory_space<hbm>>, %arg6: memref<40x128xi32, #tpu.memory_space<vmem>>, %arg7: memref<40x128xi32, #tpu.memory_space<vmem>>, %arg8: memref<128x128xf32, #tpu.memory_space<vmem>>, %arg9: memref<128x128xf32, #tpu.memory_space<vmem>>, %arg10: memref<10240x128xf32, #tpu.memory_space<vmem_shared>>, %arg11: memref<!tpu.dma_semaphore, #tpu.memory_space<semaphore_mem>>, %arg12: memref<!tpu.dma_semaphore, #tpu.memory_space<semaphore_mem>>, %arg13: memref<!tpu.dma_semaphore, #tpu.memory_space<semaphore_mem>>, %arg14: memref<!tpu.dma_semaphore, #tpu.memory_space<semaphore_mem>>) attributes {dimension_semantics = [#tpu.dimension_semantics<core_parallel>, #tpu.dimension_semantics<subcore_parallel>], iteration_bounds = array<i64: 2, 16>, scalar_prefetch = 0 : i64, scratch_operands = 9 : i64, tpu.core_type = #tpu.core_type<sc_vector_subcore>, window_params = [{transform_indices = #map}, {transform_indices = #map1}, {transform_indices = #map1}, {transform_indices = #map1}]} {
    %mul3A = arith.constant 2 : i32
    %mul3A_0 = arith.muli %arg1, %mul3A : i32
    %add3A = arith.addi %mul3A_0, %arg0 : i32
    %dma_start3A = arith.constant 0 : i32
    %dma_start3A_1 = arith.constant 0 : i32
    %dma_start3A_2 = tpu.memref_slice %arg3[%add3A, %dma_start3A, %dma_start3A_1] : memref<32x80x128xi32, #tpu.memory_space<hbm>> -> memref<1x40x128xi32, #tpu.memory_space<hbm>>
    %dma_start3A_3 = tpu.memref_squeeze %dma_start3A_2 : memref<1x40x128xi32, #tpu.memory_space<hbm>> -> memref<40x128xi32, #tpu.memory_space<hbm>>
    %dma_start3A_4 = arith.constant 0 : i32
    %dma_start3A_5 = arith.constant 0 : i32
    %dma_start3A_6 = tpu.memref_slice %arg3[%add3A, %dma_start3A_4, %dma_start3A_5] : memref<32x80x128xi32, #tpu.memory_space<hbm>> -> memref<1x40x128xi32, #tpu.memory_space<hbm>>
    %dma_start3A_7 = tpu.memref_squeeze %dma_start3A_6 : memref<1x40x128xi32, #tpu.memory_space<hbm>> -> memref<40x128xi32, #tpu.memory_space<hbm>>
    tpu.enqueue_dma source(%dma_start3A_7 : memref<40x128xi32, #tpu.memory_space<hbm>>) target(%arg6 : memref<40x128xi32, #tpu.memory_space<vmem>>) target_semaphore(%arg11 : memref<!tpu.dma_semaphore, #tpu.memory_space<semaphore_mem>>)
    %dma_start3A_8 = arith.constant 0 : i32
    %dma_start3A_9 = arith.constant 0 : i32
    %dma_start3A_10 = tpu.memref_slice %arg4[%add3A, %dma_start3A_8, %dma_start3A_9] : memref<32x80x128xi32, #tpu.memory_space<hbm>> -> memref<1x40x128xi32, #tpu.memory_space<hbm>>
    %dma_start3A_11 = tpu.memref_squeeze %dma_start3A_10 : memref<1x40x128xi32, #tpu.memory_space<hbm>> -> memref<40x128xi32, #tpu.memory_space<hbm>>
    %dma_start3A_12 = arith.constant 0 : i32
    %dma_start3A_13 = arith.constant 0 : i32
    %dma_start3A_14 = tpu.memref_slice %arg4[%add3A, %dma_start3A_12, %dma_start3A_13] : memref<32x80x128xi32, #tpu.memory_space<hbm>> -> memref<1x40x128xi32, #tpu.memory_space<hbm>>
    %dma_start3A_15 = tpu.memref_squeeze %dma_start3A_14 : memref<1x40x128xi32, #tpu.memory_space<hbm>> -> memref<40x128xi32, #tpu.memory_space<hbm>>
    tpu.enqueue_dma source(%dma_start3A_15 : memref<40x128xi32, #tpu.memory_space<hbm>>) target(%arg7 : memref<40x128xi32, #tpu.memory_space<vmem>>) target_semaphore(%arg12 : memref<!tpu.dma_semaphore, #tpu.memory_space<semaphore_mem>>)
    %scan3A = arith.constant 0 : i32
    %scan3A_16 = arith.constant 0 : i32
    %scan3A_17 = arith.constant 1024 : i32
    %scan3A_18 = arith.addi %scan3A_16, %scan3A_17 : i32
    %scan3A_19 = arith.constant 1 : i32
    scf.for %scan3A_307 = %scan3A_16 to %scan3A_18 step %scan3A_19  : i32 {
      %shift_right_arithmetic3A = arith.constant 3 : i32
      %shift_right_arithmetic3A_308 = arith.shrsi %scan3A_307, %shift_right_arithmetic3A : i32
      %and3A = arith.constant 7 : i32
      %and3A_309 = arith.andi %scan3A_307, %and3A : i32
      %shift_left3A = arith.constant 4 : i32
      %shift_left3A_310 = arith.shli %and3A_309, %shift_left3A : i32
      %broadcast_in_dim3A = arith.constant 0.000000e+00 : f32
      %broadcast_in_dim3A_311 = vector.broadcast %broadcast_in_dim3A : f32 to vector<16xf32>
      %swap3A = arith.index_cast %shift_right_arithmetic3A_308 : i32 to index
      %swap3A_312 = arith.index_cast %shift_left3A_310 : i32 to index
      %swap3A_313 = tpu.vector_load %arg8[%swap3A, %swap3A_312] {strides = array<i32>} : memref<128x128xf32, #tpu.memory_space<vmem>>, vector<1x16xf32>,
      %swap3A_314 = vector.shape_cast %swap3A_313 : vector<1x16xf32> to vector<16xf32>
      %swap3A_315 = vector.shape_cast %broadcast_in_dim3A_311 : vector<16xf32> to vector<1x16xf32>
      tpu.vector_store %arg8[%swap3A, %swap3A_312], %swap3A_315 {strides = array<i32>} : memref<128x128xf32, #tpu.memory_space<vmem>>, vector<1x16xf32>,
    }
    %scan3A_20 = arith.constant 1024 : i32
    %mul3A_21 = arith.constant 640 : i32
    %mul3A_22 = arith.muli %arg1, %mul3A_21 : i32
    %add3A_23 = arith.constant 0 : i32
    %add3A_24 = arith.addi %mul3A_22, %add3A_23 : i32
    %multiple_of3A = tpu.assume_multiple %add3A_24, 128 : i32
    %dma_start3A_25 = arith.constant 0 : i32
    %dma_start3A_26 = tpu.memref_slice %arg10[%multiple_of3A, %dma_start3A_25] : memref<10240x128xf32, #tpu.memory_space<vmem_shared>> -> memref<128x128xf32, #tpu.memory_space<vmem_shared>>
    %dma_start3A_27 = arith.constant 0 : i32
    %dma_start3A_28 = tpu.memref_slice %arg10[%multiple_of3A, %dma_start3A_27] : memref<10240x128xf32, #tpu.memory_space<vmem_shared>> -> memref<128x128xf32, #tpu.memory_space<vmem_shared>>
    tpu.enqueue_dma source(%arg8 : memref<128x128xf32, #tpu.memory_space<vmem>>) target(%dma_start3A_28 : memref<128x128xf32, #tpu.memory_space<vmem_shared>>) target_semaphore(%arg13 : memref<!tpu.dma_semaphore, #tpu.memory_space<semaphore_mem>>)
    %mul3A_29 = arith.constant 640 : i32
    %mul3A_30 = arith.muli %arg1, %mul3A_29 : i32
    %add3A_31 = arith.constant 128 : i32
    %add3A_32 = arith.addi %mul3A_30, %add3A_31 : i32
    %multiple_of3A_33 = tpu.assume_multiple %add3A_32, 128 : i32
    %dma_start3A_34 = arith.constant 0 : i32
    %dma_start3A_35 = tpu.memref_slice %arg10[%multiple_of3A_33, %dma_start3A_34] : memref<10240x128xf32, #tpu.memory_space<vmem_shared>> -> memref<128x128xf32, #tpu.memory_space<vmem_shared>>
    %dma_start3A_36 = arith.constant 0 : i32
    %dma_start3A_37 = tpu.memref_slice %arg10[%multiple_of3A_33, %dma_start3A_36] : memref<10240x128xf32, #tpu.memory_space<vmem_shared>> -> memref<128x128xf32, #tpu.memory_space<vmem_shared>>
    tpu.enqueue_dma source(%arg8 : memref<128x128xf32, #tpu.memory_space<vmem>>) target(%dma_start3A_37 : memref<128x128xf32, #tpu.memory_space<vmem_shared>>) target_semaphore(%arg13 : memref<!tpu.dma_semaphore, #tpu.memory_space<semaphore_mem>>)
    %mul3A_38 = arith.constant 640 : i32
    %mul3A_39 = arith.muli %arg1, %mul3A_38 : i32
    %add3A_40 = arith.constant 256 : i32
    %add3A_41 = arith.addi %mul3A_39, %add3A_40 : i32
    %multiple_of3A_42 = tpu.assume_multiple %add3A_41, 128 : i32
    %dma_start3A_43 = arith.constant 0 : i32
    %dma_start3A_44 = tpu.memref_slice %arg10[%multiple_of3A_42, %dma_start3A_43] : memref<10240x128xf32, #tpu.memory_space<vmem_shared>> -> memref<128x128xf32, #tpu.memory_space<vmem_shared>>
    %dma_start3A_45 = arith.constant 0 : i32
    %dma_start3A_46 = tpu.memref_slice %arg10[%multiple_of3A_42, %dma_start3A_45] : memref<10240x128xf32, #tpu.memory_space<vmem_shared>> -> memref<128x128xf32, #tpu.memory_space<vmem_shared>>
    tpu.enqueue_dma source(%arg8 : memref<128x128xf32, #tpu.memory_space<vmem>>) target(%dma_start3A_46 : memref<128x128xf32, #tpu.memory_space<vmem_shared>>) target_semaphore(%arg13 : memref<!tpu.dma_semaphore, #tpu.memory_space<semaphore_mem>>)
    %mul3A_47 = arith.constant 640 : i32
    %mul3A_48 = arith.muli %arg1, %mul3A_47 : i32
    %add3A_49 = arith.constant 384 : i32
    %add3A_50 = arith.addi %mul3A_48, %add3A_49 : i32
    %multiple_of3A_51 = tpu.assume_multiple %add3A_50, 128 : i32
    %dma_start3A_52 = arith.constant 0 : i32
    %dma_start3A_53 = tpu.memref_slice %arg10[%multiple_of3A_51, %dma_start3A_52] : memref<10240x128xf32, #tpu.memory_space<vmem_shared>> -> memref<128x128xf32, #tpu.memory_space<vmem_shared>>
    %dma_start3A_54 = arith.constant 0 : i32
    %dma_start3A_55 = tpu.memref_slice %arg10[%multiple_of3A_51, %dma_start3A_54] : memref<10240x128xf32, #tpu.memory_space<vmem_shared>> -> memref<128x128xf32, #tpu.memory_space<vmem_shared>>
    tpu.enqueue_dma source(%arg8 : memref<128x128xf32, #tpu.memory_space<vmem>>) target(%dma_start3A_55 : memref<128x128xf32, #tpu.memory_space<vmem_shared>>) target_semaphore(%arg13 : memref<!tpu.dma_semaphore, #tpu.memory_space<semaphore_mem>>)
    %mul3A_56 = arith.constant 640 : i32
    %mul3A_57 = arith.muli %arg1, %mul3A_56 : i32
    %add3A_58 = arith.constant 512 : i32
    %add3A_59 = arith.addi %mul3A_57, %add3A_58 : i32
    %multiple_of3A_60 = tpu.assume_multiple %add3A_59, 128 : i32
    %dma_start3A_61 = arith.constant 0 : i32
    %dma_start3A_62 = tpu.memref_slice %arg10[%multiple_of3A_60, %dma_start3A_61] : memref<10240x128xf32, #tpu.memory_space<vmem_shared>> -> memref<128x128xf32, #tpu.memory_space<vmem_shared>>
    %dma_start3A_63 = arith.constant 0 : i32
    %dma_start3A_64 = tpu.memref_slice %arg10[%multiple_of3A_60, %dma_start3A_63] : memref<10240x128xf32, #tpu.memory_space<vmem_shared>> -> memref<128x128xf32, #tpu.memory_space<vmem_shared>>
    tpu.enqueue_dma source(%arg8 : memref<128x128xf32, #tpu.memory_space<vmem>>) target(%dma_start3A_64 : memref<128x128xf32, #tpu.memory_space<vmem_shared>>) target_semaphore(%arg13 : memref<!tpu.dma_semaphore, #tpu.memory_space<semaphore_mem>>)
    %mul3A_65 = arith.constant 640 : i32
    %mul3A_66 = arith.muli %arg1, %mul3A_65 : i32
    %add3A_67 = arith.constant 0 : i32
    %add3A_68 = arith.addi %mul3A_66, %add3A_67 : i32
    %multiple_of3A_69 = tpu.assume_multiple %add3A_68, 128 : i32
    %dma_wait3A = arith.constant 0 : i32
    %dma_wait3A_70 = tpu.memref_slice %arg10[%multiple_of3A_69, %dma_wait3A] : memref<10240x128xf32, #tpu.memory_space<vmem_shared>> -> memref<128x128xf32, #tpu.memory_space<vmem_shared>>
    %dma_wait3A_71 = arith.constant 0 : i32
    %dma_wait3A_72 = tpu.memref_slice %arg10[%multiple_of3A_69, %dma_wait3A_71] : memref<10240x128xf32, #tpu.memory_space<vmem_shared>> -> memref<128x128xf32, #tpu.memory_space<vmem_shared>>
    tpu.wait_dma2 semaphore(%arg13 : memref<!tpu.dma_semaphore, #tpu.memory_space<semaphore_mem>>) src(%arg8 : memref<128x128xf32, #tpu.memory_space<vmem>>) dst(%dma_wait3A_72 : memref<128x128xf32, #tpu.memory_space<vmem_shared>>)
    %mul3A_73 = arith.constant 640 : i32
    %mul3A_74 = arith.muli %arg1, %mul3A_73 : i32
    %add3A_75 = arith.constant 128 : i32
    %add3A_76 = arith.addi %mul3A_74, %add3A_75 : i32
    %multiple_of3A_77 = tpu.assume_multiple %add3A_76, 128 : i32
    %dma_wait3A_78 = arith.constant 0 : i32
    %dma_wait3A_79 = tpu.memref_slice %arg10[%multiple_of3A_77, %dma_wait3A_78] : memref<10240x128xf32, #tpu.memory_space<vmem_shared>> -> memref<128x128xf32, #tpu.memory_space<vmem_shared>>
    %dma_wait3A_80 = arith.constant 0 : i32
    %dma_wait3A_81 = tpu.memref_slice %arg10[%multiple_of3A_77, %dma_wait3A_80] : memref<10240x128xf32, #tpu.memory_space<vmem_shared>> -> memref<128x128xf32, #tpu.memory_space<vmem_shared>>
    tpu.wait_dma2 semaphore(%arg13 : memref<!tpu.dma_semaphore, #tpu.memory_space<semaphore_mem>>) src(%arg8 : memref<128x128xf32, #tpu.memory_space<vmem>>) dst(%dma_wait3A_81 : memref<128x128xf32, #tpu.memory_space<vmem_shared>>)
    %mul3A_82 = arith.constant 640 : i32
    %mul3A_83 = arith.muli %arg1, %mul3A_82 : i32
    %add3A_84 = arith.constant 256 : i32
    %add3A_85 = arith.addi %mul3A_83, %add3A_84 : i32
    %multiple_of3A_86 = tpu.assume_multiple %add3A_85, 128 : i32
    %dma_wait3A_87 = arith.constant 0 : i32
    %dma_wait3A_88 = tpu.memref_slice %arg10[%multiple_of3A_86, %dma_wait3A_87] : memref<10240x128xf32, #tpu.memory_space<vmem_shared>> -> memref<128x128xf32, #tpu.memory_space<vmem_shared>>
    %dma_wait3A_89 = arith.constant 0 : i32
    %dma_wait3A_90 = tpu.memref_slice %arg10[%multiple_of3A_86, %dma_wait3A_89] : memref<10240x128xf32, #tpu.memory_space<vmem_shared>> -> memref<128x128xf32, #tpu.memory_space<vmem_shared>>
    tpu.wait_dma2 semaphore(%arg13 : memref<!tpu.dma_semaphore, #tpu.memory_space<semaphore_mem>>) src(%arg8 : memref<128x128xf32, #tpu.memory_space<vmem>>) dst(%dma_wait3A_90 : memref<128x128xf32, #tpu.memory_space<vmem_shared>>)
    %mul3A_91 = arith.constant 640 : i32
    %mul3A_92 = arith.muli %arg1, %mul3A_91 : i32
    %add3A_93 = arith.constant 384 : i32
    %add3A_94 = arith.addi %mul3A_92, %add3A_93 : i32
    %multiple_of3A_95 = tpu.assume_multiple %add3A_94, 128 : i32
    %dma_wait3A_96 = arith.constant 0 : i32
    %dma_wait3A_97 = tpu.memref_slice %arg10[%multiple_of3A_95, %dma_wait3A_96] : memref<10240x128xf32, #tpu.memory_space<vmem_shared>> -> memref<128x128xf32, #tpu.memory_space<vmem_shared>>
    %dma_wait3A_98 = arith.constant 0 : i32
    %dma_wait3A_99 = tpu.memref_slice %arg10[%multiple_of3A_95, %dma_wait3A_98] : memref<10240x128xf32, #tpu.memory_space<vmem_shared>> -> memref<128x128xf32, #tpu.memory_space<vmem_shared>>
    tpu.wait_dma2 semaphore(%arg13 : memref<!tpu.dma_semaphore, #tpu.memory_space<semaphore_mem>>) src(%arg8 : memref<128x128xf32, #tpu.memory_space<vmem>>) dst(%dma_wait3A_99 : memref<128x128xf32, #tpu.memory_space<vmem_shared>>)
    %mul3A_100 = arith.constant 640 : i32
    %mul3A_101 = arith.muli %arg1, %mul3A_100 : i32
    %add3A_102 = arith.constant 512 : i32
    %add3A_103 = arith.addi %mul3A_101, %add3A_102 : i32
    %multiple_of3A_104 = tpu.assume_multiple %add3A_103, 128 : i32
    %dma_wait3A_105 = arith.constant 0 : i32
    %dma_wait3A_106 = tpu.memref_slice %arg10[%multiple_of3A_104, %dma_wait3A_105] : memref<10240x128xf32, #tpu.memory_space<vmem_shared>> -> memref<128x128xf32, #tpu.memory_space<vmem_shared>>
    %dma_wait3A_107 = arith.constant 0 : i32
    %dma_wait3A_108 = tpu.memref_slice %arg10[%multiple_of3A_104, %dma_wait3A_107] : memref<10240x128xf32, #tpu.memory_space<vmem_shared>> -> memref<128x128xf32, #tpu.memory_space<vmem_shared>>
    tpu.wait_dma2 semaphore(%arg13 : memref<!tpu.dma_semaphore, #tpu.memory_space<semaphore_mem>>) src(%arg8 : memref<128x128xf32, #tpu.memory_space<vmem>>) dst(%dma_wait3A_108 : memref<128x128xf32, #tpu.memory_space<vmem_shared>>)
    %dma_wait3A_109 = arith.constant 0 : i32
    %dma_wait3A_110 = arith.constant 0 : i32
    %dma_wait3A_111 = tpu.memref_slice %arg3[%add3A, %dma_wait3A_109, %dma_wait3A_110] : memref<32x80x128xi32, #tpu.memory_space<hbm>> -> memref<1x40x128xi32, #tpu.memory_space<hbm>>
    %dma_wait3A_112 = tpu.memref_squeeze %dma_wait3A_111 : memref<1x40x128xi32, #tpu.memory_space<hbm>> -> memref<40x128xi32, #tpu.memory_space<hbm>>
    %dma_wait3A_113 = arith.constant 0 : i32
    %dma_wait3A_114 = arith.constant 0 : i32
    %dma_wait3A_115 = tpu.memref_slice %arg3[%add3A, %dma_wait3A_113, %dma_wait3A_114] : memref<32x80x128xi32, #tpu.memory_space<hbm>> -> memref<1x40x128xi32, #tpu.memory_space<hbm>>
    %dma_wait3A_116 = tpu.memref_squeeze %dma_wait3A_115 : memref<1x40x128xi32, #tpu.memory_space<hbm>> -> memref<40x128xi32, #tpu.memory_space<hbm>>
    tpu.wait_dma2 semaphore(%arg11 : memref<!tpu.dma_semaphore, #tpu.memory_space<semaphore_mem>>) src(%dma_wait3A_116 : memref<40x128xi32, #tpu.memory_space<hbm>>) dst(%arg6 : memref<40x128xi32, #tpu.memory_space<vmem>>)
    %dma_wait3A_117 = arith.constant 0 : i32
    %dma_wait3A_118 = arith.constant 0 : i32
    %dma_wait3A_119 = tpu.memref_slice %arg4[%add3A, %dma_wait3A_117, %dma_wait3A_118] : memref<32x80x128xi32, #tpu.memory_space<hbm>> -> memref<1x40x128xi32, #tpu.memory_space<hbm>>
    %dma_wait3A_120 = tpu.memref_squeeze %dma_wait3A_119 : memref<1x40x128xi32, #tpu.memory_space<hbm>> -> memref<40x128xi32, #tpu.memory_space<hbm>>
    %dma_wait3A_121 = arith.constant 0 : i32
    %dma_wait3A_122 = arith.constant 0 : i32
    %dma_wait3A_123 = tpu.memref_slice %arg4[%add3A, %dma_wait3A_121, %dma_wait3A_122] : memref<32x80x128xi32, #tpu.memory_space<hbm>> -> memref<1x40x128xi32, #tpu.memory_space<hbm>>
    %dma_wait3A_124 = tpu.memref_squeeze %dma_wait3A_123 : memref<1x40x128xi32, #tpu.memory_space<hbm>> -> memref<40x128xi32, #tpu.memory_space<hbm>>
    tpu.wait_dma2 semaphore(%arg12 : memref<!tpu.dma_semaphore, #tpu.memory_space<semaphore_mem>>) src(%dma_wait3A_124 : memref<40x128xi32, #tpu.memory_space<hbm>>) dst(%arg7 : memref<40x128xi32, #tpu.memory_space<vmem>>)
    %dma_start3A_125 = arith.constant 0 : i32
    %dma_start3A_126 = arith.constant 0 : i32
    %dma_start3A_127 = tpu.memref_slice %arg6[%dma_start3A_125, %dma_start3A_126] : memref<40x128xi32, #tpu.memory_space<vmem>> -> memref<1x128xi32, #tpu.memory_space<vmem>>
    %dma_start3A_128 = tpu.memref_squeeze %dma_start3A_127 : memref<1x128xi32, #tpu.memory_space<vmem>> -> memref<128xi32, #tpu.memory_space<vmem>>
    %dma_start3A_129 = arith.constant 0 : i32
    %dma_start3A_130 = arith.constant 0 : i32
    %dma_start3A_131 = tpu.memref_slice %arg2[%dma_start3A_129, %dma_start3A_130] : memref<10000x128xf32, #tpu.memory_space<hbm>> -> memref<10000x128xf32, #tpu.memory_space<hbm>>
    tpu.enqueue_indirect_dma source(%dma_start3A_131 : memref<10000x128xf32, #tpu.memory_space<hbm>>) target(%arg8 : memref<128x128xf32, #tpu.memory_space<vmem>>) offsets(%dma_start3A_128 : memref<128xi32, #tpu.memory_space<vmem>>) semaphore(%arg11 : memref<!tpu.dma_semaphore, #tpu.memory_space<semaphore_mem>>)
    %barrier3A = arith.constant 0 : index
    tpu.barrier barrier_id(%barrier3A)
    %scan3A_132 = arith.constant 0 : i32
    %scan3A_133 = arith.constant 0 : i32
    %scan3A_134 = arith.constant 20 : i32
    %scan3A_135 = arith.addi %scan3A_133, %scan3A_134 : i32
    %scan3A_136 = arith.constant 1 : i32
    scf.for %scan3A_307 = %scan3A_133 to %scan3A_135 step %scan3A_136  : i32 {
      %mul3A_308 = arith.constant 2 : i32
      %mul3A_309 = arith.muli %mul3A_308, %scan3A_307 : i32
      %add3A_310 = arith.constant 1 : i32
      %add3A_311 = arith.addi %mul3A_309, %add3A_310 : i32
      %dma_wait3A_312 = arith.constant 0 : i32
      %dma_wait3A_313 = tpu.memref_slice %arg6[%mul3A_309, %dma_wait3A_312] : memref<40x128xi32, #tpu.memory_space<vmem>> -> memref<1x128xi32, #tpu.memory_space<vmem>>
      %dma_wait3A_314 = tpu.memref_squeeze %dma_wait3A_313 : memref<1x128xi32, #tpu.memory_space<vmem>> -> memref<128xi32, #tpu.memory_space<vmem>>
      %dma_wait3A_315 = arith.constant 0 : i32
      %dma_wait3A_316 = arith.constant 0 : i32
      %dma_wait3A_317 = tpu.memref_slice %arg2[%dma_wait3A_315, %dma_wait3A_316] : memref<10000x128xf32, #tpu.memory_space<hbm>> -> memref<10000x128xf32, #tpu.memory_space<hbm>>
      tpu.wait_indirect_dma semaphore(%arg11 : memref<!tpu.dma_semaphore, #tpu.memory_space<semaphore_mem>>) src(%dma_wait3A_317 : memref<10000x128xf32, #tpu.memory_space<hbm>>) dst(%arg8 : memref<128x128xf32, #tpu.memory_space<vmem>>)
      %dma_start3A_318 = arith.constant 0 : i32
      %dma_start3A_319 = tpu.memref_slice %arg7[%mul3A_309, %dma_start3A_318] : memref<40x128xi32, #tpu.memory_space<vmem>> -> memref<1x128xi32, #tpu.memory_space<vmem>>
      %dma_start3A_320 = tpu.memref_squeeze %dma_start3A_319 : memref<1x128xi32, #tpu.memory_space<vmem>> -> memref<128xi32, #tpu.memory_space<vmem>>
      %dma_start3A_321 = arith.constant 0 : i32
      %dma_start3A_322 = arith.constant 0 : i32
      %dma_start3A_323 = tpu.memref_slice %arg10[%dma_start3A_321, %dma_start3A_322] : memref<10240x128xf32, #tpu.memory_space<vmem_shared>> -> memref<10240x128xf32, #tpu.memory_space<vmem_shared>>
      tpu.enqueue_indirect_dma source(%arg8 : memref<128x128xf32, #tpu.memory_space<vmem>>) target(%dma_start3A_323 : memref<10240x128xf32, #tpu.memory_space<vmem_shared>>) offsets(%dma_start3A_320 : memref<128xi32, #tpu.memory_space<vmem>>) semaphore(%arg13 : memref<!tpu.dma_semaphore, #tpu.memory_space<semaphore_mem>>) {add = true}
      %gt3A = arith.constant 0 : i32
      %gt3A_324 = arith.cmpi sgt, %mul3A_309, %gt3A : i32
      %convert_element_type3A = arith.extui %gt3A_324 : i1 to i32
      %cond3A = arith.constant 0 : i32
      %cond3A_325 = arith.cmpi ne, %convert_element_type3A, %cond3A : i32
      scf.if %cond3A_325 {
        %sub3A = arith.constant 1 : i32
        %sub3A_356 = arith.subi %mul3A_309, %sub3A : i32
        %dma_wait3A_357 = arith.constant 0 : i32
        %dma_wait3A_358 = tpu.memref_slice %arg7[%sub3A_356, %dma_wait3A_357] : memref<40x128xi32, #tpu.memory_space<vmem>> -> memref<1x128xi32, #tpu.memory_space<vmem>>
        %dma_wait3A_359 = tpu.memref_squeeze %dma_wait3A_358 : memref<1x128xi32, #tpu.memory_space<vmem>> -> memref<128xi32, #tpu.memory_space<vmem>>
        %dma_wait3A_360 = arith.constant 0 : i32
        %dma_wait3A_361 = arith.constant 0 : i32
        %dma_wait3A_362 = tpu.memref_slice %arg10[%dma_wait3A_360, %dma_wait3A_361] : memref<10240x128xf32, #tpu.memory_space<vmem_shared>> -> memref<10240x128xf32, #tpu.memory_space<vmem_shared>>
        tpu.wait_indirect_dma semaphore(%arg14 : memref<!tpu.dma_semaphore, #tpu.memory_space<semaphore_mem>>) src(%arg9 : memref<128x128xf32, #tpu.memory_space<vmem>>) dst(%dma_wait3A_362 : memref<10240x128xf32, #tpu.memory_space<vmem_shared>>)
      } else {
      }
      %dma_start3A_326 = arith.constant 0 : i32
      %dma_start3A_327 = tpu.memref_slice %arg6[%add3A_311, %dma_start3A_326] : memref<40x128xi32, #tpu.memory_space<vmem>> -> memref<1x128xi32, #tpu.memory_space<vmem>>
      %dma_start3A_328 = tpu.memref_squeeze %dma_start3A_327 : memref<1x128xi32, #tpu.memory_space<vmem>> -> memref<128xi32, #tpu.memory_space<vmem>>
      %dma_start3A_329 = arith.constant 0 : i32
      %dma_start3A_330 = arith.constant 0 : i32
      %dma_start3A_331 = tpu.memref_slice %arg2[%dma_start3A_329, %dma_start3A_330] : memref<10000x128xf32, #tpu.memory_space<hbm>> -> memref<10000x128xf32, #tpu.memory_space<hbm>>
      tpu.enqueue_indirect_dma source(%dma_start3A_331 : memref<10000x128xf32, #tpu.memory_space<hbm>>) target(%arg9 : memref<128x128xf32, #tpu.memory_space<vmem>>) offsets(%dma_start3A_328 : memref<128xi32, #tpu.memory_space<vmem>>) semaphore(%arg12 : memref<!tpu.dma_semaphore, #tpu.memory_space<semaphore_mem>>)
      %dma_wait3A_332 = arith.constant 0 : i32
      %dma_wait3A_333 = tpu.memref_slice %arg6[%add3A_311, %dma_wait3A_332] : memref<40x128xi32, #tpu.memory_space<vmem>> -> memref<1x128xi32, #tpu.memory_space<vmem>>
      %dma_wait3A_334 = tpu.memref_squeeze %dma_wait3A_333 : memref<1x128xi32, #tpu.memory_space<vmem>> -> memref<128xi32, #tpu.memory_space<vmem>>
      %dma_wait3A_335 = arith.constant 0 : i32
      %dma_wait3A_336 = arith.constant 0 : i32
      %dma_wait3A_337 = tpu.memref_slice %arg2[%dma_wait3A_335, %dma_wait3A_336] : memref<10000x128xf32, #tpu.memory_space<hbm>> -> memref<10000x128xf32, #tpu.memory_space<hbm>>
      tpu.wait_indirect_dma semaphore(%arg12 : memref<!tpu.dma_semaphore, #tpu.memory_space<semaphore_mem>>) src(%dma_wait3A_337 : memref<10000x128xf32, #tpu.memory_space<hbm>>) dst(%arg9 : memref<128x128xf32, #tpu.memory_space<vmem>>)
      %dma_start3A_338 = arith.constant 0 : i32
      %dma_start3A_339 = tpu.memref_slice %arg7[%add3A_311, %dma_start3A_338] : memref<40x128xi32, #tpu.memory_space<vmem>> -> memref<1x128xi32, #tpu.memory_space<vmem>>
      %dma_start3A_340 = tpu.memref_squeeze %dma_start3A_339 : memref<1x128xi32, #tpu.memory_space<vmem>> -> memref<128xi32, #tpu.memory_space<vmem>>
      %dma_start3A_341 = arith.constant 0 : i32
      %dma_start3A_342 = arith.constant 0 : i32
      %dma_start3A_343 = tpu.memref_slice %arg10[%dma_start3A_341, %dma_start3A_342] : memref<10240x128xf32, #tpu.memory_space<vmem_shared>> -> memref<10240x128xf32, #tpu.memory_space<vmem_shared>>
      tpu.enqueue_indirect_dma source(%arg9 : memref<128x128xf32, #tpu.memory_space<vmem>>) target(%dma_start3A_343 : memref<10240x128xf32, #tpu.memory_space<vmem_shared>>) offsets(%dma_start3A_340 : memref<128xi32, #tpu.memory_space<vmem>>) semaphore(%arg14 : memref<!tpu.dma_semaphore, #tpu.memory_space<semaphore_mem>>) {add = true}
      %dma_wait3A_344 = arith.constant 0 : i32
      %dma_wait3A_345 = tpu.memref_slice %arg7[%mul3A_309, %dma_wait3A_344] : memref<40x128xi32, #tpu.memory_space<vmem>> -> memref<1x128xi32, #tpu.memory_space<vmem>>
      %dma_wait3A_346 = tpu.memref_squeeze %dma_wait3A_345 : memref<1x128xi32, #tpu.memory_space<vmem>> -> memref<128xi32, #tpu.memory_space<vmem>>
      %dma_wait3A_347 = arith.constant 0 : i32
      %dma_wait3A_348 = arith.constant 0 : i32
      %dma_wait3A_349 = tpu.memref_slice %arg10[%dma_wait3A_347, %dma_wait3A_348] : memref<10240x128xf32, #tpu.memory_space<vmem_shared>> -> memref<10240x128xf32, #tpu.memory_space<vmem_shared>>
      tpu.wait_indirect_dma semaphore(%arg13 : memref<!tpu.dma_semaphore, #tpu.memory_space<semaphore_mem>>) src(%arg8 : memref<128x128xf32, #tpu.memory_space<vmem>>) dst(%dma_wait3A_349 : memref<10240x128xf32, #tpu.memory_space<vmem_shared>>)
      %add3A_350 = arith.constant 1 : i32
      %add3A_351 = arith.addi %add3A_311, %add3A_350 : i32
      %lt3A = arith.constant 40 : i32
      %lt3A_352 = arith.cmpi slt, %add3A_351, %lt3A : i32
      %convert_element_type3A_353 = arith.extui %lt3A_352 : i1 to i32
      %cond3A_354 = arith.constant 0 : i32
      %cond3A_355 = arith.cmpi ne, %convert_element_type3A_353, %cond3A_354 : i32
      scf.if %cond3A_355 {
        %add3A_356 = arith.constant 1 : i32
        %add3A_357 = arith.addi %add3A_311, %add3A_356 : i32
        %dma_start3A_358 = arith.constant 0 : i32
        %dma_start3A_359 = tpu.memref_slice %arg6[%add3A_357, %dma_start3A_358] : memref<40x128xi32, #tpu.memory_space<vmem>> -> memref<1x128xi32, #tpu.memory_space<vmem>>
        %dma_start3A_360 = tpu.memref_squeeze %dma_start3A_359 : memref<1x128xi32, #tpu.memory_space<vmem>> -> memref<128xi32, #tpu.memory_space<vmem>>
        %dma_start3A_361 = arith.constant 0 : i32
        %dma_start3A_362 = arith.constant 0 : i32
        %dma_start3A_363 = tpu.memref_slice %arg2[%dma_start3A_361, %dma_start3A_362] : memref<10000x128xf32, #tpu.memory_space<hbm>> -> memref<10000x128xf32, #tpu.memory_space<hbm>>
        tpu.enqueue_indirect_dma source(%dma_start3A_363 : memref<10000x128xf32, #tpu.memory_space<hbm>>) target(%arg8 : memref<128x128xf32, #tpu.memory_space<vmem>>) offsets(%dma_start3A_360 : memref<128xi32, #tpu.memory_space<vmem>>) semaphore(%arg11 : memref<!tpu.dma_semaphore, #tpu.memory_space<semaphore_mem>>)
      } else {
      }
    }
    %scan3A_137 = arith.constant 20 : i32
    %dma_start3A_138 = arith.constant 40 : i32
    %dma_start3A_139 = arith.constant 0 : i32
    %dma_start3A_140 = tpu.memref_slice %arg3[%add3A, %dma_start3A_138, %dma_start3A_139] : memref<32x80x128xi32, #tpu.memory_space<hbm>> -> memref<1x40x128xi32, #tpu.memory_space<hbm>>
    %dma_start3A_141 = tpu.memref_squeeze %dma_start3A_140 : memref<1x40x128xi32, #tpu.memory_space<hbm>> -> memref<40x128xi32, #tpu.memory_space<hbm>>
    %dma_start3A_142 = arith.constant 40 : i32
    %dma_start3A_143 = arith.constant 0 : i32
    %dma_start3A_144 = tpu.memref_slice %arg3[%add3A, %dma_start3A_142, %dma_start3A_143] : memref<32x80x128xi32, #tpu.memory_space<hbm>> -> memref<1x40x128xi32, #tpu.memory_space<hbm>>
    %dma_start3A_145 = tpu.memref_squeeze %dma_start3A_144 : memref<1x40x128xi32, #tpu.memory_space<hbm>> -> memref<40x128xi32, #tpu.memory_space<hbm>>
    tpu.enqueue_dma source(%dma_start3A_145 : memref<40x128xi32, #tpu.memory_space<hbm>>) target(%arg6 : memref<40x128xi32, #tpu.memory_space<vmem>>) target_semaphore(%arg11 : memref<!tpu.dma_semaphore, #tpu.memory_space<semaphore_mem>>)
    %dma_wait3A_146 = arith.constant 39 : i32
    %dma_wait3A_147 = arith.constant 0 : i32
    %dma_wait3A_148 = tpu.memref_slice %arg7[%dma_wait3A_146, %dma_wait3A_147] : memref<40x128xi32, #tpu.memory_space<vmem>> -> memref<1x128xi32, #tpu.memory_space<vmem>>
    %dma_wait3A_149 = tpu.memref_squeeze %dma_wait3A_148 : memref<1x128xi32, #tpu.memory_space<vmem>> -> memref<128xi32, #tpu.memory_space<vmem>>
    %dma_wait3A_150 = arith.constant 0 : i32
    %dma_wait3A_151 = arith.constant 0 : i32
    %dma_wait3A_152 = tpu.memref_slice %arg10[%dma_wait3A_150, %dma_wait3A_151] : memref<10240x128xf32, #tpu.memory_space<vmem_shared>> -> memref<10240x128xf32, #tpu.memory_space<vmem_shared>>
    tpu.wait_indirect_dma semaphore(%arg14 : memref<!tpu.dma_semaphore, #tpu.memory_space<semaphore_mem>>) src(%arg9 : memref<128x128xf32, #tpu.memory_space<vmem>>) dst(%dma_wait3A_152 : memref<10240x128xf32, #tpu.memory_space<vmem_shared>>)
    "tpu.region"() ({
      %run_scoped3A = tpu.sem_alloc : memref<!tpu.dma_semaphore, #tpu.memory_space<semaphore_mem>>
      %dma_start3A_307 = arith.constant 40 : i32
      %dma_start3A_308 = arith.constant 0 : i32
      %dma_start3A_309 = tpu.memref_slice %arg4[%add3A, %dma_start3A_307, %dma_start3A_308] : memref<32x80x128xi32, #tpu.memory_space<hbm>> -> memref<1x40x128xi32, #tpu.memory_space<hbm>>
      %dma_start3A_310 = tpu.memref_squeeze %dma_start3A_309 : memref<1x40x128xi32, #tpu.memory_space<hbm>> -> memref<40x128xi32, #tpu.memory_space<hbm>>
      %dma_start3A_311 = arith.constant 40 : i32
      %dma_start3A_312 = arith.constant 0 : i32
      %dma_start3A_313 = tpu.memref_slice %arg4[%add3A, %dma_start3A_311, %dma_start3A_312] : memref<32x80x128xi32, #tpu.memory_space<hbm>> -> memref<1x40x128xi32, #tpu.memory_space<hbm>>
      %dma_start3A_314 = tpu.memref_squeeze %dma_start3A_313 : memref<1x40x128xi32, #tpu.memory_space<hbm>> -> memref<40x128xi32, #tpu.memory_space<hbm>>
      tpu.enqueue_dma source(%dma_start3A_314 : memref<40x128xi32, #tpu.memory_space<hbm>>) target(%arg7 : memref<40x128xi32, #tpu.memory_space<vmem>>) target_semaphore(%run_scoped3A : memref<!tpu.dma_semaphore, #tpu.memory_space<semaphore_mem>>)
      %dma_wait3A_315 = arith.constant 40 : i32
      %dma_wait3A_316 = arith.constant 0 : i32
      %dma_wait3A_317 = tpu.memref_slice %arg4[%add3A, %dma_wait3A_315, %dma_wait3A_316] : memref<32x80x128xi32, #tpu.memory_space<hbm>> -> memref<1x40x128xi32, #tpu.memory_space<hbm>>
      %dma_wait3A_318 = tpu.memref_squeeze %dma_wait3A_317 : memref<1x40x128xi32, #tpu.memory_space<hbm>> -> memref<40x128xi32, #tpu.memory_space<hbm>>
      %dma_wait3A_319 = arith.constant 40 : i32
      %dma_wait3A_320 = arith.constant 0 : i32
      %dma_wait3A_321 = tpu.memref_slice %arg4[%add3A, %dma_wait3A_319, %dma_wait3A_320] : memref<32x80x128xi32, #tpu.memory_space<hbm>> -> memref<1x40x128xi32, #tpu.memory_space<hbm>>
      %dma_wait3A_322 = tpu.memref_squeeze %dma_wait3A_321 : memref<1x40x128xi32, #tpu.memory_space<hbm>> -> memref<40x128xi32, #tpu.memory_space<hbm>>
      tpu.wait_dma2 semaphore(%run_scoped3A : memref<!tpu.dma_semaphore, #tpu.memory_space<semaphore_mem>>) src(%dma_wait3A_322 : memref<40x128xi32, #tpu.memory_space<hbm>>) dst(%arg7 : memref<40x128xi32, #tpu.memory_space<vmem>>)
      tpu.yield
    }) : () -> ()
    %dma_wait3A_153 = arith.constant 40 : i32
    %dma_wait3A_154 = arith.constant 0 : i32
    %dma_wait3A_155 = tpu.memref_slice %arg3[%add3A, %dma_wait3A_153, %dma_wait3A_154] : memref<32x80x128xi32, #tpu.memory_space<hbm>> -> memref<1x40x128xi32, #tpu.memory_space<hbm>>
    %dma_wait3A_156 = tpu.memref_squeeze %dma_wait3A_155 : memref<1x40x128xi32, #tpu.memory_space<hbm>> -> memref<40x128xi32, #tpu.memory_space<hbm>>
    %dma_wait3A_157 = arith.constant 40 : i32
    %dma_wait3A_158 = arith.constant 0 : i32
    %dma_wait3A_159 = tpu.memref_slice %arg3[%add3A, %dma_wait3A_157, %dma_wait3A_158] : memref<32x80x128xi32, #tpu.memory_space<hbm>> -> memref<1x40x128xi32, #tpu.memory_space<hbm>>
    %dma_wait3A_160 = tpu.memref_squeeze %dma_wait3A_159 : memref<1x40x128xi32, #tpu.memory_space<hbm>> -> memref<40x128xi32, #tpu.memory_space<hbm>>
    tpu.wait_dma2 semaphore(%arg11 : memref<!tpu.dma_semaphore, #tpu.memory_space<semaphore_mem>>) src(%dma_wait3A_160 : memref<40x128xi32, #tpu.memory_space<hbm>>) dst(%arg6 : memref<40x128xi32, #tpu.memory_space<vmem>>)
    %dma_start3A_161 = arith.constant 0 : i32
    %dma_start3A_162 = arith.constant 0 : i32
    %dma_start3A_163 = tpu.memref_slice %arg6[%dma_start3A_161, %dma_start3A_162] : memref<40x128xi32, #tpu.memory_space<vmem>> -> memref<1x128xi32, #tpu.memory_space<vmem>>
    %dma_start3A_164 = tpu.memref_squeeze %dma_start3A_163 : memref<1x128xi32, #tpu.memory_space<vmem>> -> memref<128xi32, #tpu.memory_space<vmem>>
    %dma_start3A_165 = arith.constant 0 : i32
    %dma_start3A_166 = arith.constant 0 : i32
    %dma_start3A_167 = tpu.memref_slice %arg2[%dma_start3A_165, %dma_start3A_166] : memref<10000x128xf32, #tpu.memory_space<hbm>> -> memref<10000x128xf32, #tpu.memory_space<hbm>>
    tpu.enqueue_indirect_dma source(%dma_start3A_167 : memref<10000x128xf32, #tpu.memory_space<hbm>>) target(%arg8 : memref<128x128xf32, #tpu.memory_space<vmem>>) offsets(%dma_start3A_164 : memref<128xi32, #tpu.memory_space<vmem>>) semaphore(%arg11 : memref<!tpu.dma_semaphore, #tpu.memory_space<semaphore_mem>>)
    %scan3A_168 = arith.constant 0 : i32
    %scan3A_169 = arith.constant 0 : i32
    %scan3A_170 = arith.constant 20 : i32
    %scan3A_171 = arith.addi %scan3A_169, %scan3A_170 : i32
    %scan3A_172 = arith.constant 1 : i32
    scf.for %scan3A_307 = %scan3A_169 to %scan3A_171 step %scan3A_172  : i32 {
      %mul3A_308 = arith.constant 2 : i32
      %mul3A_309 = arith.muli %mul3A_308, %scan3A_307 : i32
      %add3A_310 = arith.constant 1 : i32
      %add3A_311 = arith.addi %mul3A_309, %add3A_310 : i32
      %dma_wait3A_312 = arith.constant 0 : i32
      %dma_wait3A_313 = tpu.memref_slice %arg6[%mul3A_309, %dma_wait3A_312] : memref<40x128xi32, #tpu.memory_space<vmem>> -> memref<1x128xi32, #tpu.memory_space<vmem>>
      %dma_wait3A_314 = tpu.memref_squeeze %dma_wait3A_313 : memref<1x128xi32, #tpu.memory_space<vmem>> -> memref<128xi32, #tpu.memory_space<vmem>>
      %dma_wait3A_315 = arith.constant 0 : i32
      %dma_wait3A_316 = arith.constant 0 : i32
      %dma_wait3A_317 = tpu.memref_slice %arg2[%dma_wait3A_315, %dma_wait3A_316] : memref<10000x128xf32, #tpu.memory_space<hbm>> -> memref<10000x128xf32, #tpu.memory_space<hbm>>
      tpu.wait_indirect_dma semaphore(%arg11 : memref<!tpu.dma_semaphore, #tpu.memory_space<semaphore_mem>>) src(%dma_wait3A_317 : memref<10000x128xf32, #tpu.memory_space<hbm>>) dst(%arg8 : memref<128x128xf32, #tpu.memory_space<vmem>>)
      %dma_start3A_318 = arith.constant 0 : i32
      %dma_start3A_319 = tpu.memref_slice %arg7[%mul3A_309, %dma_start3A_318] : memref<40x128xi32, #tpu.memory_space<vmem>> -> memref<1x128xi32, #tpu.memory_space<vmem>>
      %dma_start3A_320 = tpu.memref_squeeze %dma_start3A_319 : memref<1x128xi32, #tpu.memory_space<vmem>> -> memref<128xi32, #tpu.memory_space<vmem>>
      %dma_start3A_321 = arith.constant 0 : i32
      %dma_start3A_322 = arith.constant 0 : i32
      %dma_start3A_323 = tpu.memref_slice %arg10[%dma_start3A_321, %dma_start3A_322] : memref<10240x128xf32, #tpu.memory_space<vmem_shared>> -> memref<10240x128xf32, #tpu.memory_space<vmem_shared>>
      tpu.enqueue_indirect_dma source(%arg8 : memref<128x128xf32, #tpu.memory_space<vmem>>) target(%dma_start3A_323 : memref<10240x128xf32, #tpu.memory_space<vmem_shared>>) offsets(%dma_start3A_320 : memref<128xi32, #tpu.memory_space<vmem>>) semaphore(%arg13 : memref<!tpu.dma_semaphore, #tpu.memory_space<semaphore_mem>>) {add = true}
      %gt3A = arith.constant 0 : i32
      %gt3A_324 = arith.cmpi sgt, %mul3A_309, %gt3A : i32
      %convert_element_type3A = arith.extui %gt3A_324 : i1 to i32
      %cond3A = arith.constant 0 : i32
      %cond3A_325 = arith.cmpi ne, %convert_element_type3A, %cond3A : i32
      scf.if %cond3A_325 {
        %sub3A = arith.constant 1 : i32
        %sub3A_356 = arith.subi %mul3A_309, %sub3A : i32
        %dma_wait3A_357 = arith.constant 0 : i32
        %dma_wait3A_358 = tpu.memref_slice %arg7[%sub3A_356, %dma_wait3A_357] : memref<40x128xi32, #tpu.memory_space<vmem>> -> memref<1x128xi32, #tpu.memory_space<vmem>>
        %dma_wait3A_359 = tpu.memref_squeeze %dma_wait3A_358 : memref<1x128xi32, #tpu.memory_space<vmem>> -> memref<128xi32, #tpu.memory_space<vmem>>
        %dma_wait3A_360 = arith.constant 0 : i32
        %dma_wait3A_361 = arith.constant 0 : i32
        %dma_wait3A_362 = tpu.memref_slice %arg10[%dma_wait3A_360, %dma_wait3A_361] : memref<10240x128xf32, #tpu.memory_space<vmem_shared>> -> memref<10240x128xf32, #tpu.memory_space<vmem_shared>>
        tpu.wait_indirect_dma semaphore(%arg14 : memref<!tpu.dma_semaphore, #tpu.memory_space<semaphore_mem>>) src(%arg9 : memref<128x128xf32, #tpu.memory_space<vmem>>) dst(%dma_wait3A_362 : memref<10240x128xf32, #tpu.memory_space<vmem_shared>>)
      } else {
      }
      %dma_start3A_326 = arith.constant 0 : i32
      %dma_start3A_327 = tpu.memref_slice %arg6[%add3A_311, %dma_start3A_326] : memref<40x128xi32, #tpu.memory_space<vmem>> -> memref<1x128xi32, #tpu.memory_space<vmem>>
      %dma_start3A_328 = tpu.memref_squeeze %dma_start3A_327 : memref<1x128xi32, #tpu.memory_space<vmem>> -> memref<128xi32, #tpu.memory_space<vmem>>
      %dma_start3A_329 = arith.constant 0 : i32
      %dma_start3A_330 = arith.constant 0 : i32
      %dma_start3A_331 = tpu.memref_slice %arg2[%dma_start3A_329, %dma_start3A_330] : memref<10000x128xf32, #tpu.memory_space<hbm>> -> memref<10000x128xf32, #tpu.memory_space<hbm>>
      tpu.enqueue_indirect_dma source(%dma_start3A_331 : memref<10000x128xf32, #tpu.memory_space<hbm>>) target(%arg9 : memref<128x128xf32, #tpu.memory_space<vmem>>) offsets(%dma_start3A_328 : memref<128xi32, #tpu.memory_space<vmem>>) semaphore(%arg12 : memref<!tpu.dma_semaphore, #tpu.memory_space<semaphore_mem>>)
      %dma_wait3A_332 = arith.constant 0 : i32
      %dma_wait3A_333 = tpu.memref_slice %arg6[%add3A_311, %dma_wait3A_332] : memref<40x128xi32, #tpu.memory_space<vmem>> -> memref<1x128xi32, #tpu.memory_space<vmem>>
      %dma_wait3A_334 = tpu.memref_squeeze %dma_wait3A_333 : memref<1x128xi32, #tpu.memory_space<vmem>> -> memref<128xi32, #tpu.memory_space<vmem>>
      %dma_wait3A_335 = arith.constant 0 : i32
      %dma_wait3A_336 = arith.constant 0 : i32
      %dma_wait3A_337 = tpu.memref_slice %arg2[%dma_wait3A_335, %dma_wait3A_336] : memref<10000x128xf32, #tpu.memory_space<hbm>> -> memref<10000x128xf32, #tpu.memory_space<hbm>>
      tpu.wait_indirect_dma semaphore(%arg12 : memref<!tpu.dma_semaphore, #tpu.memory_space<semaphore_mem>>) src(%dma_wait3A_337 : memref<10000x128xf32, #tpu.memory_space<hbm>>) dst(%arg9 : memref<128x128xf32, #tpu.memory_space<vmem>>)
      %dma_start3A_338 = arith.constant 0 : i32
      %dma_start3A_339 = tpu.memref_slice %arg7[%add3A_311, %dma_start3A_338] : memref<40x128xi32, #tpu.memory_space<vmem>> -> memref<1x128xi32, #tpu.memory_space<vmem>>
      %dma_start3A_340 = tpu.memref_squeeze %dma_start3A_339 : memref<1x128xi32, #tpu.memory_space<vmem>> -> memref<128xi32, #tpu.memory_space<vmem>>
      %dma_start3A_341 = arith.constant 0 : i32
      %dma_start3A_342 = arith.constant 0 : i32
      %dma_start3A_343 = tpu.memref_slice %arg10[%dma_start3A_341, %dma_start3A_342] : memref<10240x128xf32, #tpu.memory_space<vmem_shared>> -> memref<10240x128xf32, #tpu.memory_space<vmem_shared>>
      tpu.enqueue_indirect_dma source(%arg9 : memref<128x128xf32, #tpu.memory_space<vmem>>) target(%dma_start3A_343 : memref<10240x128xf32, #tpu.memory_space<vmem_shared>>) offsets(%dma_start3A_340 : memref<128xi32, #tpu.memory_space<vmem>>) semaphore(%arg14 : memref<!tpu.dma_semaphore, #tpu.memory_space<semaphore_mem>>) {add = true}
      %dma_wait3A_344 = arith.constant 0 : i32
      %dma_wait3A_345 = tpu.memref_slice %arg7[%mul3A_309, %dma_wait3A_344] : memref<40x128xi32, #tpu.memory_space<vmem>> -> memref<1x128xi32, #tpu.memory_space<vmem>>
      %dma_wait3A_346 = tpu.memref_squeeze %dma_wait3A_345 : memref<1x128xi32, #tpu.memory_space<vmem>> -> memref<128xi32, #tpu.memory_space<vmem>>
      %dma_wait3A_347 = arith.constant 0 : i32
      %dma_wait3A_348 = arith.constant 0 : i32
      %dma_wait3A_349 = tpu.memref_slice %arg10[%dma_wait3A_347, %dma_wait3A_348] : memref<10240x128xf32, #tpu.memory_space<vmem_shared>> -> memref<10240x128xf32, #tpu.memory_space<vmem_shared>>
      tpu.wait_indirect_dma semaphore(%arg13 : memref<!tpu.dma_semaphore, #tpu.memory_space<semaphore_mem>>) src(%arg8 : memref<128x128xf32, #tpu.memory_space<vmem>>) dst(%dma_wait3A_349 : memref<10240x128xf32, #tpu.memory_space<vmem_shared>>)
      %add3A_350 = arith.constant 1 : i32
      %add3A_351 = arith.addi %add3A_311, %add3A_350 : i32
      %lt3A = arith.constant 40 : i32
      %lt3A_352 = arith.cmpi slt, %add3A_351, %lt3A : i32
      %convert_element_type3A_353 = arith.extui %lt3A_352 : i1 to i32
      %cond3A_354 = arith.constant 0 : i32
      %cond3A_355 = arith.cmpi ne, %convert_element_type3A_353, %cond3A_354 : i32
      scf.if %cond3A_355 {
        %add3A_356 = arith.constant 1 : i32
        %add3A_357 = arith.addi %add3A_311, %add3A_356 : i32
        %dma_start3A_358 = arith.constant 0 : i32
        %dma_start3A_359 = tpu.memref_slice %arg6[%add3A_357, %dma_start3A_358] : memref<40x128xi32, #tpu.memory_space<vmem>> -> memref<1x128xi32, #tpu.memory_space<vmem>>
        %dma_start3A_360 = tpu.memref_squeeze %dma_start3A_359 : memref<1x128xi32, #tpu.memory_space<vmem>> -> memref<128xi32, #tpu.memory_space<vmem>>
        %dma_start3A_361 = arith.constant 0 : i32
        %dma_start3A_362 = arith.constant 0 : i32
        %dma_start3A_363 = tpu.memref_slice %arg2[%dma_start3A_361, %dma_start3A_362] : memref<10000x128xf32, #tpu.memory_space<hbm>> -> memref<10000x128xf32, #tpu.memory_space<hbm>>
        tpu.enqueue_indirect_dma source(%dma_start3A_363 : memref<10000x128xf32, #tpu.memory_space<hbm>>) target(%arg8 : memref<128x128xf32, #tpu.memory_space<vmem>>) offsets(%dma_start3A_360 : memref<128xi32, #tpu.memory_space<vmem>>) semaphore(%arg11 : memref<!tpu.dma_semaphore, #tpu.memory_space<semaphore_mem>>)
      } else {
      }
    }
    %scan3A_173 = arith.constant 20 : i32
    %dma_wait3A_174 = arith.constant 39 : i32
    %dma_wait3A_175 = arith.constant 0 : i32
    %dma_wait3A_176 = tpu.memref_slice %arg7[%dma_wait3A_174, %dma_wait3A_175] : memref<40x128xi32, #tpu.memory_space<vmem>> -> memref<1x128xi32, #tpu.memory_space<vmem>>
    %dma_wait3A_177 = tpu.memref_squeeze %dma_wait3A_176 : memref<1x128xi32, #tpu.memory_space<vmem>> -> memref<128xi32, #tpu.memory_space<vmem>>
    %dma_wait3A_178 = arith.constant 0 : i32
    %dma_wait3A_179 = arith.constant 0 : i32
    %dma_wait3A_180 = tpu.memref_slice %arg10[%dma_wait3A_178, %dma_wait3A_179] : memref<10240x128xf32, #tpu.memory_space<vmem_shared>> -> memref<10240x128xf32, #tpu.memory_space<vmem_shared>>
    tpu.wait_indirect_dma semaphore(%arg14 : memref<!tpu.dma_semaphore, #tpu.memory_space<semaphore_mem>>) src(%arg9 : memref<128x128xf32, #tpu.memory_space<vmem>>) dst(%dma_wait3A_180 : memref<10240x128xf32, #tpu.memory_space<vmem_shared>>)
    %barrier3A_181 = arith.constant 0 : index
    tpu.barrier barrier_id(%barrier3A_181)
    %mul3A_182 = arith.constant 640 : i32
    %mul3A_183 = arith.muli %arg1, %mul3A_182 : i32
    %add3A_184 = arith.constant 0 : i32
    %add3A_185 = arith.addi %mul3A_183, %add3A_184 : i32
    %multiple_of3A_186 = tpu.assume_multiple %add3A_185, 128 : i32
    %mul3A_187 = arith.constant 640 : i32
    %mul3A_188 = arith.muli %arg1, %mul3A_187 : i32
    %add3A_189 = arith.constant 128 : i32
    %add3A_190 = arith.addi %mul3A_188, %add3A_189 : i32
    %multiple_of3A_191 = tpu.assume_multiple %add3A_190, 128 : i32
    %mul3A_192 = arith.constant 640 : i32
    %mul3A_193 = arith.muli %arg1, %mul3A_192 : i32
    %add3A_194 = arith.constant 256 : i32
    %add3A_195 = arith.addi %mul3A_193, %add3A_194 : i32
    %multiple_of3A_196 = tpu.assume_multiple %add3A_195, 128 : i32
    %mul3A_197 = arith.constant 640 : i32
    %mul3A_198 = arith.muli %arg1, %mul3A_197 : i32
    %add3A_199 = arith.constant 384 : i32
    %add3A_200 = arith.addi %mul3A_198, %add3A_199 : i32
    %multiple_of3A_201 = tpu.assume_multiple %add3A_200, 128 : i32
    %mul3A_202 = arith.constant 640 : i32
    %mul3A_203 = arith.muli %arg1, %mul3A_202 : i32
    %add3A_204 = arith.constant 512 : i32
    %add3A_205 = arith.addi %mul3A_203, %add3A_204 : i32
    %multiple_of3A_206 = tpu.assume_multiple %add3A_205, 128 : i32
    %dma_start3A_207 = arith.constant 0 : i32
    %dma_start3A_208 = tpu.memref_slice %arg10[%multiple_of3A_186, %dma_start3A_207] : memref<10240x128xf32, #tpu.memory_space<vmem_shared>> -> memref<128x128xf32, #tpu.memory_space<vmem_shared>>
    %dma_start3A_209 = arith.constant 0 : i32
    %dma_start3A_210 = tpu.memref_slice %arg10[%multiple_of3A_186, %dma_start3A_209] : memref<10240x128xf32, #tpu.memory_space<vmem_shared>> -> memref<128x128xf32, #tpu.memory_space<vmem_shared>>
    tpu.enqueue_dma source(%dma_start3A_210 : memref<128x128xf32, #tpu.memory_space<vmem_shared>>) target(%arg8 : memref<128x128xf32, #tpu.memory_space<vmem>>) target_semaphore(%arg11 : memref<!tpu.dma_semaphore, #tpu.memory_space<semaphore_mem>>)
    %dma_wait3A_211 = arith.constant 0 : i32
    %dma_wait3A_212 = tpu.memref_slice %arg10[%multiple_of3A_186, %dma_wait3A_211] : memref<10240x128xf32, #tpu.memory_space<vmem_shared>> -> memref<128x128xf32, #tpu.memory_space<vmem_shared>>
    %dma_wait3A_213 = arith.constant 0 : i32
    %dma_wait3A_214 = tpu.memref_slice %arg10[%multiple_of3A_186, %dma_wait3A_213] : memref<10240x128xf32, #tpu.memory_space<vmem_shared>> -> memref<128x128xf32, #tpu.memory_space<vmem_shared>>
    tpu.wait_dma2 semaphore(%arg11 : memref<!tpu.dma_semaphore, #tpu.memory_space<semaphore_mem>>) src(%dma_wait3A_214 : memref<128x128xf32, #tpu.memory_space<vmem_shared>>) dst(%arg8 : memref<128x128xf32, #tpu.memory_space<vmem>>)
    %dma_start3A_215 = arith.constant 0 : i32
    %dma_start3A_216 = tpu.memref_slice %arg5[%arg0, %multiple_of3A_186, %dma_start3A_215] : memref<2x10240x128xf32, #tpu.memory_space<hbm>> -> memref<1x128x128xf32, #tpu.memory_space<hbm>>
    %dma_start3A_217 = tpu.memref_squeeze %dma_start3A_216 : memref<1x128x128xf32, #tpu.memory_space<hbm>> -> memref<128x128xf32, #tpu.memory_space<hbm>>
    %dma_start3A_218 = arith.constant 0 : i32
    %dma_start3A_219 = tpu.memref_slice %arg5[%arg0, %multiple_of3A_186, %dma_start3A_218] : memref<2x10240x128xf32, #tpu.memory_space<hbm>> -> memref<1x128x128xf32, #tpu.memory_space<hbm>>
    %dma_start3A_220 = tpu.memref_squeeze %dma_start3A_219 : memref<1x128x128xf32, #tpu.memory_space<hbm>> -> memref<128x128xf32, #tpu.memory_space<hbm>>
    tpu.enqueue_dma source(%arg8 : memref<128x128xf32, #tpu.memory_space<vmem>>) target(%dma_start3A_220 : memref<128x128xf32, #tpu.memory_space<hbm>>) target_semaphore(%arg13 : memref<!tpu.dma_semaphore, #tpu.memory_space<semaphore_mem>>)
    %dma_start3A_221 = arith.constant 0 : i32
    %dma_start3A_222 = tpu.memref_slice %arg10[%multiple_of3A_191, %dma_start3A_221] : memref<10240x128xf32, #tpu.memory_space<vmem_shared>> -> memref<128x128xf32, #tpu.memory_space<vmem_shared>>
    %dma_start3A_223 = arith.constant 0 : i32
    %dma_start3A_224 = tpu.memref_slice %arg10[%multiple_of3A_191, %dma_start3A_223] : memref<10240x128xf32, #tpu.memory_space<vmem_shared>> -> memref<128x128xf32, #tpu.memory_space<vmem_shared>>
    tpu.enqueue_dma source(%dma_start3A_224 : memref<128x128xf32, #tpu.memory_space<vmem_shared>>) target(%arg9 : memref<128x128xf32, #tpu.memory_space<vmem>>) target_semaphore(%arg12 : memref<!tpu.dma_semaphore, #tpu.memory_space<semaphore_mem>>)
    %dma_wait3A_225 = arith.constant 0 : i32
    %dma_wait3A_226 = tpu.memref_slice %arg10[%multiple_of3A_191, %dma_wait3A_225] : memref<10240x128xf32, #tpu.memory_space<vmem_shared>> -> memref<128x128xf32, #tpu.memory_space<vmem_shared>>
    %dma_wait3A_227 = arith.constant 0 : i32
    %dma_wait3A_228 = tpu.memref_slice %arg10[%multiple_of3A_191, %dma_wait3A_227] : memref<10240x128xf32, #tpu.memory_space<vmem_shared>> -> memref<128x128xf32, #tpu.memory_space<vmem_shared>>
    tpu.wait_dma2 semaphore(%arg12 : memref<!tpu.dma_semaphore, #tpu.memory_space<semaphore_mem>>) src(%dma_wait3A_228 : memref<128x128xf32, #tpu.memory_space<vmem_shared>>) dst(%arg9 : memref<128x128xf32, #tpu.memory_space<vmem>>)
    %dma_wait3A_229 = arith.constant 0 : i32
    %dma_wait3A_230 = tpu.memref_slice %arg5[%arg0, %multiple_of3A_186, %dma_wait3A_229] : memref<2x10240x128xf32, #tpu.memory_space<hbm>> -> memref<1x128x128xf32, #tpu.memory_space<hbm>>
    %dma_wait3A_231 = tpu.memref_squeeze %dma_wait3A_230 : memref<1x128x128xf32, #tpu.memory_space<hbm>> -> memref<128x128xf32, #tpu.memory_space<hbm>>
    %dma_wait3A_232 = arith.constant 0 : i32
    %dma_wait3A_233 = tpu.memref_slice %arg5[%arg0, %multiple_of3A_186, %dma_wait3A_232] : memref<2x10240x128xf32, #tpu.memory_space<hbm>> -> memref<1x128x128xf32, #tpu.memory_space<hbm>>
    %dma_wait3A_234 = tpu.memref_squeeze %dma_wait3A_233 : memref<1x128x128xf32, #tpu.memory_space<hbm>> -> memref<128x128xf32, #tpu.memory_space<hbm>>
    tpu.wait_dma2 semaphore(%arg13 : memref<!tpu.dma_semaphore, #tpu.memory_space<semaphore_mem>>) src(%arg8 : memref<128x128xf32, #tpu.memory_space<vmem>>) dst(%dma_wait3A_234 : memref<128x128xf32, #tpu.memory_space<hbm>>)
    %dma_start3A_235 = arith.constant 0 : i32
    %dma_start3A_236 = tpu.memref_slice %arg5[%arg0, %multiple_of3A_191, %dma_start3A_235] : memref<2x10240x128xf32, #tpu.memory_space<hbm>> -> memref<1x128x128xf32, #tpu.memory_space<hbm>>
    %dma_start3A_237 = tpu.memref_squeeze %dma_start3A_236 : memref<1x128x128xf32, #tpu.memory_space<hbm>> -> memref<128x128xf32, #tpu.memory_space<hbm>>
    %dma_start3A_238 = arith.constant 0 : i32
    %dma_start3A_239 = tpu.memref_slice %arg5[%arg0, %multiple_of3A_191, %dma_start3A_238] : memref<2x10240x128xf32, #tpu.memory_space<hbm>> -> memref<1x128x128xf32, #tpu.memory_space<hbm>>
    %dma_start3A_240 = tpu.memref_squeeze %dma_start3A_239 : memref<1x128x128xf32, #tpu.memory_space<hbm>> -> memref<128x128xf32, #tpu.memory_space<hbm>>
    tpu.enqueue_dma source(%arg9 : memref<128x128xf32, #tpu.memory_space<vmem>>) target(%dma_start3A_240 : memref<128x128xf32, #tpu.memory_space<hbm>>) target_semaphore(%arg14 : memref<!tpu.dma_semaphore, #tpu.memory_space<semaphore_mem>>)
    %dma_start3A_241 = arith.constant 0 : i32
    %dma_start3A_242 = tpu.memref_slice %arg10[%multiple_of3A_196, %dma_start3A_241] : memref<10240x128xf32, #tpu.memory_space<vmem_shared>> -> memref<128x128xf32, #tpu.memory_space<vmem_shared>>
    %dma_start3A_243 = arith.constant 0 : i32
    %dma_start3A_244 = tpu.memref_slice %arg10[%multiple_of3A_196, %dma_start3A_243] : memref<10240x128xf32, #tpu.memory_space<vmem_shared>> -> memref<128x128xf32, #tpu.memory_space<vmem_shared>>
    tpu.enqueue_dma source(%dma_start3A_244 : memref<128x128xf32, #tpu.memory_space<vmem_shared>>) target(%arg8 : memref<128x128xf32, #tpu.memory_space<vmem>>) target_semaphore(%arg11 : memref<!tpu.dma_semaphore, #tpu.memory_space<semaphore_mem>>)
    %dma_wait3A_245 = arith.constant 0 : i32
    %dma_wait3A_246 = tpu.memref_slice %arg10[%multiple_of3A_196, %dma_wait3A_245] : memref<10240x128xf32, #tpu.memory_space<vmem_shared>> -> memref<128x128xf32, #tpu.memory_space<vmem_shared>>
    %dma_wait3A_247 = arith.constant 0 : i32
    %dma_wait3A_248 = tpu.memref_slice %arg10[%multiple_of3A_196, %dma_wait3A_247] : memref<10240x128xf32, #tpu.memory_space<vmem_shared>> -> memref<128x128xf32, #tpu.memory_space<vmem_shared>>
    tpu.wait_dma2 semaphore(%arg11 : memref<!tpu.dma_semaphore, #tpu.memory_space<semaphore_mem>>) src(%dma_wait3A_248 : memref<128x128xf32, #tpu.memory_space<vmem_shared>>) dst(%arg8 : memref<128x128xf32, #tpu.memory_space<vmem>>)
    %dma_wait3A_249 = arith.constant 0 : i32
    %dma_wait3A_250 = tpu.memref_slice %arg5[%arg0, %multiple_of3A_191, %dma_wait3A_249] : memref<2x10240x128xf32, #tpu.memory_space<hbm>> -> memref<1x128x128xf32, #tpu.memory_space<hbm>>
    %dma_wait3A_251 = tpu.memref_squeeze %dma_wait3A_250 : memref<1x128x128xf32, #tpu.memory_space<hbm>> -> memref<128x128xf32, #tpu.memory_space<hbm>>
    %dma_wait3A_252 = arith.constant 0 : i32
    %dma_wait3A_253 = tpu.memref_slice %arg5[%arg0, %multiple_of3A_191, %dma_wait3A_252] : memref<2x10240x128xf32, #tpu.memory_space<hbm>> -> memref<1x128x128xf32, #tpu.memory_space<hbm>>
    %dma_wait3A_254 = tpu.memref_squeeze %dma_wait3A_253 : memref<1x128x128xf32, #tpu.memory_space<hbm>> -> memref<128x128xf32, #tpu.memory_space<hbm>>
    tpu.wait_dma2 semaphore(%arg14 : memref<!tpu.dma_semaphore, #tpu.memory_space<semaphore_mem>>) src(%arg9 : memref<128x128xf32, #tpu.memory_space<vmem>>) dst(%dma_wait3A_254 : memref<128x128xf32, #tpu.memory_space<hbm>>)
    %dma_start3A_255 = arith.constant 0 : i32
    %dma_start3A_256 = tpu.memref_slice %arg5[%arg0, %multiple_of3A_196, %dma_start3A_255] : memref<2x10240x128xf32, #tpu.memory_space<hbm>> -> memref<1x128x128xf32, #tpu.memory_space<hbm>>
    %dma_start3A_257 = tpu.memref_squeeze %dma_start3A_256 : memref<1x128x128xf32, #tpu.memory_space<hbm>> -> memref<128x128xf32, #tpu.memory_space<hbm>>
    %dma_start3A_258 = arith.constant 0 : i32
    %dma_start3A_259 = tpu.memref_slice %arg5[%arg0, %multiple_of3A_196, %dma_start3A_258] : memref<2x10240x128xf32, #tpu.memory_space<hbm>> -> memref<1x128x128xf32, #tpu.memory_space<hbm>>
    %dma_start3A_260 = tpu.memref_squeeze %dma_start3A_259 : memref<1x128x128xf32, #tpu.memory_space<hbm>> -> memref<128x128xf32, #tpu.memory_space<hbm>>
    tpu.enqueue_dma source(%arg8 : memref<128x128xf32, #tpu.memory_space<vmem>>) target(%dma_start3A_260 : memref<128x128xf32, #tpu.memory_space<hbm>>) target_semaphore(%arg13 : memref<!tpu.dma_semaphore, #tpu.memory_space<semaphore_mem>>)
    %dma_start3A_261 = arith.constant 0 : i32
    %dma_start3A_262 = tpu.memref_slice %arg10[%multiple_of3A_201, %dma_start3A_261] : memref<10240x128xf32, #tpu.memory_space<vmem_shared>> -> memref<128x128xf32, #tpu.memory_space<vmem_shared>>
    %dma_start3A_263 = arith.constant 0 : i32
    %dma_start3A_264 = tpu.memref_slice %arg10[%multiple_of3A_201, %dma_start3A_263] : memref<10240x128xf32, #tpu.memory_space<vmem_shared>> -> memref<128x128xf32, #tpu.memory_space<vmem_shared>>
    tpu.enqueue_dma source(%dma_start3A_264 : memref<128x128xf32, #tpu.memory_space<vmem_shared>>) target(%arg9 : memref<128x128xf32, #tpu.memory_space<vmem>>) target_semaphore(%arg12 : memref<!tpu.dma_semaphore, #tpu.memory_space<semaphore_mem>>)
    %dma_wait3A_265 = arith.constant 0 : i32
    %dma_wait3A_266 = tpu.memref_slice %arg10[%multiple_of3A_201, %dma_wait3A_265] : memref<10240x128xf32, #tpu.memory_space<vmem_shared>> -> memref<128x128xf32, #tpu.memory_space<vmem_shared>>
    %dma_wait3A_267 = arith.constant 0 : i32
    %dma_wait3A_268 = tpu.memref_slice %arg10[%multiple_of3A_201, %dma_wait3A_267] : memref<10240x128xf32, #tpu.memory_space<vmem_shared>> -> memref<128x128xf32, #tpu.memory_space<vmem_shared>>
    tpu.wait_dma2 semaphore(%arg12 : memref<!tpu.dma_semaphore, #tpu.memory_space<semaphore_mem>>) src(%dma_wait3A_268 : memref<128x128xf32, #tpu.memory_space<vmem_shared>>) dst(%arg9 : memref<128x128xf32, #tpu.memory_space<vmem>>)
    %dma_wait3A_269 = arith.constant 0 : i32
    %dma_wait3A_270 = tpu.memref_slice %arg5[%arg0, %multiple_of3A_196, %dma_wait3A_269] : memref<2x10240x128xf32, #tpu.memory_space<hbm>> -> memref<1x128x128xf32, #tpu.memory_space<hbm>>
    %dma_wait3A_271 = tpu.memref_squeeze %dma_wait3A_270 : memref<1x128x128xf32, #tpu.memory_space<hbm>> -> memref<128x128xf32, #tpu.memory_space<hbm>>
    %dma_wait3A_272 = arith.constant 0 : i32
    %dma_wait3A_273 = tpu.memref_slice %arg5[%arg0, %multiple_of3A_196, %dma_wait3A_272] : memref<2x10240x128xf32, #tpu.memory_space<hbm>> -> memref<1x128x128xf32, #tpu.memory_space<hbm>>
    %dma_wait3A_274 = tpu.memref_squeeze %dma_wait3A_273 : memref<1x128x128xf32, #tpu.memory_space<hbm>> -> memref<128x128xf32, #tpu.memory_space<hbm>>
    tpu.wait_dma2 semaphore(%arg13 : memref<!tpu.dma_semaphore, #tpu.memory_space<semaphore_mem>>) src(%arg8 : memref<128x128xf32, #tpu.memory_space<vmem>>) dst(%dma_wait3A_274 : memref<128x128xf32, #tpu.memory_space<hbm>>)
    %dma_start3A_275 = arith.constant 0 : i32
    %dma_start3A_276 = tpu.memref_slice %arg5[%arg0, %multiple_of3A_201, %dma_start3A_275] : memref<2x10240x128xf32, #tpu.memory_space<hbm>> -> memref<1x128x128xf32, #tpu.memory_space<hbm>>
    %dma_start3A_277 = tpu.memref_squeeze %dma_start3A_276 : memref<1x128x128xf32, #tpu.memory_space<hbm>> -> memref<128x128xf32, #tpu.memory_space<hbm>>
    %dma_start3A_278 = arith.constant 0 : i32
    %dma_start3A_279 = tpu.memref_slice %arg5[%arg0, %multiple_of3A_201, %dma_start3A_278] : memref<2x10240x128xf32, #tpu.memory_space<hbm>> -> memref<1x128x128xf32, #tpu.memory_space<hbm>>
    %dma_start3A_280 = tpu.memref_squeeze %dma_start3A_279 : memref<1x128x128xf32, #tpu.memory_space<hbm>> -> memref<128x128xf32, #tpu.memory_space<hbm>>
    tpu.enqueue_dma source(%arg9 : memref<128x128xf32, #tpu.memory_space<vmem>>) target(%dma_start3A_280 : memref<128x128xf32, #tpu.memory_space<hbm>>) target_semaphore(%arg14 : memref<!tpu.dma_semaphore, #tpu.memory_space<semaphore_mem>>)
    %dma_start3A_281 = arith.constant 0 : i32
    %dma_start3A_282 = tpu.memref_slice %arg10[%multiple_of3A_206, %dma_start3A_281] : memref<10240x128xf32, #tpu.memory_space<vmem_shared>> -> memref<128x128xf32, #tpu.memory_space<vmem_shared>>
    %dma_start3A_283 = arith.constant 0 : i32
    %dma_start3A_284 = tpu.memref_slice %arg10[%multiple_of3A_206, %dma_start3A_283] : memref<10240x128xf32, #tpu.memory_space<vmem_shared>> -> memref<128x128xf32, #tpu.memory_space<vmem_shared>>
    tpu.enqueue_dma source(%dma_start3A_284 : memref<128x128xf32, #tpu.memory_space<vmem_shared>>) target(%arg8 : memref<128x128xf32, #tpu.memory_space<vmem>>) target_semaphore(%arg11 : memref<!tpu.dma_semaphore, #tpu.memory_space<semaphore_mem>>)
    %dma_wait3A_285 = arith.constant 0 : i32
    %dma_wait3A_286 = tpu.memref_slice %arg10[%multiple_of3A_206, %dma_wait3A_285] : memref<10240x128xf32, #tpu.memory_space<vmem_shared>> -> memref<128x128xf32, #tpu.memory_space<vmem_shared>>
    %dma_wait3A_287 = arith.constant 0 : i32
    %dma_wait3A_288 = tpu.memref_slice %arg10[%multiple_of3A_206, %dma_wait3A_287] : memref<10240x128xf32, #tpu.memory_space<vmem_shared>> -> memref<128x128xf32, #tpu.memory_space<vmem_shared>>
    tpu.wait_dma2 semaphore(%arg11 : memref<!tpu.dma_semaphore, #tpu.memory_space<semaphore_mem>>) src(%dma_wait3A_288 : memref<128x128xf32, #tpu.memory_space<vmem_shared>>) dst(%arg8 : memref<128x128xf32, #tpu.memory_space<vmem>>)
    %dma_wait3A_289 = arith.constant 0 : i32
    %dma_wait3A_290 = tpu.memref_slice %arg5[%arg0, %multiple_of3A_201, %dma_wait3A_289] : memref<2x10240x128xf32, #tpu.memory_space<hbm>> -> memref<1x128x128xf32, #tpu.memory_space<hbm>>
    %dma_wait3A_291 = tpu.memref_squeeze %dma_wait3A_290 : memref<1x128x128xf32, #tpu.memory_space<hbm>> -> memref<128x128xf32, #tpu.memory_space<hbm>>
    %dma_wait3A_292 = arith.constant 0 : i32
    %dma_wait3A_293 = tpu.memref_slice %arg5[%arg0, %multiple_of3A_201, %dma_wait3A_292] : memref<2x10240x128xf32, #tpu.memory_space<hbm>> -> memref<1x128x128xf32, #tpu.memory_space<hbm>>
    %dma_wait3A_294 = tpu.memref_squeeze %dma_wait3A_293 : memref<1x128x128xf32, #tpu.memory_space<hbm>> -> memref<128x128xf32, #tpu.memory_space<hbm>>
    tpu.wait_dma2 semaphore(%arg14 : memref<!tpu.dma_semaphore, #tpu.memory_space<semaphore_mem>>) src(%arg9 : memref<128x128xf32, #tpu.memory_space<vmem>>) dst(%dma_wait3A_294 : memref<128x128xf32, #tpu.memory_space<hbm>>)
    %dma_start3A_295 = arith.constant 0 : i32
    %dma_start3A_296 = tpu.memref_slice %arg5[%arg0, %multiple_of3A_206, %dma_start3A_295] : memref<2x10240x128xf32, #tpu.memory_space<hbm>> -> memref<1x128x128xf32, #tpu.memory_space<hbm>>
    %dma_start3A_297 = tpu.memref_squeeze %dma_start3A_296 : memref<1x128x128xf32, #tpu.memory_space<hbm>> -> memref<128x128xf32, #tpu.memory_space<hbm>>
    %dma_start3A_298 = arith.constant 0 : i32
    %dma_start3A_299 = tpu.memref_slice %arg5[%arg0, %multiple_of3A_206, %dma_start3A_298] : memref<2x10240x128xf32, #tpu.memory_space<hbm>> -> memref<1x128x128xf32, #tpu.memory_space<hbm>>
    %dma_start3A_300 = tpu.memref_squeeze %dma_start3A_299 : memref<1x128x128xf32, #tpu.memory_space<hbm>> -> memref<128x128xf32, #tpu.memory_space<hbm>>
    tpu.enqueue_dma source(%arg8 : memref<128x128xf32, #tpu.memory_space<vmem>>) target(%dma_start3A_300 : memref<128x128xf32, #tpu.memory_space<hbm>>) target_semaphore(%arg13 : memref<!tpu.dma_semaphore, #tpu.memory_space<semaphore_mem>>)
    %dma_wait3A_301 = arith.constant 0 : i32
    %dma_wait3A_302 = tpu.memref_slice %arg5[%arg0, %multiple_of3A_206, %dma_wait3A_301] : memref<2x10240x128xf32, #tpu.memory_space<hbm>> -> memref<1x128x128xf32, #tpu.memory_space<hbm>>
    %dma_wait3A_303 = tpu.memref_squeeze %dma_wait3A_302 : memref<1x128x128xf32, #tpu.memory_space<hbm>> -> memref<128x128xf32, #tpu.memory_space<hbm>>
    %dma_wait3A_304 = arith.constant 0 : i32
    %dma_wait3A_305 = tpu.memref_slice %arg5[%arg0, %multiple_of3A_206, %dma_wait3A_304] : memref<2x10240x128xf32, #tpu.memory_space<hbm>> -> memref<1x128x128xf32, #tpu.memory_space<hbm>>
    %dma_wait3A_306 = tpu.memref_squeeze %dma_wait3A_305 : memref<1x128x128xf32, #tpu.memory_space<hbm>> -> memref<128x128xf32, #tpu.memory_space<hbm>>
    tpu.wait_dma2 semaphore(%arg13 : memref<!tpu.dma_semaphore, #tpu.memory_space<semaphore_mem>>) src(%arg8 : memref<128x128xf32, #tpu.memory_space<vmem>>) dst(%dma_wait3A_306 : memref<128x128xf32, #tpu.memory_space<hbm>>)
    return
  }
}

module attributes {stable_mosaic.version = 14 : i64} {
  func.func @_mlp_body(%arg0: i32, %arg1: memref<5000x128xf32, #tpu.memory_space<vmem>>, %arg2: memref<1x5000x128xf32, #tpu.memory_space<vmem>>, %arg3: memref<1x5000x128xf32, #tpu.memory_space<vmem>>, %arg4: memref<128x128xf32, #tpu.memory_space<vmem>>, %arg5: memref<1x128xf32, #tpu.memory_space<vmem>>, %arg6: memref<128x128xf32, #tpu.memory_space<vmem>>, %arg7: memref<1x128xf32, #tpu.memory_space<vmem>>, %arg8: memref<5000x128xf32, #tpu.memory_space<vmem>>) attributes {dimension_semantics = [#tpu.dimension_semantics<arbitrary>], iteration_bounds = array<i64: 2>, scalar_prefetch = 0 : i64, scratch_operands = 0 : i64, tpu.core_type = #tpu.core_type<tc>, window_params = [{transform_indices = @transform_0, window_bounds = array<i64: 5000, 128>}, {transform_indices = @transform_1, window_bounds = array<i64: 1, 5000, 128>}, {transform_indices = @transform_2, window_bounds = array<i64: 1, 5000, 128>}, {pipeline_mode = #tpu.pipeline_mode<synchronous>, transform_indices = @transform_3, window_bounds = array<i64: 128, 128>}, {pipeline_mode = #tpu.pipeline_mode<synchronous>, transform_indices = @transform_4, window_bounds = array<i64: 1, 128>}, {pipeline_mode = #tpu.pipeline_mode<synchronous>, transform_indices = @transform_5, window_bounds = array<i64: 128, 128>}, {pipeline_mode = #tpu.pipeline_mode<synchronous>, transform_indices = @transform_6, window_bounds = array<i64: 1, 128>}, {transform_indices = @transform_7, window_bounds = array<i64: 5000, 128>}]} {
    %get3A = arith.constant 0 : index
    %get3A_0 = arith.constant 0 : index
    %get3A_1 = vector.load %arg1[%get3A, %get3A_0] : memref<5000x128xf32, #tpu.memory_space<vmem>>, vector<5000x128xf32>
    %get3A_2 = arith.constant 0 : index
    %get3A_3 = arith.constant 0 : index
    %get3A_4 = arith.constant 0 : index
    %get3A_5 = vector.load %arg2[%get3A_2, %get3A_3, %get3A_4] : memref<1x5000x128xf32, #tpu.memory_space<vmem>>, vector<1x5000x128xf32>
    %get3A_6 = vector.shape_cast %get3A_5 : vector<1x5000x128xf32> to vector<5000x128xf32>
    %add3A = arith.addf %get3A_1, %get3A_6 : vector<5000x128xf32>
    %get3A_7 = arith.constant 0 : index
    %get3A_8 = arith.constant 0 : index
    %get3A_9 = arith.constant 0 : index
    %get3A_10 = vector.load %arg3[%get3A_7, %get3A_8, %get3A_9] : memref<1x5000x128xf32, #tpu.memory_space<vmem>>, vector<1x5000x128xf32>
    %get3A_11 = vector.shape_cast %get3A_10 : vector<1x5000x128xf32> to vector<5000x128xf32>
    %add3A_12 = arith.addf %add3A, %get3A_11 : vector<5000x128xf32>
    %get3A_13 = arith.constant 0 : index
    %get3A_14 = arith.constant 0 : index
    %get3A_15 = vector.load %arg4[%get3A_13, %get3A_14] : memref<128x128xf32, #tpu.memory_space<vmem>>, vector<128x128xf32>
    %dot_general3A = arith.constant dense<0.000000e+00> : vector<5000x128xf32>
    %dot_general3A_16 = tpu.matmul %add3A_12, %get3A_15, %dot_general3A {dimension_numbers = #tpu.dot_dimension_numbers<[1], [0], [0], [1], [0, 0, 1, 1], [], []>, transpose_lhs_hint = false} : vector<5000x128xf32>, vector<128x128xf32>, vector<5000x128xf32> -> vector<5000x128xf32>
    %get3A_17 = arith.constant 0 : index
    %get3A_18 = arith.constant 0 : index
    %get3A_19 = vector.load %arg5[%get3A_17, %get3A_18] : memref<1x128xf32, #tpu.memory_space<vmem>>, vector<1x128xf32>
    %add3A_20 = vector.broadcast %get3A_19 : vector<1x128xf32> to vector<5000x128xf32>
    %add3A_21 = arith.addf %dot_general3A_16, %add3A_20 : vector<5000x128xf32>
    %max3A = arith.constant 0.000000e+00 : f32
    %max3A_22 = vector.broadcast %max3A : f32 to vector<5000x128xf32>
    %max3A_23 = arith.maximumf %add3A_21, %max3A_22 : vector<5000x128xf32>
    %get3A_24 = arith.constant 0 : index
    %get3A_25 = arith.constant 0 : index
    %get3A_26 = vector.load %arg6[%get3A_24, %get3A_25] : memref<128x128xf32, #tpu.memory_space<vmem>>, vector<128x128xf32>
    %dot_general3A_27 = arith.constant dense<0.000000e+00> : vector<5000x128xf32>
    %dot_general3A_28 = tpu.matmul %max3A_23, %get3A_26, %dot_general3A_27 {dimension_numbers = #tpu.dot_dimension_numbers<[1], [0], [0], [1], [0, 0, 1, 1], [], []>, transpose_lhs_hint = false} : vector<5000x128xf32>, vector<128x128xf32>, vector<5000x128xf32> -> vector<5000x128xf32>
    %get3A_29 = arith.constant 0 : index
    %get3A_30 = arith.constant 0 : index
    %get3A_31 = vector.load %arg7[%get3A_29, %get3A_30] : memref<1x128xf32, #tpu.memory_space<vmem>>, vector<1x128xf32>
    %add3A_32 = vector.broadcast %get3A_31 : vector<1x128xf32> to vector<5000x128xf32>
    %add3A_33 = arith.addf %dot_general3A_28, %add3A_32 : vector<5000x128xf32>
    %max3A_34 = arith.constant 0.000000e+00 : f32
    %max3A_35 = vector.broadcast %max3A_34 : f32 to vector<5000x128xf32>
    %max3A_36 = arith.maximumf %add3A_33, %max3A_35 : vector<5000x128xf32>
    %swap3A = arith.constant 0 : index
    %swap3A_37 = arith.constant 0 : index
    %swap3A_38 = vector.load %arg8[%swap3A, %swap3A_37] : memref<5000x128xf32, #tpu.memory_space<vmem>>, vector<5000x128xf32>
    tpu.vector_store %arg8[%swap3A, %swap3A_37], %max3A_36 {strides = array<i32>} : memref<5000x128xf32, #tpu.memory_space<vmem>>, vector<5000x128xf32>,
    return
  }
  func.func @transform_0(%arg0: i32) -> (i32, i32) {
    %c0_i32 = arith.constant 0 : i32
    %c0_i32_0 = arith.constant 0 : i32
    return %arg0, %c0_i32 : i32, i32
  }
  func.func @transform_1(%arg0: i32) -> (i32, i32, i32) {
    %c0_i32 = arith.constant 0 : i32
    %c0_i32_0 = arith.constant 0 : i32
    %c0_i32_1 = arith.constant 0 : i32
    return %c0_i32, %arg0, %c0_i32_0 : i32, i32, i32
  }
  func.func @transform_2(%arg0: i32) -> (i32, i32, i32) {
    %c1_i32 = arith.constant 1 : i32
    %c0_i32 = arith.constant 0 : i32
    %c0_i32_0 = arith.constant 0 : i32
    return %c1_i32, %arg0, %c0_i32 : i32, i32, i32
  }
  func.func @transform_3(%arg0: i32) -> (i32, i32) {
    %c0_i32 = arith.constant 0 : i32
    %c0_i32_0 = arith.constant 0 : i32
    %c0_i32_1 = arith.constant 0 : i32
    return %c0_i32, %c0_i32_0 : i32, i32
  }
  func.func @transform_4(%arg0: i32) -> (i32, i32) {
    %c0_i32 = arith.constant 0 : i32
    %c0_i32_0 = arith.constant 0 : i32
    %c0_i32_1 = arith.constant 0 : i32
    return %c0_i32, %c0_i32_0 : i32, i32
  }
  func.func @transform_5(%arg0: i32) -> (i32, i32) {
    %c0_i32 = arith.constant 0 : i32
    %c0_i32_0 = arith.constant 0 : i32
    %c0_i32_1 = arith.constant 0 : i32
    return %c0_i32, %c0_i32_0 : i32, i32
  }
  func.func @transform_6(%arg0: i32) -> (i32, i32) {
    %c0_i32 = arith.constant 0 : i32
    %c0_i32_0 = arith.constant 0 : i32
    %c0_i32_1 = arith.constant 0 : i32
    return %c0_i32, %c0_i32_0 : i32, i32
  }
  func.func @transform_7(%arg0: i32) -> (i32, i32) {
    %c0_i32 = arith.constant 0 : i32
    %c0_i32_0 = arith.constant 0 : i32
    return %arg0, %c0_i32 : i32, i32
  }
}

module attributes {stable_mosaic.version = 14 : i64} {
  func.func @_mlp_pool_body(%arg0: i32, %arg1: memref<5000x128xf32, #tpu.memory_space<vmem>>, %arg2: memref<1x5000x128xf32, #tpu.memory_space<vmem>>, %arg3: memref<1x5000x128xf32, #tpu.memory_space<vmem>>, %arg4: memref<128x128xf32, #tpu.memory_space<vmem>>, %arg5: memref<1x128xf32, #tpu.memory_space<vmem>>, %arg6: memref<128x128xf32, #tpu.memory_space<vmem>>, %arg7: memref<1x128xf32, #tpu.memory_space<vmem>>, %arg8: memref<1x1x5000xi32, #tpu.memory_space<vmem>>, %arg9: memref<128x128xf32, #tpu.memory_space<vmem>>, %arg10: memref<1x128xf32, #tpu.memory_space<vmem>>, %arg11: memref<1x128xf32, #tpu.memory_space<vmem>>, %arg12: memref<1x128xf32, #tpu.memory_space<vmem>>, %arg13: memref<256x128xf32, #tpu.memory_space<vmem>>, %arg14: memref<256x128xf32, #tpu.memory_space<vmem>>, %arg15: memref<256x128xf32, #tpu.memory_space<vmem>>) attributes {dimension_semantics = [#tpu.dimension_semantics<arbitrary>], iteration_bounds = array<i64: 2>, scalar_prefetch = 0 : i64, scratch_operands = 2 : i64, tpu.core_type = #tpu.core_type<tc>, window_params = [{transform_indices = @transform_0, window_bounds = array<i64: 5000, 128>}, {transform_indices = @transform_1, window_bounds = array<i64: 1, 5000, 128>}, {transform_indices = @transform_2, window_bounds = array<i64: 1, 5000, 128>}, {pipeline_mode = #tpu.pipeline_mode<synchronous>, transform_indices = @transform_3, window_bounds = array<i64: 128, 128>}, {pipeline_mode = #tpu.pipeline_mode<synchronous>, transform_indices = @transform_4, window_bounds = array<i64: 1, 128>}, {pipeline_mode = #tpu.pipeline_mode<synchronous>, transform_indices = @transform_5, window_bounds = array<i64: 128, 128>}, {pipeline_mode = #tpu.pipeline_mode<synchronous>, transform_indices = @transform_6, window_bounds = array<i64: 1, 128>}, {transform_indices = @transform_7, window_bounds = array<i64: 1, 1, 5000>}, {pipeline_mode = #tpu.pipeline_mode<synchronous>, transform_indices = @transform_8, window_bounds = array<i64: 128, 128>}, {pipeline_mode = #tpu.pipeline_mode<synchronous>, transform_indices = @transform_9, window_bounds = array<i64: 1, 128>}, {pipeline_mode = #tpu.pipeline_mode<synchronous>, transform_indices = @transform_10, window_bounds = array<i64: 1, 128>}, {pipeline_mode = #tpu.pipeline_mode<synchronous>, transform_indices = @transform_11, window_bounds = array<i64: 1, 128>}, {pipeline_mode = #tpu.pipeline_mode<synchronous>, transform_indices = @transform_12, window_bounds = array<i64: 256, 128>}]} {
    %eq3A = arith.constant 0 : i32
    %eq3A_0 = arith.cmpi eq, %arg0, %eq3A : i32
    %convert_element_type3A = arith.extui %eq3A_0 : i1 to i32
    %cond3A = arith.constant 0 : i32
    %cond3A_1 = arith.cmpi ne, %convert_element_type3A, %cond3A : i32
    scf.if %cond3A_1 {
      %broadcast_in_dim3A_72 = arith.constant 0.000000e+00 : f32
      %broadcast_in_dim3A_73 = vector.broadcast %broadcast_in_dim3A_72 : f32 to vector<256x128xf32>
      %swap3A_74 = arith.constant 0 : index
      %swap3A_75 = arith.constant 0 : index
      %swap3A_76 = vector.load %arg14[%swap3A_74, %swap3A_75] : memref<256x128xf32, #tpu.memory_space<vmem>>, vector<256x128xf32>
      tpu.vector_store %arg14[%swap3A_74, %swap3A_75], %broadcast_in_dim3A_73 {strides = array<i32>} : memref<256x128xf32, #tpu.memory_space<vmem>>, vector<256x128xf32>,
      %broadcast_in_dim3A_77 = arith.constant 0.000000e+00 : f32
      %broadcast_in_dim3A_78 = vector.broadcast %broadcast_in_dim3A_77 : f32 to vector<256x128xf32>
      %swap3A_79 = arith.constant 0 : index
      %swap3A_80 = arith.constant 0 : index
      %swap3A_81 = vector.load %arg15[%swap3A_79, %swap3A_80] : memref<256x128xf32, #tpu.memory_space<vmem>>, vector<256x128xf32>
      tpu.vector_store %arg15[%swap3A_79, %swap3A_80], %broadcast_in_dim3A_78 {strides = array<i32>} : memref<256x128xf32, #tpu.memory_space<vmem>>, vector<256x128xf32>,
    } else {
    }
    %get3A = arith.constant 0 : index
    %get3A_2 = arith.constant 0 : index
    %get3A_3 = vector.load %arg1[%get3A, %get3A_2] : memref<5000x128xf32, #tpu.memory_space<vmem>>, vector<5000x128xf32>
    %get3A_4 = arith.constant 0 : index
    %get3A_5 = arith.constant 0 : index
    %get3A_6 = arith.constant 0 : index
    %get3A_7 = vector.load %arg2[%get3A_4, %get3A_5, %get3A_6] : memref<1x5000x128xf32, #tpu.memory_space<vmem>>, vector<1x5000x128xf32>
    %get3A_8 = vector.shape_cast %get3A_7 : vector<1x5000x128xf32> to vector<5000x128xf32>
    %add3A = arith.addf %get3A_3, %get3A_8 : vector<5000x128xf32>
    %get3A_9 = arith.constant 0 : index
    %get3A_10 = arith.constant 0 : index
    %get3A_11 = arith.constant 0 : index
    %get3A_12 = vector.load %arg3[%get3A_9, %get3A_10, %get3A_11] : memref<1x5000x128xf32, #tpu.memory_space<vmem>>, vector<1x5000x128xf32>
    %get3A_13 = vector.shape_cast %get3A_12 : vector<1x5000x128xf32> to vector<5000x128xf32>
    %add3A_14 = arith.addf %add3A, %get3A_13 : vector<5000x128xf32>
    %get3A_15 = arith.constant 0 : index
    %get3A_16 = arith.constant 0 : index
    %get3A_17 = vector.load %arg4[%get3A_15, %get3A_16] : memref<128x128xf32, #tpu.memory_space<vmem>>, vector<128x128xf32>
    %dot_general3A = arith.constant dense<0.000000e+00> : vector<5000x128xf32>
    %dot_general3A_18 = tpu.matmul %add3A_14, %get3A_17, %dot_general3A {dimension_numbers = #tpu.dot_dimension_numbers<[1], [0], [0], [1], [0, 0, 1, 1], [], []>, transpose_lhs_hint = false} : vector<5000x128xf32>, vector<128x128xf32>, vector<5000x128xf32> -> vector<5000x128xf32>
    %get3A_19 = arith.constant 0 : index
    %get3A_20 = arith.constant 0 : index
    %get3A_21 = vector.load %arg5[%get3A_19, %get3A_20] : memref<1x128xf32, #tpu.memory_space<vmem>>, vector<1x128xf32>
    %add3A_22 = vector.broadcast %get3A_21 : vector<1x128xf32> to vector<5000x128xf32>
    %add3A_23 = arith.addf %dot_general3A_18, %add3A_22 : vector<5000x128xf32>
    %max3A = arith.constant 0.000000e+00 : f32
    %max3A_24 = vector.broadcast %max3A : f32 to vector<5000x128xf32>
    %max3A_25 = arith.maximumf %add3A_23, %max3A_24 : vector<5000x128xf32>
    %get3A_26 = arith.constant 0 : index
    %get3A_27 = arith.constant 0 : index
    %get3A_28 = vector.load %arg6[%get3A_26, %get3A_27] : memref<128x128xf32, #tpu.memory_space<vmem>>, vector<128x128xf32>
    %dot_general3A_29 = arith.constant dense<0.000000e+00> : vector<5000x128xf32>
    %dot_general3A_30 = tpu.matmul %max3A_25, %get3A_28, %dot_general3A_29 {dimension_numbers = #tpu.dot_dimension_numbers<[1], [0], [0], [1], [0, 0, 1, 1], [], []>, transpose_lhs_hint = false} : vector<5000x128xf32>, vector<128x128xf32>, vector<5000x128xf32> -> vector<5000x128xf32>
    %get3A_31 = arith.constant 0 : index
    %get3A_32 = arith.constant 0 : index
    %get3A_33 = vector.load %arg7[%get3A_31, %get3A_32] : memref<1x128xf32, #tpu.memory_space<vmem>>, vector<1x128xf32>
    %add3A_34 = vector.broadcast %get3A_33 : vector<1x128xf32> to vector<5000x128xf32>
    %add3A_35 = arith.addf %dot_general3A_30, %add3A_34 : vector<5000x128xf32>
    %max3A_36 = arith.constant 0.000000e+00 : f32
    %max3A_37 = vector.broadcast %max3A_36 : f32 to vector<5000x128xf32>
    %max3A_38 = arith.maximumf %add3A_35, %max3A_37 : vector<5000x128xf32>
    %get3A_39 = arith.constant 0 : index
    %get3A_40 = arith.constant 0 : index
    %get3A_41 = arith.constant 0 : index
    %get3A_42 = vector.load %arg8[%get3A_39, %get3A_40, %get3A_41] : memref<1x1x5000xi32, #tpu.memory_space<vmem>>, vector<1x1x5000xi32>
    %get3A_43 = vector.shape_cast %get3A_42 : vector<1x1x5000xi32> to vector<5000xi32>
    %iota3A = tpu.iota {dimensions = array<i32: 0>} : vector<256x5000xi32>
    %broadcast_in_dim3A = vector.shape_cast %get3A_43 : vector<5000xi32> to vector<1x5000xi32>
    %eq3A_44 = vector.broadcast %broadcast_in_dim3A : vector<1x5000xi32> to vector<256x5000xi32>
    %eq3A_45 = arith.cmpi eq, %iota3A, %eq3A_44 : vector<256x5000xi32>
    %convert_element_type3A_46 = arith.extui %eq3A_45 : vector<256x5000xi1> to vector<256x5000xi32>
    %convert_element_type3A_47 = arith.sitofp %convert_element_type3A_46 : vector<256x5000xi32> to vector<256x5000xf32>
    %get3A_48 = arith.constant 0 : index
    %get3A_49 = arith.constant 0 : index
    %get3A_50 = vector.load %arg14[%get3A_48, %get3A_49] : memref<256x128xf32, #tpu.memory_space<vmem>>, vector<256x128xf32>
    %dot_general3A_51 = arith.constant dense<0.000000e+00> : vector<256x128xf32>
    %dot_general3A_52 = tpu.matmul %convert_element_type3A_47, %max3A_38, %dot_general3A_51 {dimension_numbers = #tpu.dot_dimension_numbers<[1], [0], [0], [1], [0, 0, 1, 1], [], []>, transpose_lhs_hint = false} : vector<256x5000xf32>, vector<5000x128xf32>, vector<256x128xf32> -> vector<256x128xf32>
    %add3A_53 = arith.addf %get3A_50, %dot_general3A_52 : vector<256x128xf32>
    %swap3A = arith.constant 0 : index
    %swap3A_54 = arith.constant 0 : index
    %swap3A_55 = vector.load %arg14[%swap3A, %swap3A_54] : memref<256x128xf32, #tpu.memory_space<vmem>>, vector<256x128xf32>
    tpu.vector_store %arg14[%swap3A, %swap3A_54], %add3A_53 {strides = array<i32>} : memref<256x128xf32, #tpu.memory_space<vmem>>, vector<256x128xf32>,
    %get3A_56 = arith.constant 0 : index
    %get3A_57 = arith.constant 0 : index
    %get3A_58 = vector.load %arg15[%get3A_56, %get3A_57] : memref<256x128xf32, #tpu.memory_space<vmem>>, vector<256x128xf32>
    %reduce_sum3A = arith.constant dense<0.000000e+00> : vector<256xf32>
    %reduce_sum3A_59 = vector.multi_reduction <add>, %convert_element_type3A_47, %reduce_sum3A [1] : vector<256x5000xf32> to vector<256xf32>
    %broadcast_in_dim3A_60 = vector.shape_cast %reduce_sum3A_59 : vector<256xf32> to vector<256x1xf32>
    %broadcast_in_dim3A_61 = vector.shape_cast %broadcast_in_dim3A_60 : vector<256x1xf32> to vector<256x1xf32>
    %broadcast_in_dim3A_62 = vector.broadcast %broadcast_in_dim3A_61 : vector<256x1xf32> to vector<256x128xf32>
    %add3A_63 = arith.addf %get3A_58, %broadcast_in_dim3A_62 : vector<256x128xf32>
    %swap3A_64 = arith.constant 0 : index
    %swap3A_65 = arith.constant 0 : index
    %swap3A_66 = vector.load %arg15[%swap3A_64, %swap3A_65] : memref<256x128xf32, #tpu.memory_space<vmem>>, vector<256x128xf32>
    tpu.vector_store %arg15[%swap3A_64, %swap3A_65], %add3A_63 {strides = array<i32>} : memref<256x128xf32, #tpu.memory_space<vmem>>, vector<256x128xf32>,
    %eq3A_67 = arith.constant 1 : i32
    %eq3A_68 = arith.cmpi eq, %arg0, %eq3A_67 : i32
    %convert_element_type3A_69 = arith.extui %eq3A_68 : i1 to i32
    %cond3A_70 = arith.constant 0 : i32
    %cond3A_71 = arith.cmpi ne, %convert_element_type3A_69, %cond3A_70 : i32
    scf.if %cond3A_71 {
      %get3A_72 = arith.constant 0 : index
      %get3A_73 = arith.constant 0 : index
      %get3A_74 = vector.load %arg14[%get3A_72, %get3A_73] : memref<256x128xf32, #tpu.memory_space<vmem>>, vector<256x128xf32>
      %get3A_75 = arith.constant 0 : index
      %get3A_76 = arith.constant 0 : index
      %get3A_77 = vector.load %arg15[%get3A_75, %get3A_76] : memref<256x128xf32, #tpu.memory_space<vmem>>, vector<256x128xf32>
      %max3A_78 = arith.constant 1.000000e+00 : f32
      %max3A_79 = vector.broadcast %max3A_78 : f32 to vector<256x128xf32>
      %max3A_80 = arith.maximumf %get3A_77, %max3A_79 : vector<256x128xf32>
      %div3A = arith.divf %get3A_74, %max3A_80 : vector<256x128xf32>
      %get3A_81 = arith.constant 0 : index
      %get3A_82 = arith.constant 0 : index
      %get3A_83 = vector.load %arg9[%get3A_81, %get3A_82] : memref<128x128xf32, #tpu.memory_space<vmem>>, vector<128x128xf32>
      %dot_general3A_84 = arith.constant dense<0.000000e+00> : vector<256x128xf32>
      %dot_general3A_85 = tpu.matmul %div3A, %get3A_83, %dot_general3A_84 {dimension_numbers = #tpu.dot_dimension_numbers<[1], [0], [0], [1], [0, 0, 1, 1], [], []>, transpose_lhs_hint = false} : vector<256x128xf32>, vector<128x128xf32>, vector<256x128xf32> -> vector<256x128xf32>
      %get3A_86 = arith.constant 0 : index
      %get3A_87 = arith.constant 0 : index
      %get3A_88 = vector.load %arg10[%get3A_86, %get3A_87] : memref<1x128xf32, #tpu.memory_space<vmem>>, vector<1x128xf32>
      %add3A_89 = vector.broadcast %get3A_88 : vector<1x128xf32> to vector<256x128xf32>
      %add3A_90 = arith.addf %dot_general3A_85, %add3A_89 : vector<256x128xf32>
      %reduce_sum3A_91 = arith.constant dense<0.000000e+00> : vector<256xf32>
      %reduce_sum3A_92 = vector.multi_reduction <add>, %add3A_90, %reduce_sum3A_91 [1] : vector<256x128xf32> to vector<256xf32>
      %broadcast_in_dim3A_93 = vector.shape_cast %reduce_sum3A_92 : vector<256xf32> to vector<256x1xf32>
      %div3A_94 = arith.constant 1.280000e+02 : f32
      %div3A_95 = vector.broadcast %div3A_94 : f32 to vector<256x1xf32>
      %div3A_96 = arith.divf %broadcast_in_dim3A_93, %div3A_95 : vector<256x1xf32>
      %sub3A = vector.broadcast %div3A_96 : vector<256x1xf32> to vector<256x128xf32>
      %sub3A_97 = arith.subf %add3A_90, %sub3A : vector<256x128xf32>
      %integer_pow3A = arith.mulf %sub3A_97, %sub3A_97 : vector<256x128xf32>
      %reduce_sum3A_98 = arith.constant dense<0.000000e+00> : vector<256xf32>
      %reduce_sum3A_99 = vector.multi_reduction <add>, %integer_pow3A, %reduce_sum3A_98 [1] : vector<256x128xf32> to vector<256xf32>
      %broadcast_in_dim3A_100 = vector.shape_cast %reduce_sum3A_99 : vector<256xf32> to vector<256x1xf32>
      %div3A_101 = arith.constant 1.280000e+02 : f32
      %div3A_102 = vector.broadcast %div3A_101 : f32 to vector<256x1xf32>
      %div3A_103 = arith.divf %broadcast_in_dim3A_100, %div3A_102 : vector<256x1xf32>
      %sub3A_104 = vector.broadcast %div3A_96 : vector<256x1xf32> to vector<256x128xf32>
      %sub3A_105 = arith.subf %add3A_90, %sub3A_104 : vector<256x128xf32>
      %add3A_106 = arith.constant 9.99999974E-6 : f32
      %add3A_107 = vector.broadcast %add3A_106 : f32 to vector<256x1xf32>
      %add3A_108 = arith.addf %div3A_103, %add3A_107 : vector<256x1xf32>
      %rsqrt3A = math.rsqrt %add3A_108 : vector<256x1xf32>
      %mul3A = vector.broadcast %rsqrt3A : vector<256x1xf32> to vector<256x128xf32>
      %mul3A_109 = arith.mulf %sub3A_105, %mul3A : vector<256x128xf32>
      %get3A_110 = arith.constant 0 : index
      %get3A_111 = arith.constant 0 : index
      %get3A_112 = vector.load %arg11[%get3A_110, %get3A_111] : memref<1x128xf32, #tpu.memory_space<vmem>>, vector<1x128xf32>
      %mul3A_113 = vector.broadcast %get3A_112 : vector<1x128xf32> to vector<256x128xf32>
      %mul3A_114 = arith.mulf %mul3A_109, %mul3A_113 : vector<256x128xf32>
      %get3A_115 = arith.constant 0 : index
      %get3A_116 = arith.constant 0 : index
      %get3A_117 = vector.load %arg12[%get3A_115, %get3A_116] : memref<1x128xf32, #tpu.memory_space<vmem>>, vector<1x128xf32>
      %add3A_118 = vector.broadcast %get3A_117 : vector<1x128xf32> to vector<256x128xf32>
      %add3A_119 = arith.addf %mul3A_114, %add3A_118 : vector<256x128xf32>
      %swap3A_120 = arith.constant 0 : index
      %swap3A_121 = arith.constant 0 : index
      %swap3A_122 = vector.load %arg13[%swap3A_120, %swap3A_121] : memref<256x128xf32, #tpu.memory_space<vmem>>, vector<256x128xf32>
      tpu.vector_store %arg13[%swap3A_120, %swap3A_121], %add3A_119 {strides = array<i32>} : memref<256x128xf32, #tpu.memory_space<vmem>>, vector<256x128xf32>,
    } else {
    }
    return
  }
  func.func @transform_0(%arg0: i32) -> (i32, i32) {
    %c0_i32 = arith.constant 0 : i32
    %c0_i32_0 = arith.constant 0 : i32
    return %arg0, %c0_i32 : i32, i32
  }
  func.func @transform_1(%arg0: i32) -> (i32, i32, i32) {
    %c0_i32 = arith.constant 0 : i32
    %c0_i32_0 = arith.constant 0 : i32
    %c0_i32_1 = arith.constant 0 : i32
    return %c0_i32, %arg0, %c0_i32_0 : i32, i32, i32
  }
  func.func @transform_2(%arg0: i32) -> (i32, i32, i32) {
    %c1_i32 = arith.constant 1 : i32
    %c0_i32 = arith.constant 0 : i32
    %c0_i32_0 = arith.constant 0 : i32
    return %c1_i32, %arg0, %c0_i32 : i32, i32, i32
  }
  func.func @transform_3(%arg0: i32) -> (i32, i32) {
    %c0_i32 = arith.constant 0 : i32
    %c0_i32_0 = arith.constant 0 : i32
    %c0_i32_1 = arith.constant 0 : i32
    return %c0_i32, %c0_i32_0 : i32, i32
  }
  func.func @transform_4(%arg0: i32) -> (i32, i32) {
    %c0_i32 = arith.constant 0 : i32
    %c0_i32_0 = arith.constant 0 : i32
    %c0_i32_1 = arith.constant 0 : i32
    return %c0_i32, %c0_i32_0 : i32, i32
  }
  func.func @transform_5(%arg0: i32) -> (i32, i32) {
    %c0_i32 = arith.constant 0 : i32
    %c0_i32_0 = arith.constant 0 : i32
    %c0_i32_1 = arith.constant 0 : i32
    return %c0_i32, %c0_i32_0 : i32, i32
  }
  func.func @transform_6(%arg0: i32) -> (i32, i32) {
    %c0_i32 = arith.constant 0 : i32
    %c0_i32_0 = arith.constant 0 : i32
    %c0_i32_1 = arith.constant 0 : i32
    return %c0_i32, %c0_i32_0 : i32, i32
  }
  func.func @transform_7(%arg0: i32) -> (i32, i32, i32) {
    %c0_i32 = arith.constant 0 : i32
    %c0_i32_0 = arith.constant 0 : i32
    %c0_i32_1 = arith.constant 0 : i32
    return %arg0, %c0_i32, %c0_i32_0 : i32, i32, i32
  }
  func.func @transform_8(%arg0: i32) -> (i32, i32) {
    %c0_i32 = arith.constant 0 : i32
    %c0_i32_0 = arith.constant 0 : i32
    %c0_i32_1 = arith.constant 0 : i32
    return %c0_i32, %c0_i32_0 : i32, i32
  }
  func.func @transform_9(%arg0: i32) -> (i32, i32) {
    %c0_i32 = arith.constant 0 : i32
    %c0_i32_0 = arith.constant 0 : i32
    %c0_i32_1 = arith.constant 0 : i32
    return %c0_i32, %c0_i32_0 : i32, i32
  }
  func.func @transform_10(%arg0: i32) -> (i32, i32) {
    %c0_i32 = arith.constant 0 : i32
    %c0_i32_0 = arith.constant 0 : i32
    %c0_i32_1 = arith.constant 0 : i32
    return %c0_i32, %c0_i32_0 : i32, i32
  }
  func.func @transform_11(%arg0: i32) -> (i32, i32) {
    %c0_i32 = arith.constant 0 : i32
    %c0_i32_0 = arith.constant 0 : i32
    %c0_i32_1 = arith.constant 0 : i32
    return %c0_i32, %c0_i32_0 : i32, i32
  }
  func.func @transform_12(%arg0: i32) -> (i32, i32) {
    %c0_i32 = arith.constant 0 : i32
    %c0_i32_0 = arith.constant 0 : i32
    %c0_i32_1 = arith.constant 0 : i32
    return %c0_i32, %c0_i32_0 : i32, i32
  }
}

</mosaic_0001>

<sc_bundles>
// kernel: kernel.11.cloned.1.call-start
scs
__scs_entry_jumppad:
0x0: {  	(pc) =	sbr.rel $0x88, $3  }
0x1: {  	(tag) =	ssettag $0x0;
	lr =	simm.s32 $0x1  }
0x2: {  	[smem:$0x3F92] =	sst lr;
	_ =	strace $0xD0000000  }
0x3: {  	_ = 	snop  }
0x4: {  	_ = 	snop  }
0x5: {  	_ = 	snop  }
0x6: {  	_ = 	snop  }
0x7: {  	_ = 	snop  }
__scs_overlays_trampoline_lowered:
0x8: {  	[smem:$0x3FA1] =	sst s0  }
0x9: {  	[smem:$0x3FA2] =	sst s1  }
0xa: {  	[smem:$0x3FA3] =	sst s2  }
0xb: {  	[smem:$0x3FA4] =	sst s3  }
0xc: {  	[smem:$0x3FA5] =	sst s4  }
0xd: {  	[smem:$0x3FA6] =	sst s5  }
0xe: {  	[smem:$0x3FA7] =	sst s6  }
0xf: {  	[smem:$0x3FA8] =	sst s7  }
0x10: {  	[smem:$0x3FA9] =	sst s8  }
0x11: {  	[smem:$0x3FAA] =	sst s9;
	s0 =	simm.s32 @!p0 $0x0  }
0x12: {  	s1 =	sld [smem:$0x3F90];
	s0 =	simm.s32 @p0 $0x1  }
0x13: {  	[smem:$0x3FAB] =	sst s0;
	s0 =	simm.s32 @!p1 $0x0  }
0x14: {  	s2 =	sld [smem:$0x3F8F];
	s0 =	simm.s32 @p1 $0x1  }
0x15: {  	[smem:$0x3FAC] =	sst s0;
	s0 =	simm.s32 @!p2 $0x0  }
0x16: {  	s3 =	sld [smem:$0x3FDB];
	s0 =	simm.s32 @p2 $0x1  }
0x17: {  	s4 =	simm.s32 $0x1BF5;
	[smem:$0x3FAE] =	sst s0  }
0x18: {  	s0 =	sld [smem:$0x3F91];
	_ =	swait.ge [sflag:s4], $0x0  }
0x19: {  	s7 =	sld [smem:$0x3F92]  }
0x1a: {  	s8 =	sadd.s32 $0xFFFFE003, lr  }
0x1b: {  	s9 =	sadd.s32 $0xFFFFFEF7, lr;
	s5 =	simm.s32 $0xFFFFFFFF;
	p2 =	slt.u32 s8, $0xFFFFF086  }
0x1c: {  	p1 =	slt.u32 s9, $0xF7A;
	s5 =	simm.s32 @!p2 $0x0  }
0x1d: {  	s5 =	simm.s32 @p1 $0x1;
	p0 =	seq.s32 s7, s2  }
0x1e: {  	s7 =	smul.u32 @!p0 $0xF7A, s2;
	p2 =	seq.s32 @!p0 s5, $0x0  }
0x1f: {  	s9 =	smul.u32 $0xF7A, s1;
	s8 =	simm.s32 @!p0 $0x1BF5;
	p2 =	por !p2, p0  }
0x20: {  	[sflag:s8] =	ssyncset.s32 @!p0 $0xFFFFF086;
	s6 =	sadd.s32 @!p0 s3, s7;
	s7 =	simm.s32 @!p0 $0x108  }
0x21: {  	s3 =	sadd.s32 s3, s9;
	s6 =	sadd.s32 @!p0 $0x88, s6;
	s7 =	simm.s32 @p2 $0x1082  }
0x22: {  	[simem:s7], [sflag:s8] =	dma.local @!p0 [hbm:s6], $0xF7A  }
0x23: {  	s9 =	sor.u32 $0xD0000000, s2;
	s6 =	simm.s32 $0x108;
	_ =	swait.ge @!p0 [sflag:s8], $0x0  }
0x24: {  	s3 =	sadd.s32 $0x88, s3;
	s6 =	simm.s32 @!p1 $0x1082;
	[sflag:s4] =	ssyncset.s32 $0xFFFFF086  }
0x25: {  	[simem:s6], [sflag:s4] =	dma.local [hbm:s3], $0xF7A  }
0x26: {  	[smem:$0x3F92] =	sst s1;
	(tag) =	ssettag s2;
	_ =	strace s9  }
0x27: {  	s1 =	sld [smem:$0x3FA2]  }
0x28: {  	s2 =	sld [smem:$0x3FA3]  }
0x29: {  	s4 =	sld [smem:$0x3FA5]  }
0x2a: {  	p0 =	seq.s32 s5, $0x0;
	s5 =	sld [smem:$0x3FA6]  }
0x2b: {  	s6 =	sld [smem:$0x3FA7]  }
0x2c: {  	s7 =	sld [smem:$0x3FA8]  }
0x2d: {  	s3 =	simm.s32 $0x108;
	s8 =	sld [smem:$0x3FA9]  }
0x2e: {  	s3 =	simm.s32 @!p0 $0x1082;
	s9 =	sld [smem:$0x3FAA]  }
0x2f: {  	lr =	sadd.s32 s0, s3;
	s0 =	sld [smem:$0x3FA1]  }
0x30: {  	s3 =	sld [smem:$0x3FA4]  }
0x31: {  	[smem:$0x3FAD] =	sst s10  }
0x32: {  	s10 =	sld [smem:$0x3FAB];
	_ =	sdelay $0x3  }
0x33: {  	p0 =	seq.s32 s10, $0x1;
	s10 =	sld [smem:$0x3FAD];
	_ =	sdelay $0x3  }
0x34: {  	[smem:$0x3FAD] =	sst s10  }
0x35: {  	s10 =	sld [smem:$0x3FAC];
	_ =	sdelay $0x3  }
0x36: {  	p1 =	seq.s32 s10, $0x1;
	s10 =	sld [smem:$0x3FAD];
	_ =	sdelay $0x3  }
0x37: {  	[smem:$0x3FAD] =	sst s10  }
0x38: {  	s10 =	sld [smem:$0x3FAE]  }
0x39: {  	_ = 	snop;
	(pc) =	sbr.ind lr, $3  }
0x3a: {  	_ = 	snop  }
0x3b: {  	_ = 	snop  }
0x3c: {  	p2 =	seq.s32 s10, $0x1;
	s10 =	sld [smem:$0x3FAD]  }
0x3d: {  	_ =	shalt  }
0x3e: {  	_ =	shalt  }
0x3f: {  	_ =	shalt  }
0x40: {  	_ =	shalt  }
0x41: {  	_ =	shalt  }
0x42: {  	_ =	shalt  }
0x43: {  	_ =	shalt  }
0x44: {  	_ =	shalt  }
0x45: {  	_ =	shalt  }
0x46: {  	_ =	shalt  }
0x47: {  	_ =	shalt  }
0x48: {  	_ =	shalt  }
0x49: {  	_ =	shalt  }
0x4a: {  	_ =	shalt  }
0x4b: {  	_ =	shalt  }
0x4c: {  	_ =	shalt  }
0x4d: {  	_ =	shalt  }
0x4e: {  	_ =	shalt  }
0x4f: {  	_ =	shalt  }
0x50: {  	_ =	shalt  }
0x51: {  	_ =	shalt  }
0x52: {  	_ =	shalt  }
0x53: {  	_ =	shalt  }
0x54: {  	_ =	shalt  }
0x55: {  	_ =	shalt  }
0x56: {  	_ =	shalt  }
0x57: {  	_ =	shalt  }
0x58: {  	_ =	shalt  }
0x59: {  	_ =	shalt  }
0x5a: {  	_ =	shalt  }
0x5b: {  	_ =	shalt  }
0x5c: {  	_ =	shalt  }
0x5d: {  	_ =	shalt  }
0x5e: {  	_ =	shalt  }
0x5f: {  	_ =	shalt  }
0x60: {  	_ =	shalt  }
0x61: {  	_ =	shalt  }
0x62: {  	_ =	shalt  }
0x63: {  	_ =	shalt  }
0x64: {  	_ =	shalt  }
0x65: {  	_ =	shalt  }
0x66: {  	_ =	shalt  }
0x67: {  	_ =	shalt  }
0x68: {  	_ =	shalt  }
0x69: {  	_ =	shalt  }
0x6a: {  	_ =	shalt  }
0x6b: {  	_ =	shalt  }
0x6c: {  	_ =	shalt  }
0x6d: {  	_ =	shalt  }
0x6e: {  	_ =	shalt  }
0x6f: {  	_ =	shalt  }
0x70: {  	_ =	shalt  }
0x71: {  	_ =	shalt  }
0x72: {  	_ =	shalt  }
0x73: {  	_ =	shalt  }
0x74: {  	_ =	shalt  }
0x75: {  	_ =	shalt  }
0x76: {  	_ =	shalt  }
0x77: {  	_ =	shalt  }
0x78: {  	_ =	shalt  }
0x79: {  	_ =	shalt  }
0x7a: {  	_ =	shalt  }
0x7b: {  	_ =	shalt  }
0x7c: {  	_ =	shalt  }
0x7d: {  	_ =	shalt  }
0x7e: {  	_ =	shalt  }
0x7f: {  	_ =	shalt  }
0x80: {  	_ =	shalt  }
0x81: {  	_ =	shalt  }
0x82: {  	_ =	shalt  }
0x83: {  	_ =	shalt  }
0x84: {  	_ =	shalt  }
0x85: {  	_ =	shalt  }
0x86: {  	_ =	shalt  }
0x87: {  	_ =	shalt  }
.Lfunc_end0:
.L_simem_size_0:
called_computation.1_lowered:
.L_overlay_start_0:
0x88: {  	s2 =	sld [smem:$0x3FD9]  }
0x89: {  	s3 =	sld [smem:$0x3FFE];
	_ =	sdelay $0x1  }
0x8a: {  	s1 =	srdreg.scid  }
0x8b: {  	s0 =	sand.u32 $0x1, s1  }
0x8c: {  	s16 =	sshll.u32 s0, $0xA;
	s2 =	sadd.s32 s3, s2  }
0x8d: {  	s2 =	sadd.s32 s2, s16  }
0x8e: {  	[smem:$0x3FB9] =	sst s2  }
0x8f: {  	_ = 	snop  }
0x90: {  	(tm) =	ssettm $0x1  }
0x91: {  	s17 =	sld [smem:$0x3FFB];
	_ =	sdelay $0x3  }
0x92: {  	_ =	strace s17  }
0x93: {  	s2 =	sld [smem:$0x3FFC];
	_ =	sdelay $0x3  }
0x94: {  	_ =	strace s2  }
0x95: {  	s2 =	sld [smem:$0x3FFD];
	_ =	sdelay $0x3  }
0x96: {  	_ =	strace s2  }
0x97: {  	_ =	strace $0x8FFFFFFF  }
0x98: {  	s18 =	sld [smem:$0x3FDB];
	_ =	sdelay $0x1  }
0x99: {  	s19 =	simm.s32 $_scs_section_size  }
0x9a: {  	s4 =	simm.s32 $_size__tile_overlayer_lowered;
	s5 =	simm.s32 $_tile_overlayer_lowered  }
0x9b: {  	s22 =	simm.s32 $0x1BFF;
	s21 =	sshll.u32 s5, $0x1;
	s2 =	sadd.s32 s19, s18  }
0x9c: {  	s6 =	simm.s32 $0x0;
	s20 =	sshll.u32 s4, $0x1;
	s4 =	sadd.s32 s21, s2  }
0x9d: {  	[timem:s6], [sflag:s22] =	dma.local [hbm:s4], s20  }
0x9e: {  	_ =	swait.ge [sflag:s22], s20  }
0x9f: {  	s3 =	ssub.s32 $0x0, s20;
	[sflag:s22] =	ssyncset.done $0x0  }
0xa0: {  	[sflag:s22] =	ssyncadd.s32 s3;
	_ =	sdelay $0x1  }
0xa1: {  	s23 =	simm.s32 $0x1B8B  }
0xa2: {  	_ =	swait.ge [sflag:s23], $0x1  }
0xa3: {  	[sflag:s23] =	ssyncset.done $0x0  }
0xa4: {  	s25 =	simm.s32 $0x1B8E;
	s24 =	sld [smem:$0x3FFE];
	[sflag:s23] =	ssyncadd.s32 $0xFFFFFFFF  }
0xa5: {  	s26 =	simm.s32 $execute0_lowered;
	[smem:$0x3FD2] =	sst s25  }
0xa6: {  	s4 =	sshll.u32 s26, $0x1;
	_ =	strace $0x80000049;
	[dreg:$0x1] =	wrdreg $0xFFFFFFFF  }
0xa7: {  	s28 =	simm.s32 $_size_execute0_lowered;
	s2 =	sadd.s32 s2, s4;
	[dreg:$0x0] =	wrdreg $0x0  }
0xa8: {  	s4 =	sshll.u32 s28, $0x1;
	[dreg:$0x2] =	wrdreg s2  }
0xa9: {  	[dreg:$0x3] =	wrdreg s4  }
0xaa: {  	[dreg:$0x4] =	wrdreg $0xC0  }
0xab: {  	_ =	task [dreg:s6], $0x5FFFF  }
0xac: {  	[dreg:$0x1] =	wrdreg $0xFFFFFFFF  }
0xad: {  	[dreg:$0x0] =	wrdreg $0x60  }
0xae: {  	[dreg:$0x2] =	wrdreg s24  }
0xaf: {  	[dreg:$0x3] =	wrdreg $0xA8000  }
0xb0: {  	[dreg:$0x4] =	wrdreg $0x9  }
0xb1: {  	_ =	task.clear_ibuf [dreg:s6], $0x5FFFF;
	_ =	strace $0x90000049  }
0xb2: {  	s29 =	simm.s32 $0x9;
	_ =	strace $0x8000004B  }
0xb3: {  	_ =	swait.ge [sflag:s29], $0x1  }
0xb4: {  	[sflag:s29] =	ssyncadd.s32 $0xFFFFFFFF  }
0xb5: {  	_ =	strace $0x9000004B  }
0xb6: {  	_ =	sfence  }
0xb7: {  	s30 =	sld [smem:$0x0];
	_ =	sdelay $0x2  }
0xb8: {  	s31 =	sshll.u32 s1, $0xD;
	s1 =	sshrl.u32 s1, $0x2  }
0xb9: {  	s3 =	sand.u32 $0x4000, s31;
	s1 =	sadd.s32 s1, s30  }
0xba: {  	s0 =	sor.u32 s3, s0;
	s1 =	sshll.u32 s1, $0x11  }
0xbb: {  	s0 =	sor.u32 s1, s0  }
0xbc: {  	s0 =	sadd.s32 $0x8F2B, s0  }
0xbd: {  	[sflag:s0] =	ssyncadd.remote.s32 $0x1  }
0xbe: {  	_ =	sfence.sel $0xFFFF  }
0xbf: {  	[dreg:$0x0] =	wrdreg $0xFFFFFFFF;
	(pc) =	sbr.abs _section_cstart, $3  }
0xc0: {  	[dreg:$0x1] =	wrdreg $0xFFFFFFFF  }
0xc1: {  	_ =	task.clear_ibuf [dreg:s6], $0x2FFFF;
	_ =	strace $0x9FFFFFFF  }
0xc2: {  	(tm) =	ssettm $0x7FFFFFFF  }
0xc3: {  	_ =	shalt  }
tec
execute0_lowered:
.L_overlay_start_1:
0x0: {  	(tag) =	ssettag $0x1  }
0x1: {  	s0 =	rddreg [dreg:$0x0]  }
0x2: {  	s2 =	rddreg [dreg:$0x1]  }
0x3: {  	s3 =	simm.s32 $0x0;
	s1 =	srdreg.scid;
	s9 =	stileid.u32  }
0x4: {  	s20 =	simm.s32 $0x1400;
	s21 =	simm.s32 $0x2800;
	s28 =	simm.s32 $0x1480  }
0x5: {  	s29 =	simm.s32 $0x100;
	s30 =	simm.s32 $0x4;
	s31 =	simm.s32 $0x5  }
0x6: {  	[smem:$0x7FF] =	sst s3;
	s1 =	sand.u32 $0x1, s1;
	s5 =	sshll.u32 s9, $0x1  }
0x7: {  	s4 =	sadd.s32 $0x17C00, s0;
	s12 =	sadd.s32 $0x3C00, s0;
	s7 =	smul.u32 $0x50000, s9  }
0x8: {  	s13 =	sadd.s32 $0xDC00, s0;
	s0 =	sadd.s32 $0x3EE00, s0;
	s14 =	smul.u32 $0x14000, s9  }
0x9: {  	s5 =	sor.u32 s1, s5;
	s6 =	ssub.s32 $0x2, s1;
	s1 =	smul.u32 $0x140000, s1  }
0xa: {  	_ =	strace $0x8000004A;
	s5 =	smul.u32 $0x2800, s5;
	s8 =	sshrl.u32 s6, $0x1  }
0xb: {  	s7 =	sshrl.u32 s7, $0x2;
	s15 =	sadd.s32 $0x4000, s14;
	s16 =	sadd.s32 $0x8000, s14  }
0xc: {  	s17 =	sadd.s32 $0xC000, s14;
	s18 =	sadd.s32 $0x10000, s14;
	s19 =	ssub.s32 s6, s8  }
0xd: {  	s7 =	sadd.s32 s7, s2;
	s8 =	sadd.s32 s15, s2;
	s9 =	sadd.s32 s16, s2  }
0xe: {  	s10 =	sadd.s32 s17, s2;
	s11 =	sadd.s32 s18, s2;
	s14 =	sadd.s32 s14, s1  }
0xf: {  	s15 =	sadd.s32 s1, s15;
	s25 =	sadd.s32 s1, s16;
	s17 =	sadd.s32 s1, s17  }
0x10: {  	s1 =	sadd.s32 s1, s18;
	s5 =	sshrl.u32 s5, $0x3;
	s24 =	sshrl.u32 s14, $0x3  }
0x11: {  	s15 =	sshrl.u32 s15, $0x3;
	s26 =	sshrl.u32 s17, $0x3;
	s1 =	sshrl.u32 s1, $0x3  }
0x12: {  	s19 =	smax.u32 s19, $0x1;
	s22 =	sadd.s32 s12, s5;
	s23 =	sadd.s32 s13, s5  }
0x13: {  	s5 =	sadd.s32 $0x280, s5;
	s14 =	sadd.s32 s0, s24;
	s15 =	sadd.s32 s0, s15  }
.Ltmp0:
0x14: {  	s17 =	sadd.s32 s0, s26;
	s18 =	sadd.s32 s0, s1;
	(pc) =	sbr.rel .LBB2_1-.Ltmp0, $4  }
0x15: {  	s24 =	simm.s32 $0x2;
	s26 =	simm.s32 $0x6800;
	[dreg:$0x3] =	wrdreg s22  }
0x16: {  	[dreg:$0x4] =	wrdreg s23;
	s12 =	sadd.s32 s12, s5;
	s13 =	sadd.s32 s13, s5  }
0x17: {  	s5 =	sshrl.u32 s25, $0x3;
	s22 =	simm.s32 $0x3;
	s23 =	simm.s32 $0x1  }
0x18: {  	v0 =	vimm.f32 $0.0e+00;
	s25 =	simm.s32 $0x80;
	s16 =	sadd.s32 s0, s5;
	s0 =	simm.s32 $0x0  }
.LBB2_9:
0x19: {  	_ =	swait.ge [sflag:s30], $0x4000  }
0x1a: {  	[sflag:s30] =	ssyncset.done $0x0  }
0x1b: {  	[sflag:s30] =	ssyncadd.s32 $0xFFFFC000  }
0x1c: {  	[bflag:$0x0] =	sbarrier.arrive $0xFFFF  }
0x1d: {  	[tilespmem:s21], [sflag:$0x1] =	stream.linear.gather [spmem:s7], $0x4000, $0x38;
	[tilespmem:$0x1E800] =	vst v63  }
0x1e: {  	_ =	swait.ge [sflag:s23], $0x4000  }
0x1f: {  	[sflag:s23] =	ssyncset.done $0x0  }
0x20: {  	[sflag:s23] =	ssyncadd.s32 $0xFFFFC000  }
0x21: {  	[hbm4b:s14+s3] =	stream.linear.scatter [tilespmem:s21], [sflag:$0x3], $0x4000, $0x38;
	[tilespmem:$0x1E800] =	vst v63  }
0x22: {  	_ = 	snop  }
0x23: {  	[tilespmem:s26], [sflag:$0x2] =	stream.linear.gather [spmem:s8], $0x4000, $0x38;
	[tilespmem:$0x1E800] =	vst v63  }
0x24: {  	_ =	swait.ge [sflag:s24], $0x4000  }
0x25: {  	[sflag:s24] =	ssyncset.done $0x0  }
0x26: {  	[sflag:s24] =	ssyncadd.s32 $0xFFFFC000  }
0x27: {  	_ =	swait.ge [sflag:s22], $0x4000  }
0x28: {  	[sflag:s22] =	ssyncset.done $0x0  }
0x29: {  	[sflag:s22] =	ssyncadd.s32 $0xFFFFC000  }
0x2a: {  	[hbm4b:s15+s3] =	stream.linear.scatter [tilespmem:s26], [sflag:$0x4], $0x4000, $0x38;
	[tilespmem:$0x1E800] =	vst v63  }
0x2b: {  	_ = 	snop  }
0x2c: {  	[tilespmem:s21], [sflag:$0x1] =	stream.linear.gather [spmem:s9], $0x4000, $0x38;
	[tilespmem:$0x1E800] =	vst v63  }
0x2d: {  	_ =	swait.ge [sflag:s23], $0x4000  }
0x2e: {  	[sflag:s23] =	ssyncset.done $0x0  }
0x2f: {  	[sflag:s23] =	ssyncadd.s32 $0xFFFFC000  }
0x30: {  	_ =	swait.ge [sflag:s30], $0x4000  }
0x31: {  	[sflag:s30] =	ssyncset.done $0x0  }
0x32: {  	[sflag:s30] =	ssyncadd.s32 $0xFFFFC000  }
0x33: {  	[hbm4b:s16+s3] =	stream.linear.scatter [tilespmem:s21], [sflag:$0x3], $0x4000, $0x38;
	[tilespmem:$0x1E800] =	vst v63  }
0x34: {  	_ = 	snop  }
0x35: {  	[tilespmem:s26], [sflag:$0x2] =	stream.linear.gather [spmem:s10], $0x4000, $0x38;
	[tilespmem:$0x1E800] =	vst v63  }
0x36: {  	_ =	swait.ge [sflag:s24], $0x4000  }
0x37: {  	[sflag:s24] =	ssyncset.done $0x0  }
0x38: {  	[sflag:s24] =	ssyncadd.s32 $0xFFFFC000  }
0x39: {  	_ =	swait.ge [sflag:s22], $0x4000  }
0x3a: {  	[sflag:s22] =	ssyncset.done $0x0  }
0x3b: {  	[sflag:s22] =	ssyncadd.s32 $0xFFFFC000  }
0x3c: {  	[hbm4b:s17+s3] =	stream.linear.scatter [tilespmem:s26], [sflag:$0x4], $0x4000, $0x38;
	[tilespmem:$0x1E800] =	vst v63  }
0x3d: {  	_ = 	snop  }
0x3e: {  	[tilespmem:s21], [sflag:$0x1] =	stream.linear.gather [spmem:s11], $0x4000, $0x38;
	[tilespmem:$0x1E800] =	vst v63  }
0x3f: {  	_ =	swait.ge [sflag:s23], $0x4000  }
0x40: {  	[sflag:s23] =	ssyncset.done $0x0  }
0x41: {  	[sflag:s23] =	ssyncadd.s32 $0xFFFFC000  }
0x42: {  	s0 =	sadd.s32 $0x1, s0;
	_ =	swait.ge [sflag:s30], $0x4000  }
0x43: {  	p0 =	sne.s32 s0, s19;
	[sflag:s30] =	ssyncset.done $0x0  }
.Ltmp1:
0x44: {  	[sflag:s30] =	ssyncadd.s32 $0xFFFFC000;
	(pc) =	sbr.rel @!p0 .LBB2_10-.Ltmp1, $4  }
0x45: {  	[hbm4b:s18+s3] =	stream.linear.scatter [tilespmem:s21], [sflag:$0x3], $0x4000, $0x38;
	[tilespmem:$0x1E800] =	vst v63  }
0x46: {  	_ =	swait.ge [sflag:s22], $0x4000  }
0x47: {  	[sflag:s22] =	ssyncset.done $0x0  }
0x48: {  	[sflag:s22] =	ssyncadd.s32 $0xFFFFC000  }
.LBB2_1:
0x49: {  	s1 =	rddreg [dreg:$0x3]  }
0x4a: {  	[tilespmem:s3], [sflag:$0x1] =	stream.linear.gather [hbm4b:s1+s3], $0x1400, $0x38;
	[tilespmem:$0x1E800] =	vst v63  }
0x4b: {  	s6 =	rddreg [dreg:$0x4];
	s5 =	sand.u32 $0x3FF0, s3;
	s1 =	simm.s32 $0x10  }
0x4c: {  	[tilespmem:s20], [sflag:$0x2] =	stream.linear.gather [hbm4b:s6+s3], $0x1400, $0x38;
	[tilespmem:$0x1E800] =	vst v63  }
.LBB2_2:
0x4d: {  	p0 =	sne.s32 s1, $0x3FF0;
	[tilespmem:s5+$0x2800] =	vst v0;
	s5 =	smov.u32 s1;
	s1 =	sadd.s32 $0x10, s1  }
.Ltmp2:
0x4e: {  	(pc) =	sbr.rel @p0 .LBB2_2-.Ltmp2, $2  }
0x4f: {  	_ =	sdelay $0x2  }
0x50: {  	s5 =	sand.u32 $0x3FF0, s5  }
0x51: {  	[tilespmem:s5+$0x2800] =	vst v0  }
0x52: {  	[spmem:s7] =	stream.linear.scatter [tilespmem:s21], [sflag:$0x3], $0x4000, $0x38;
	[tilespmem:$0x1E800] =	vst v63  }
0x53: {  	_ = 	snop  }
0x54: {  	[spmem:s8] =	stream.linear.scatter [tilespmem:s21], [sflag:$0x3], $0x4000, $0x38;
	[tilespmem:$0x1E800] =	vst v63  }
0x55: {  	_ = 	snop  }
0x56: {  	[spmem:s9] =	stream.linear.scatter [tilespmem:s21], [sflag:$0x3], $0x4000, $0x38;
	[tilespmem:$0x1E800] =	vst v63  }
0x57: {  	_ = 	snop  }
0x58: {  	[spmem:s10] =	stream.linear.scatter [tilespmem:s21], [sflag:$0x3], $0x4000, $0x38;
	[tilespmem:$0x1E800] =	vst v63  }
0x59: {  	_ = 	snop  }
0x5a: {  	[spmem:s11] =	stream.linear.scatter [tilespmem:s21], [sflag:$0x3], $0x4000, $0x38;
	[tilespmem:$0x1E800] =	vst v63  }
0x5b: {  	_ =	swait.ge [sflag:s22], $0x4000  }
0x5c: {  	[sflag:s22] =	ssyncset.done $0x0  }
0x5d: {  	[sflag:s22] =	ssyncadd.s32 $0xFFFFC000  }
0x5e: {  	_ =	swait.ge [sflag:s22], $0x4000  }
0x5f: {  	[sflag:s22] =	ssyncset.done $0x0  }
0x60: {  	[sflag:s22] =	ssyncadd.s32 $0xFFFFC000  }
0x61: {  	_ =	swait.ge [sflag:s22], $0x4000  }
0x62: {  	[sflag:s22] =	ssyncset.done $0x0  }
0x63: {  	[sflag:s22] =	ssyncadd.s32 $0xFFFFC000  }
0x64: {  	_ =	swait.ge [sflag:s22], $0x4000  }
0x65: {  	[sflag:s22] =	ssyncset.done $0x0  }
0x66: {  	[sflag:s22] =	ssyncadd.s32 $0xFFFFC000  }
0x67: {  	_ =	swait.ge [sflag:s22], $0x4000  }
0x68: {  	[sflag:s22] =	ssyncset.done $0x0  }
0x69: {  	[sflag:s22] =	ssyncadd.s32 $0xFFFFC000  }
0x6a: {  	_ =	swait.ge [sflag:s23], $0x1400  }
0x6b: {  	[sflag:s23] =	ssyncset.done $0x0  }
0x6c: {  	[sflag:s23] =	ssyncadd.s32 $0xFFFFEC00  }
0x6d: {  	_ =	swait.ge [sflag:s24], $0x1400  }
0x6e: {  	[sflag:s24] =	ssyncset.done $0x0  }
0x6f: {  	[sflag:s24] =	ssyncadd.s32 $0xFFFFEC00  }
0x70: {  	[tilespmem:s21], [sflag:$0x1] =	stream.indirect.gather [hbm4b:s4+s25], $0x80, s3, s25, $0xb8;
	[tilespmem:$0x1E800] =	vst v63  }
0x71: {  	[bflag:$0x0] =	sbarrier.arrive $0xFFFF  }
0x72: {  	_ =	swait.ge [sflag:s23], $0x4000  }
0x73: {  	[sflag:s23] =	ssyncset.done $0x0  }
0x74: {  	[sflag:s23] =	ssyncadd.s32 $0xFFFFC000  }
0x75: {  	[spmem:s2] =	stream.indirect.scatter.add.f32 [tilespmem:s21], [sflag:$0x3], $0x80, s20, s25, $0xb8;
	[tilespmem:$0x1E800] =	vst v63  }
0x76: {  	_ = 	snop  }
0x77: {  	[tilespmem:s26], [sflag:$0x2] =	stream.indirect.gather [hbm4b:s4+s25], $0x80, s25, s25, $0xb8;
	[tilespmem:$0x1E800] =	vst v63  }
0x78: {  	_ =	swait.ge [sflag:s24], $0x4000  }
0x79: {  	[sflag:s24] =	ssyncset.done $0x0  }
0x7a: {  	[sflag:s24] =	ssyncadd.s32 $0xFFFFC000  }
0x7b: {  	[spmem:s2] =	stream.indirect.scatter.add.f32 [tilespmem:s26], [sflag:$0x4], $0x80, s28, s25, $0xb8;
	[tilespmem:$0x1E800] =	vst v63  }
0x7c: {  	_ =	swait.ge [sflag:s22], $0x4000  }
0x7d: {  	[sflag:s22] =	ssyncset.done $0x0  }
0x7e: {  	s1 =	simm.s32 $0xFFFFB800;
	[sflag:s22] =	ssyncadd.s32 $0xFFFFC000  }
0x7f: {  	[tilespmem:s21], [sflag:$0x1] =	stream.indirect.gather [hbm4b:s4+s25], $0x80, s29, s25, $0xb8;
	[tilespmem:$0x1E800] =	vst v63  }
.LBB2_4:
0x80: {  	_ =	swait.ge [sflag:s23], $0x4000  }
0x81: {  	s5 =	sshra.s32 s1, $0x2;
	[sflag:s23] =	ssyncset.done $0x0  }
0x82: {  	s6 =	sadd.s32 $0x2700, s5;
	[sflag:s23] =	ssyncadd.s32 $0xFFFFC000  }
0x83: {  	[spmem:s2] =	stream.indirect.scatter.add.f32 [tilespmem:s21], [sflag:$0x3], $0x80, s6, s25, $0xb8;
	[tilespmem:$0x1E800] =	vst v63  }
0x84: {  	_ =	swait.ge [sflag:s30], $0x4000  }
0x85: {  	[sflag:s30] =	ssyncset.done $0x0  }
0x86: {  	s6 =	sadd.s32 $0x1380, s5;
	[sflag:s30] =	ssyncadd.s32 $0xFFFFC000  }
0x87: {  	[tilespmem:s26], [sflag:$0x2] =	stream.indirect.gather [hbm4b:s4+s25], $0x80, s6, s25, $0xb8;
	[tilespmem:$0x1E800] =	vst v63  }
0x88: {  	_ =	swait.ge [sflag:s24], $0x4000  }
0x89: {  	p0 =	seq.s32 s1, $0x0;
	[sflag:s24] =	ssyncset.done $0x0  }
.Ltmp3:
0x8a: {  	s6 =	sadd.s32 $0x2780, s5;
	[sflag:s24] =	ssyncadd.s32 $0xFFFFC000;
	(pc) =	sbr.rel @p0 .LBB2_6-.Ltmp3, $4  }
0x8b: {  	[spmem:s2] =	stream.indirect.scatter.add.f32 [tilespmem:s26], [sflag:$0x4], $0x80, s6, s25, $0xb8;
	[tilespmem:$0x1E800] =	vst v63  }
0x8c: {  	_ =	swait.ge [sflag:s22], $0x4000  }
0x8d: {  	[sflag:s22] =	ssyncset.done $0x0  }
0x8e: {  	[sflag:s22] =	ssyncadd.s32 $0xFFFFC000  }
.Ltmp4:
0x8f: {  	(pc) =	sbr.rel .LBB2_4-.Ltmp4, $3  }
0x90: {  	_ =	sdelay $0x1  }
0x91: {  	s5 =	sadd.s32 $0x1400, s5;
	s1 =	sadd.s32 $0x400, s1  }
0x92: {  	[tilespmem:s21], [sflag:$0x1] =	stream.indirect.gather [hbm4b:s4+s25], $0x80, s5, s25, $0xb8;
	[tilespmem:$0x1E800] =	vst v63  }
.LBB2_6:
0x93: {  	[tilespmem:s3], [sflag:$0x1] =	stream.linear.gather [hbm4b:s12+s3], $0x1400, $0x38;
	[tilespmem:$0x1E800] =	vst v63  }
0x94: {  	_ =	swait.ge [sflag:s30], $0x4000  }
0x95: {  	[sflag:s30] =	ssyncset.done $0x0  }
0x96: {  	[sflag:s30] =	ssyncadd.s32 $0xFFFFC000  }
0x97: {  	[tilespmem:s20], [sflag:$0x5] =	stream.linear.gather [hbm4b:s13+s3], $0x1400, $0x38;
	[tilespmem:$0x1E800] =	vst v63  }
0x98: {  	_ =	swait.ge [sflag:s31], $0x1400  }
0x99: {  	[sflag:s31] =	ssyncset.done $0x0  }
0x9a: {  	[sflag:s31] =	ssyncadd.s32 $0xFFFFEC00  }
0x9b: {  	_ =	swait.ge [sflag:s23], $0x1400  }
0x9c: {  	[sflag:s23] =	ssyncset.done $0x0  }
0x9d: {  	[sflag:s23] =	ssyncadd.s32 $0xFFFFEC00  }
0x9e: {  	[tilespmem:s21], [sflag:$0x1] =	stream.indirect.gather [hbm4b:s4+s25], $0x80, s3, s25, $0xb8;
	[tilespmem:$0x1E800] =	vst v63  }
0x9f: {  	_ =	swait.ge [sflag:s23], $0x4000  }
0xa0: {  	[sflag:s23] =	ssyncset.done $0x0  }
0xa1: {  	[sflag:s23] =	ssyncadd.s32 $0xFFFFC000  }
0xa2: {  	[spmem:s2] =	stream.indirect.scatter.add.f32 [tilespmem:s21], [sflag:$0x3], $0x80, s20, s25, $0xb8;
	[tilespmem:$0x1E800] =	vst v63  }
0xa3: {  	_ = 	snop  }
0xa4: {  	[tilespmem:s26], [sflag:$0x2] =	stream.indirect.gather [hbm4b:s4+s25], $0x80, s25, s25, $0xb8;
	[tilespmem:$0x1E800] =	vst v63  }
0xa5: {  	_ =	swait.ge [sflag:s24], $0x4000  }
0xa6: {  	[sflag:s24] =	ssyncset.done $0x0  }
0xa7: {  	[sflag:s24] =	ssyncadd.s32 $0xFFFFC000  }
0xa8: {  	[spmem:s2] =	stream.indirect.scatter.add.f32 [tilespmem:s26], [sflag:$0x4], $0x80, s28, s25, $0xb8;
	[tilespmem:$0x1E800] =	vst v63  }
0xa9: {  	_ =	swait.ge [sflag:s22], $0x4000  }
0xaa: {  	[sflag:s22] =	ssyncset.done $0x0  }
0xab: {  	s1 =	simm.s32 $0xFFFFB800;
	[sflag:s22] =	ssyncadd.s32 $0xFFFFC000  }
0xac: {  	[tilespmem:s21], [sflag:$0x1] =	stream.indirect.gather [hbm4b:s4+s25], $0x80, s29, s25, $0xb8;
	[tilespmem:$0x1E800] =	vst v63  }
.LBB2_7:
0xad: {  	_ =	swait.ge [sflag:s23], $0x4000  }
0xae: {  	s5 =	sshra.s32 s1, $0x2;
	[sflag:s23] =	ssyncset.done $0x0  }
0xaf: {  	s6 =	sadd.s32 $0x2700, s5;
	[sflag:s23] =	ssyncadd.s32 $0xFFFFC000  }
0xb0: {  	[spmem:s2] =	stream.indirect.scatter.add.f32 [tilespmem:s21], [sflag:$0x3], $0x80, s6, s25, $0xb8;
	[tilespmem:$0x1E800] =	vst v63  }
0xb1: {  	_ =	swait.ge [sflag:s30], $0x4000  }
0xb2: {  	[sflag:s30] =	ssyncset.done $0x0  }
0xb3: {  	s6 =	sadd.s32 $0x1380, s5;
	[sflag:s30] =	ssyncadd.s32 $0xFFFFC000  }
0xb4: {  	[tilespmem:s26], [sflag:$0x2] =	stream.indirect.gather [hbm4b:s4+s25], $0x80, s6, s25, $0xb8;
	[tilespmem:$0x1E800] =	vst v63  }
0xb5: {  	_ =	swait.ge [sflag:s24], $0x4000  }
0xb6: {  	p0 =	seq.s32 s1, $0x0;
	[sflag:s24] =	ssyncset.done $0x0  }
.Ltmp5:
0xb7: {  	s6 =	sadd.s32 $0x2780, s5;
	[sflag:s24] =	ssyncadd.s32 $0xFFFFC000;
	(pc) =	sbr.rel @p0 .LBB2_9-.Ltmp5, $4  }
0xb8: {  	[spmem:s2] =	stream.indirect.scatter.add.f32 [tilespmem:s26], [sflag:$0x4], $0x80, s6, s25, $0xb8;
	[tilespmem:$0x1E800] =	vst v63  }
0xb9: {  	_ =	swait.ge [sflag:s22], $0x4000  }
0xba: {  	[sflag:s22] =	ssyncset.done $0x0  }
0xbb: {  	[sflag:s22] =	ssyncadd.s32 $0xFFFFC000  }
.Ltmp6:
0xbc: {  	(pc) =	sbr.rel .LBB2_7-.Ltmp6, $3  }
0xbd: {  	_ =	sdelay $0x1  }
0xbe: {  	s5 =	sadd.s32 $0x1400, s5;
	s1 =	sadd.s32 $0x400, s1  }
0xbf: {  	[tilespmem:s21], [sflag:$0x1] =	stream.indirect.gather [hbm4b:s4+s25], $0x80, s5, s25, $0xb8;
	[tilespmem:$0x1E800] =	vst v63  }
.LBB2_10:
0xc0: {  	_ =	sfence.sel $0x180000  }
0xc1: {  	[bflag:$0x0] =	sbarrier.arrive $0xFFFF  }
0xc2: {  	_ =	strace $0x9000004A  }
0xc3: {  	s0 =	stileid.u32;
	[bflag:$0x2] =	sbarrier.arrive $0xFFFF  }
0xc4: {  	p0 =	sne.s32 s0, $0x0;
	s0 =	rddreg [dreg:$0x2]  }
0xc5: {  	s0 =	sadd.s32 @!p0 $0x100000, s0  }
0xc6: {  	[sflag:s0] =	ssyncadd.tile.s32 @!p0 $0x1;
	_ =	shalt  }
.Lfunc_end2:
_tile_overlayer_lowered:
.L_overlay_start_2:
0xc7: {  	(tag) =	ssettag $0x2  }
0xc8: {  	s0 =	rddreg [dreg:$0x0];
	s2 =	stileid.u32  }
0xc9: {  	s1 =	rddreg [dreg:$0x1];
	p0 =	sne.s32 s2, $0x0  }
0xca: {  	s3 =	rddreg [dreg:$0x2];
	[bflag:$0x3] =	sbarrier.arrive $0xFFFF;
	s2 =	simm.s32 @!p0 $0x1C05  }
0xcb: {  	[timem:s3], [sflag:s2] =	dma.local @!p0 [hbm:s0], s1  }
0xcc: {  	s0 =	simm.s32 @!p0 $0x5  }
0xcd: {  	_ =	swait.ge @!p0 [sflag:s0], s1  }
0xce: {  	s1 =	ssub.s32 @!p0 $0x0, s1;
	[sflag:s0] =	ssyncset.done @!p0 $0x0  }
0xcf: {  	[sflag:s0] =	ssyncadd.s32 @!p0 s1  }
0xd0: {  	[bflag:$0x3] =	sbarrier.arrive $0xFFFF  }
0xd1: {  	_ =	shalt  }

// kernel: kernel.14.cloned.1.call-start
scs
__scs_entry_jumppad:
0x0: {  	(pc) =	sbr.rel $0x88, $3  }
0x1: {  	(tag) =	ssettag $0x0;
	lr =	simm.s32 $0x1  }
0x2: {  	[smem:$0x3F92] =	sst lr;
	_ =	strace $0xD0000000  }
0x3: {  	_ = 	snop  }
0x4: {  	_ = 	snop  }
0x5: {  	_ = 	snop  }
0x6: {  	_ = 	snop  }
0x7: {  	_ = 	snop  }
__scs_overlays_trampoline_lowered:
0x8: {  	[smem:$0x3FA1] =	sst s0  }
0x9: {  	[smem:$0x3FA2] =	sst s1  }
0xa: {  	[smem:$0x3FA3] =	sst s2  }
0xb: {  	[smem:$0x3FA4] =	sst s3  }
0xc: {  	[smem:$0x3FA5] =	sst s4  }
0xd: {  	[smem:$0x3FA6] =	sst s5  }
0xe: {  	[smem:$0x3FA7] =	sst s6  }
0xf: {  	[smem:$0x3FA8] =	sst s7  }
0x10: {  	[smem:$0x3FA9] =	sst s8  }
0x11: {  	[smem:$0x3FAA] =	sst s9;
	s0 =	simm.s32 @!p0 $0x0  }
0x12: {  	s1 =	sld [smem:$0x3F90];
	s0 =	simm.s32 @p0 $0x1  }
0x13: {  	[smem:$0x3FAB] =	sst s0;
	s0 =	simm.s32 @!p1 $0x0  }
0x14: {  	s2 =	sld [smem:$0x3F8F];
	s0 =	simm.s32 @p1 $0x1  }
0x15: {  	[smem:$0x3FAC] =	sst s0;
	s0 =	simm.s32 @!p2 $0x0  }
0x16: {  	s3 =	sld [smem:$0x3FDB];
	s0 =	simm.s32 @p2 $0x1  }
0x17: {  	s4 =	simm.s32 $0x1BF5;
	[smem:$0x3FAE] =	sst s0  }
0x18: {  	s0 =	sld [smem:$0x3F91];
	_ =	swait.ge [sflag:s4], $0x0  }
0x19: {  	s7 =	sld [smem:$0x3F92]  }
0x1a: {  	s8 =	sadd.s32 $0xFFFFE003, lr  }
0x1b: {  	s9 =	sadd.s32 $0xFFFFFEF7, lr;
	s5 =	simm.s32 $0xFFFFFFFF;
	p2 =	slt.u32 s8, $0xFFFFF086  }
0x1c: {  	p1 =	slt.u32 s9, $0xF7A;
	s5 =	simm.s32 @!p2 $0x0  }
0x1d: {  	s5 =	simm.s32 @p1 $0x1;
	p0 =	seq.s32 s7, s2  }
0x1e: {  	s7 =	smul.u32 @!p0 $0xF7A, s2;
	p2 =	seq.s32 @!p0 s5, $0x0  }
0x1f: {  	s9 =	smul.u32 $0xF7A, s1;
	s8 =	simm.s32 @!p0 $0x1BF5;
	p2 =	por !p2, p0  }
0x20: {  	[sflag:s8] =	ssyncset.s32 @!p0 $0xFFFFF086;
	s6 =	sadd.s32 @!p0 s3, s7;
	s7 =	simm.s32 @!p0 $0x108  }
0x21: {  	s3 =	sadd.s32 s3, s9;
	s6 =	sadd.s32 @!p0 $0x88, s6;
	s7 =	simm.s32 @p2 $0x1082  }
0x22: {  	[simem:s7], [sflag:s8] =	dma.local @!p0 [hbm:s6], $0xF7A  }
0x23: {  	s9 =	sor.u32 $0xD0000000, s2;
	s6 =	simm.s32 $0x108;
	_ =	swait.ge @!p0 [sflag:s8], $0x0  }
0x24: {  	s3 =	sadd.s32 $0x88, s3;
	s6 =	simm.s32 @!p1 $0x1082;
	[sflag:s4] =	ssyncset.s32 $0xFFFFF086  }
0x25: {  	[simem:s6], [sflag:s4] =	dma.local [hbm:s3], $0xF7A  }
0x26: {  	[smem:$0x3F92] =	sst s1;
	(tag) =	ssettag s2;
	_ =	strace s9  }
0x27: {  	s1 =	sld [smem:$0x3FA2]  }
0x28: {  	s2 =	sld [smem:$0x3FA3]  }
0x29: {  	s4 =	sld [smem:$0x3FA5]  }
0x2a: {  	p0 =	seq.s32 s5, $0x0;
	s5 =	sld [smem:$0x3FA6]  }
0x2b: {  	s6 =	sld [smem:$0x3FA7]  }
0x2c: {  	s7 =	sld [smem:$0x3FA8]  }
0x2d: {  	s3 =	simm.s32 $0x108;
	s8 =	sld [smem:$0x3FA9]  }
0x2e: {  	s3 =	simm.s32 @!p0 $0x1082;
	s9 =	sld [smem:$0x3FAA]  }
0x2f: {  	lr =	sadd.s32 s0, s3;
	s0 =	sld [smem:$0x3FA1]  }
0x30: {  	s3 =	sld [smem:$0x3FA4]  }
0x31: {  	[smem:$0x3FAD] =	sst s10  }
0x32: {  	s10 =	sld [smem:$0x3FAB];
	_ =	sdelay $0x3  }
0x33: {  	p0 =	seq.s32 s10, $0x1;
	s10 =	sld [smem:$0x3FAD];
	_ =	sdelay $0x3  }
0x34: {  	[smem:$0x3FAD] =	sst s10  }
0x35: {  	s10 =	sld [smem:$0x3FAC];
	_ =	sdelay $0x3  }
0x36: {  	p1 =	seq.s32 s10, $0x1;
	s10 =	sld [smem:$0x3FAD];
	_ =	sdelay $0x3  }
0x37: {  	[smem:$0x3FAD] =	sst s10  }
0x38: {  	s10 =	sld [smem:$0x3FAE]  }
0x39: {  	_ = 	snop;
	(pc) =	sbr.ind lr, $3  }
0x3a: {  	_ = 	snop  }
0x3b: {  	_ = 	snop  }
0x3c: {  	p2 =	seq.s32 s10, $0x1;
	s10 =	sld [smem:$0x3FAD]  }
0x3d: {  	_ =	shalt  }
0x3e: {  	_ =	shalt  }
0x3f: {  	_ =	shalt  }
0x40: {  	_ =	shalt  }
0x41: {  	_ =	shalt  }
0x42: {  	_ =	shalt  }
0x43: {  	_ =	shalt  }
0x44: {  	_ =	shalt  }
0x45: {  	_ =	shalt  }
0x46: {  	_ =	shalt  }
0x47: {  	_ =	shalt  }
0x48: {  	_ =	shalt  }
0x49: {  	_ =	shalt  }
0x4a: {  	_ =	shalt  }
0x4b: {  	_ =	shalt  }
0x4c: {  	_ =	shalt  }
0x4d: {  	_ =	shalt  }
0x4e: {  	_ =	shalt  }
0x4f: {  	_ =	shalt  }
0x50: {  	_ =	shalt  }
0x51: {  	_ =	shalt  }
0x52: {  	_ =	shalt  }
0x53: {  	_ =	shalt  }
0x54: {  	_ =	shalt  }
0x55: {  	_ =	shalt  }
0x56: {  	_ =	shalt  }
0x57: {  	_ =	shalt  }
0x58: {  	_ =	shalt  }
0x59: {  	_ =	shalt  }
0x5a: {  	_ =	shalt  }
0x5b: {  	_ =	shalt  }
0x5c: {  	_ =	shalt  }
0x5d: {  	_ =	shalt  }
0x5e: {  	_ =	shalt  }
0x5f: {  	_ =	shalt  }
0x60: {  	_ =	shalt  }
0x61: {  	_ =	shalt  }
0x62: {  	_ =	shalt  }
0x63: {  	_ =	shalt  }
0x64: {  	_ =	shalt  }
0x65: {  	_ =	shalt  }
0x66: {  	_ =	shalt  }
0x67: {  	_ =	shalt  }
0x68: {  	_ =	shalt  }
0x69: {  	_ =	shalt  }
0x6a: {  	_ =	shalt  }
0x6b: {  	_ =	shalt  }
0x6c: {  	_ =	shalt  }
0x6d: {  	_ =	shalt  }
0x6e: {  	_ =	shalt  }
0x6f: {  	_ =	shalt  }
0x70: {  	_ =	shalt  }
0x71: {  	_ =	shalt  }
0x72: {  	_ =	shalt  }
0x73: {  	_ =	shalt  }
0x74: {  	_ =	shalt  }
0x75: {  	_ =	shalt  }
0x76: {  	_ =	shalt  }
0x77: {  	_ =	shalt  }
0x78: {  	_ =	shalt  }
0x79: {  	_ =	shalt  }
0x7a: {  	_ =	shalt  }
0x7b: {  	_ =	shalt  }
0x7c: {  	_ =	shalt  }
0x7d: {  	_ =	shalt  }
0x7e: {  	_ =	shalt  }
0x7f: {  	_ =	shalt  }
0x80: {  	_ =	shalt  }
0x81: {  	_ =	shalt  }
0x82: {  	_ =	shalt  }
0x83: {  	_ =	shalt  }
0x84: {  	_ =	shalt  }
0x85: {  	_ =	shalt  }
0x86: {  	_ =	shalt  }
0x87: {  	_ =	shalt  }
.Lfunc_end0:
.L_simem_size_0:
called_computation.2_lowered:
.L_overlay_start_0:
0x88: {  	s2 =	sld [smem:$0x3FD9]  }
0x89: {  	s3 =	sld [smem:$0x3FFE];
	_ =	sdelay $0x1  }
0x8a: {  	s1 =	srdreg.scid  }
0x8b: {  	s0 =	sand.u32 $0x1, s1  }
0x8c: {  	s16 =	sshll.u32 s0, $0xA;
	s2 =	sadd.s32 s3, s2  }
0x8d: {  	s2 =	sadd.s32 s2, s16  }
0x8e: {  	[smem:$0x3FB9] =	sst s2  }
0x8f: {  	_ = 	snop  }
0x90: {  	(tm) =	ssettm $0x1  }
0x91: {  	s17 =	sld [smem:$0x3FFB];
	_ =	sdelay $0x3  }
0x92: {  	_ =	strace s17  }
0x93: {  	s2 =	sld [smem:$0x3FFC];
	_ =	sdelay $0x3  }
0x94: {  	_ =	strace s2  }
0x95: {  	s2 =	sld [smem:$0x3FFD];
	_ =	sdelay $0x3  }
0x96: {  	_ =	strace s2  }
0x97: {  	_ =	strace $0x8FFFFFFF  }
0x98: {  	s18 =	sld [smem:$0x3FDB];
	_ =	sdelay $0x1  }
0x99: {  	s19 =	simm.s32 $_scs_section_size  }
0x9a: {  	s4 =	simm.s32 $_size__tile_overlayer_lowered;
	s5 =	simm.s32 $_tile_overlayer_lowered  }
0x9b: {  	s22 =	simm.s32 $0x1BFF;
	s21 =	sshll.u32 s5, $0x1;
	s2 =	sadd.s32 s19, s18  }
0x9c: {  	s6 =	simm.s32 $0x0;
	s20 =	sshll.u32 s4, $0x1;
	s4 =	sadd.s32 s21, s2  }
0x9d: {  	[timem:s6], [sflag:s22] =	dma.local [hbm:s4], s20  }
0x9e: {  	_ =	swait.ge [sflag:s22], s20  }
0x9f: {  	s3 =	ssub.s32 $0x0, s20;
	[sflag:s22] =	ssyncset.done $0x0  }
0xa0: {  	[sflag:s22] =	ssyncadd.s32 s3;
	_ =	sdelay $0x1  }
0xa1: {  	s23 =	simm.s32 $0x1B8B  }
0xa2: {  	_ =	swait.ge [sflag:s23], $0x1  }
0xa3: {  	[sflag:s23] =	ssyncset.done $0x0  }
0xa4: {  	s25 =	simm.s32 $0x1B8E;
	s24 =	sld [smem:$0x3FFE];
	[sflag:s23] =	ssyncadd.s32 $0xFFFFFFFF  }
0xa5: {  	s26 =	simm.s32 $execute0_lowered;
	[smem:$0x3FD2] =	sst s25  }
0xa6: {  	s4 =	sshll.u32 s26, $0x1;
	_ =	strace $0x8000004C;
	[dreg:$0x1] =	wrdreg $0xFFFFFFFF  }
0xa7: {  	s28 =	simm.s32 $_size_execute0_lowered;
	s2 =	sadd.s32 s2, s4;
	[dreg:$0x0] =	wrdreg $0x0  }
0xa8: {  	s4 =	sshll.u32 s28, $0x1;
	[dreg:$0x2] =	wrdreg s2  }
0xa9: {  	[dreg:$0x3] =	wrdreg s4  }
0xaa: {  	[dreg:$0x4] =	wrdreg $0xC0  }
0xab: {  	_ =	task [dreg:s6], $0x5FFFF  }
0xac: {  	[dreg:$0x1] =	wrdreg $0xFFFFFFFF  }
0xad: {  	[dreg:$0x0] =	wrdreg $0x60  }
0xae: {  	[dreg:$0x2] =	wrdreg s24  }
0xaf: {  	[dreg:$0x3] =	wrdreg $0xA8000  }
0xb0: {  	[dreg:$0x4] =	wrdreg $0x9  }
0xb1: {  	_ =	task.clear_ibuf [dreg:s6], $0x5FFFF;
	_ =	strace $0x9000004C  }
0xb2: {  	s29 =	simm.s32 $0x9;
	_ =	strace $0x8000004E  }
0xb3: {  	_ =	swait.ge [sflag:s29], $0x1  }
0xb4: {  	[sflag:s29] =	ssyncadd.s32 $0xFFFFFFFF  }
0xb5: {  	_ =	strace $0x9000004E  }
0xb6: {  	_ =	sfence  }
0xb7: {  	s30 =	sld [smem:$0x0];
	_ =	sdelay $0x2  }
0xb8: {  	s31 =	sshll.u32 s1, $0xD;
	s1 =	sshrl.u32 s1, $0x2  }
0xb9: {  	s3 =	sand.u32 $0x4000, s31;
	s1 =	sadd.s32 s1, s30  }
0xba: {  	s0 =	sor.u32 s3, s0;
	s1 =	sshll.u32 s1, $0x11  }
0xbb: {  	s0 =	sor.u32 s1, s0  }
0xbc: {  	s0 =	sadd.s32 $0x8F2B, s0  }
0xbd: {  	[sflag:s0] =	ssyncadd.remote.s32 $0x1  }
0xbe: {  	_ =	sfence.sel $0xFFFF  }
0xbf: {  	[dreg:$0x0] =	wrdreg $0xFFFFFFFF;
	(pc) =	sbr.abs _section_cstart, $3  }
0xc0: {  	[dreg:$0x1] =	wrdreg $0xFFFFFFFF  }
0xc1: {  	_ =	task.clear_ibuf [dreg:s6], $0x2FFFF;
	_ =	strace $0x9FFFFFFF  }
0xc2: {  	(tm) =	ssettm $0x7FFFFFFF  }
0xc3: {  	_ =	shalt  }
tec
execute0_lowered:
.L_overlay_start_1:
0x0: {  	(tag) =	ssettag $0x1  }
0x1: {  	s0 =	rddreg [dreg:$0x0]  }
0x2: {  	s2 =	rddreg [dreg:$0x1]  }
0x3: {  	s3 =	simm.s32 $0x0;
	s1 =	srdreg.scid;
	s9 =	stileid.u32  }
0x4: {  	s20 =	simm.s32 $0x1400;
	s21 =	simm.s32 $0x2800;
	s28 =	simm.s32 $0x1480  }
0x5: {  	s29 =	simm.s32 $0x100;
	s30 =	simm.s32 $0x4;
	s31 =	simm.s32 $0x5  }
0x6: {  	[smem:$0x7FF] =	sst s3;
	s1 =	sand.u32 $0x1, s1;
	s5 =	sshll.u32 s9, $0x1  }
0x7: {  	s4 =	sadd.s32 $0x17C00, s0;
	s12 =	sadd.s32 $0x3C00, s0;
	s7 =	smul.u32 $0x50000, s9  }
0x8: {  	s13 =	sadd.s32 $0xDC00, s0;
	s0 =	sadd.s32 $0x3EE00, s0;
	s14 =	smul.u32 $0x14000, s9  }
0x9: {  	s5 =	sor.u32 s1, s5;
	s6 =	ssub.s32 $0x2, s1;
	s1 =	smul.u32 $0x140000, s1  }
0xa: {  	_ =	strace $0x8000004D;
	s5 =	smul.u32 $0x2800, s5;
	s8 =	sshrl.u32 s6, $0x1  }
0xb: {  	s7 =	sshrl.u32 s7, $0x2;
	s15 =	sadd.s32 $0x4000, s14;
	s16 =	sadd.s32 $0x8000, s14  }
0xc: {  	s17 =	sadd.s32 $0xC000, s14;
	s18 =	sadd.s32 $0x10000, s14;
	s19 =	ssub.s32 s6, s8  }
0xd: {  	s7 =	sadd.s32 s7, s2;
	s8 =	sadd.s32 s15, s2;
	s9 =	sadd.s32 s16, s2  }
0xe: {  	s10 =	sadd.s32 s17, s2;
	s11 =	sadd.s32 s18, s2;
	s14 =	sadd.s32 s14, s1  }
0xf: {  	s15 =	sadd.s32 s1, s15;
	s25 =	sadd.s32 s1, s16;
	s17 =	sadd.s32 s1, s17  }
0x10: {  	s1 =	sadd.s32 s1, s18;
	s5 =	sshrl.u32 s5, $0x3;
	s24 =	sshrl.u32 s14, $0x3  }
0x11: {  	s15 =	sshrl.u32 s15, $0x3;
	s26 =	sshrl.u32 s17, $0x3;
	s1 =	sshrl.u32 s1, $0x3  }
0x12: {  	s19 =	smax.u32 s19, $0x1;
	s22 =	sadd.s32 s12, s5;
	s23 =	sadd.s32 s13, s5  }
0x13: {  	s5 =	sadd.s32 $0x280, s5;
	s14 =	sadd.s32 s0, s24;
	s15 =	sadd.s32 s0, s15  }
.Ltmp0:
0x14: {  	s17 =	sadd.s32 s0, s26;
	s18 =	sadd.s32 s0, s1;
	(pc) =	sbr.rel .LBB2_1-.Ltmp0, $4  }
0x15: {  	s24 =	simm.s32 $0x2;
	s26 =	simm.s32 $0x6800;
	[dreg:$0x3] =	wrdreg s22  }
0x16: {  	[dreg:$0x4] =	wrdreg s23;
	s12 =	sadd.s32 s12, s5;
	s13 =	sadd.s32 s13, s5  }
0x17: {  	s5 =	sshrl.u32 s25, $0x3;
	s22 =	simm.s32 $0x3;
	s23 =	simm.s32 $0x1  }
0x18: {  	v0 =	vimm.f32 $0.0e+00;
	s25 =	simm.s32 $0x80;
	s16 =	sadd.s32 s0, s5;
	s0 =	simm.s32 $0x0  }
.LBB2_9:
0x19: {  	_ =	swait.ge [sflag:s30], $0x4000  }
0x1a: {  	[sflag:s30] =	ssyncset.done $0x0  }
0x1b: {  	[sflag:s30] =	ssyncadd.s32 $0xFFFFC000  }
0x1c: {  	[bflag:$0x0] =	sbarrier.arrive $0xFFFF  }
0x1d: {  	[tilespmem:s21], [sflag:$0x1] =	stream.linear.gather [spmem:s7], $0x4000, $0x38;
	[tilespmem:$0x1E800] =	vst v63  }
0x1e: {  	_ =	swait.ge [sflag:s23], $0x4000  }
0x1f: {  	[sflag:s23] =	ssyncset.done $0x0  }
0x20: {  	[sflag:s23] =	ssyncadd.s32 $0xFFFFC000  }
0x21: {  	[hbm4b:s14+s3] =	stream.linear.scatter [tilespmem:s21], [sflag:$0x3], $0x4000, $0x38;
	[tilespmem:$0x1E800] =	vst v63  }
0x22: {  	_ = 	snop  }
0x23: {  	[tilespmem:s26], [sflag:$0x2] =	stream.linear.gather [spmem:s8], $0x4000, $0x38;
	[tilespmem:$0x1E800] =	vst v63  }
0x24: {  	_ =	swait.ge [sflag:s24], $0x4000  }
0x25: {  	[sflag:s24] =	ssyncset.done $0x0  }
0x26: {  	[sflag:s24] =	ssyncadd.s32 $0xFFFFC000  }
0x27: {  	_ =	swait.ge [sflag:s22], $0x4000  }
0x28: {  	[sflag:s22] =	ssyncset.done $0x0  }
0x29: {  	[sflag:s22] =	ssyncadd.s32 $0xFFFFC000  }
0x2a: {  	[hbm4b:s15+s3] =	stream.linear.scatter [tilespmem:s26], [sflag:$0x4], $0x4000, $0x38;
	[tilespmem:$0x1E800] =	vst v63  }
0x2b: {  	_ = 	snop  }
0x2c: {  	[tilespmem:s21], [sflag:$0x1] =	stream.linear.gather [spmem:s9], $0x4000, $0x38;
	[tilespmem:$0x1E800] =	vst v63  }
0x2d: {  	_ =	swait.ge [sflag:s23], $0x4000  }
0x2e: {  	[sflag:s23] =	ssyncset.done $0x0  }
0x2f: {  	[sflag:s23] =	ssyncadd.s32 $0xFFFFC000  }
0x30: {  	_ =	swait.ge [sflag:s30], $0x4000  }
0x31: {  	[sflag:s30] =	ssyncset.done $0x0  }
0x32: {  	[sflag:s30] =	ssyncadd.s32 $0xFFFFC000  }
0x33: {  	[hbm4b:s16+s3] =	stream.linear.scatter [tilespmem:s21], [sflag:$0x3], $0x4000, $0x38;
	[tilespmem:$0x1E800] =	vst v63  }
0x34: {  	_ = 	snop  }
0x35: {  	[tilespmem:s26], [sflag:$0x2] =	stream.linear.gather [spmem:s10], $0x4000, $0x38;
	[tilespmem:$0x1E800] =	vst v63  }
0x36: {  	_ =	swait.ge [sflag:s24], $0x4000  }
0x37: {  	[sflag:s24] =	ssyncset.done $0x0  }
0x38: {  	[sflag:s24] =	ssyncadd.s32 $0xFFFFC000  }
0x39: {  	_ =	swait.ge [sflag:s22], $0x4000  }
0x3a: {  	[sflag:s22] =	ssyncset.done $0x0  }
0x3b: {  	[sflag:s22] =	ssyncadd.s32 $0xFFFFC000  }
0x3c: {  	[hbm4b:s17+s3] =	stream.linear.scatter [tilespmem:s26], [sflag:$0x4], $0x4000, $0x38;
	[tilespmem:$0x1E800] =	vst v63  }
0x3d: {  	_ = 	snop  }
0x3e: {  	[tilespmem:s21], [sflag:$0x1] =	stream.linear.gather [spmem:s11], $0x4000, $0x38;
	[tilespmem:$0x1E800] =	vst v63  }
0x3f: {  	_ =	swait.ge [sflag:s23], $0x4000  }
0x40: {  	[sflag:s23] =	ssyncset.done $0x0  }
0x41: {  	[sflag:s23] =	ssyncadd.s32 $0xFFFFC000  }
0x42: {  	s0 =	sadd.s32 $0x1, s0;
	_ =	swait.ge [sflag:s30], $0x4000  }
0x43: {  	p0 =	sne.s32 s0, s19;
	[sflag:s30] =	ssyncset.done $0x0  }
.Ltmp1:
0x44: {  	[sflag:s30] =	ssyncadd.s32 $0xFFFFC000;
	(pc) =	sbr.rel @!p0 .LBB2_10-.Ltmp1, $4  }
0x45: {  	[hbm4b:s18+s3] =	stream.linear.scatter [tilespmem:s21], [sflag:$0x3], $0x4000, $0x38;
	[tilespmem:$0x1E800] =	vst v63  }
0x46: {  	_ =	swait.ge [sflag:s22], $0x4000  }
0x47: {  	[sflag:s22] =	ssyncset.done $0x0  }
0x48: {  	[sflag:s22] =	ssyncadd.s32 $0xFFFFC000  }
.LBB2_1:
0x49: {  	s1 =	rddreg [dreg:$0x3]  }
0x4a: {  	[tilespmem:s3], [sflag:$0x1] =	stream.linear.gather [hbm4b:s1+s3], $0x1400, $0x38;
	[tilespmem:$0x1E800] =	vst v63  }
0x4b: {  	s6 =	rddreg [dreg:$0x4];
	s5 =	sand.u32 $0x3FF0, s3;
	s1 =	simm.s32 $0x10  }
0x4c: {  	[tilespmem:s20], [sflag:$0x2] =	stream.linear.gather [hbm4b:s6+s3], $0x1400, $0x38;
	[tilespmem:$0x1E800] =	vst v63  }
.LBB2_2:
0x4d: {  	p0 =	sne.s32 s1, $0x3FF0;
	[tilespmem:s5+$0x2800] =	vst v0;
	s5 =	smov.u32 s1;
	s1 =	sadd.s32 $0x10, s1  }
.Ltmp2:
0x4e: {  	(pc) =	sbr.rel @p0 .LBB2_2-.Ltmp2, $2  }
0x4f: {  	_ =	sdelay $0x2  }
0x50: {  	s5 =	sand.u32 $0x3FF0, s5  }
0x51: {  	[tilespmem:s5+$0x2800] =	vst v0  }
0x52: {  	[spmem:s7] =	stream.linear.scatter [tilespmem:s21], [sflag:$0x3], $0x4000, $0x38;
	[tilespmem:$0x1E800] =	vst v63  }
0x53: {  	_ = 	snop  }
0x54: {  	[spmem:s8] =	stream.linear.scatter [tilespmem:s21], [sflag:$0x3], $0x4000, $0x38;
	[tilespmem:$0x1E800] =	vst v63  }
0x55: {  	_ = 	snop  }
0x56: {  	[spmem:s9] =	stream.linear.scatter [tilespmem:s21], [sflag:$0x3], $0x4000, $0x38;
	[tilespmem:$0x1E800] =	vst v63  }
0x57: {  	_ = 	snop  }
0x58: {  	[spmem:s10] =	stream.linear.scatter [tilespmem:s21], [sflag:$0x3], $0x4000, $0x38;
	[tilespmem:$0x1E800] =	vst v63  }
0x59: {  	_ = 	snop  }
0x5a: {  	[spmem:s11] =	stream.linear.scatter [tilespmem:s21], [sflag:$0x3], $0x4000, $0x38;
	[tilespmem:$0x1E800] =	vst v63  }
0x5b: {  	_ =	swait.ge [sflag:s22], $0x4000  }
0x5c: {  	[sflag:s22] =	ssyncset.done $0x0  }
0x5d: {  	[sflag:s22] =	ssyncadd.s32 $0xFFFFC000  }
0x5e: {  	_ =	swait.ge [sflag:s22], $0x4000  }
0x5f: {  	[sflag:s22] =	ssyncset.done $0x0  }
0x60: {  	[sflag:s22] =	ssyncadd.s32 $0xFFFFC000  }
0x61: {  	_ =	swait.ge [sflag:s22], $0x4000  }
0x62: {  	[sflag:s22] =	ssyncset.done $0x0  }
0x63: {  	[sflag:s22] =	ssyncadd.s32 $0xFFFFC000  }
0x64: {  	_ =	swait.ge [sflag:s22], $0x4000  }
0x65: {  	[sflag:s22] =	ssyncset.done $0x0  }
0x66: {  	[sflag:s22] =	ssyncadd.s32 $0xFFFFC000  }
0x67: {  	_ =	swait.ge [sflag:s22], $0x4000  }
0x68: {  	[sflag:s22] =	ssyncset.done $0x0  }
0x69: {  	[sflag:s22] =	ssyncadd.s32 $0xFFFFC000  }
0x6a: {  	_ =	swait.ge [sflag:s23], $0x1400  }
0x6b: {  	[sflag:s23] =	ssyncset.done $0x0  }
0x6c: {  	[sflag:s23] =	ssyncadd.s32 $0xFFFFEC00  }
0x6d: {  	_ =	swait.ge [sflag:s24], $0x1400  }
0x6e: {  	[sflag:s24] =	ssyncset.done $0x0  }
0x6f: {  	[sflag:s24] =	ssyncadd.s32 $0xFFFFEC00  }
0x70: {  	[tilespmem:s21], [sflag:$0x1] =	stream.indirect.gather [hbm4b:s4+s25], $0x80, s3, s25, $0xb8;
	[tilespmem:$0x1E800] =	vst v63  }
0x71: {  	[bflag:$0x0] =	sbarrier.arrive $0xFFFF  }
0x72: {  	_ =	swait.ge [sflag:s23], $0x4000  }
0x73: {  	[sflag:s23] =	ssyncset.done $0x0  }
0x74: {  	[sflag:s23] =	ssyncadd.s32 $0xFFFFC000  }
0x75: {  	[spmem:s2] =	stream.indirect.scatter.add.f32 [tilespmem:s21], [sflag:$0x3], $0x80, s20, s25, $0xb8;
	[tilespmem:$0x1E800] =	vst v63  }
0x76: {  	_ = 	snop  }
0x77: {  	[tilespmem:s26], [sflag:$0x2] =	stream.indirect.gather [hbm4b:s4+s25], $0x80, s25, s25, $0xb8;
	[tilespmem:$0x1E800] =	vst v63  }
0x78: {  	_ =	swait.ge [sflag:s24], $0x4000  }
0x79: {  	[sflag:s24] =	ssyncset.done $0x0  }
0x7a: {  	[sflag:s24] =	ssyncadd.s32 $0xFFFFC000  }
0x7b: {  	[spmem:s2] =	stream.indirect.scatter.add.f32 [tilespmem:s26], [sflag:$0x4], $0x80, s28, s25, $0xb8;
	[tilespmem:$0x1E800] =	vst v63  }
0x7c: {  	_ =	swait.ge [sflag:s22], $0x4000  }
0x7d: {  	[sflag:s22] =	ssyncset.done $0x0  }
0x7e: {  	s1 =	simm.s32 $0xFFFFB800;
	[sflag:s22] =	ssyncadd.s32 $0xFFFFC000  }
0x7f: {  	[tilespmem:s21], [sflag:$0x1] =	stream.indirect.gather [hbm4b:s4+s25], $0x80, s29, s25, $0xb8;
	[tilespmem:$0x1E800] =	vst v63  }
.LBB2_4:
0x80: {  	_ =	swait.ge [sflag:s23], $0x4000  }
0x81: {  	s5 =	sshra.s32 s1, $0x2;
	[sflag:s23] =	ssyncset.done $0x0  }
0x82: {  	s6 =	sadd.s32 $0x2700, s5;
	[sflag:s23] =	ssyncadd.s32 $0xFFFFC000  }
0x83: {  	[spmem:s2] =	stream.indirect.scatter.add.f32 [tilespmem:s21], [sflag:$0x3], $0x80, s6, s25, $0xb8;
	[tilespmem:$0x1E800] =	vst v63  }
0x84: {  	_ =	swait.ge [sflag:s30], $0x4000  }
0x85: {  	[sflag:s30] =	ssyncset.done $0x0  }
0x86: {  	s6 =	sadd.s32 $0x1380, s5;
	[sflag:s30] =	ssyncadd.s32 $0xFFFFC000  }
0x87: {  	[tilespmem:s26], [sflag:$0x2] =	stream.indirect.gather [hbm4b:s4+s25], $0x80, s6, s25, $0xb8;
	[tilespmem:$0x1E800] =	vst v63  }
0x88: {  	_ =	swait.ge [sflag:s24], $0x4000  }
0x89: {  	p0 =	seq.s32 s1, $0x0;
	[sflag:s24] =	ssyncset.done $0x0  }
.Ltmp3:
0x8a: {  	s6 =	sadd.s32 $0x2780, s5;
	[sflag:s24] =	ssyncadd.s32 $0xFFFFC000;
	(pc) =	sbr.rel @p0 .LBB2_6-.Ltmp3, $4  }
0x8b: {  	[spmem:s2] =	stream.indirect.scatter.add.f32 [tilespmem:s26], [sflag:$0x4], $0x80, s6, s25, $0xb8;
	[tilespmem:$0x1E800] =	vst v63  }
0x8c: {  	_ =	swait.ge [sflag:s22], $0x4000  }
0x8d: {  	[sflag:s22] =	ssyncset.done $0x0  }
0x8e: {  	[sflag:s22] =	ssyncadd.s32 $0xFFFFC000  }
.Ltmp4:
0x8f: {  	(pc) =	sbr.rel .LBB2_4-.Ltmp4, $3  }
0x90: {  	_ =	sdelay $0x1  }
0x91: {  	s5 =	sadd.s32 $0x1400, s5;
	s1 =	sadd.s32 $0x400, s1  }
0x92: {  	[tilespmem:s21], [sflag:$0x1] =	stream.indirect.gather [hbm4b:s4+s25], $0x80, s5, s25, $0xb8;
	[tilespmem:$0x1E800] =	vst v63  }
.LBB2_6:
0x93: {  	[tilespmem:s3], [sflag:$0x1] =	stream.linear.gather [hbm4b:s12+s3], $0x1400, $0x38;
	[tilespmem:$0x1E800] =	vst v63  }
0x94: {  	_ =	swait.ge [sflag:s30], $0x4000  }
0x95: {  	[sflag:s30] =	ssyncset.done $0x0  }
0x96: {  	[sflag:s30] =	ssyncadd.s32 $0xFFFFC000  }
0x97: {  	[tilespmem:s20], [sflag:$0x5] =	stream.linear.gather [hbm4b:s13+s3], $0x1400, $0x38;
	[tilespmem:$0x1E800] =	vst v63  }
0x98: {  	_ =	swait.ge [sflag:s31], $0x1400  }
0x99: {  	[sflag:s31] =	ssyncset.done $0x0  }
0x9a: {  	[sflag:s31] =	ssyncadd.s32 $0xFFFFEC00  }
0x9b: {  	_ =	swait.ge [sflag:s23], $0x1400  }
0x9c: {  	[sflag:s23] =	ssyncset.done $0x0  }
0x9d: {  	[sflag:s23] =	ssyncadd.s32 $0xFFFFEC00  }
0x9e: {  	[tilespmem:s21], [sflag:$0x1] =	stream.indirect.gather [hbm4b:s4+s25], $0x80, s3, s25, $0xb8;
	[tilespmem:$0x1E800] =	vst v63  }
0x9f: {  	_ =	swait.ge [sflag:s23], $0x4000  }
0xa0: {  	[sflag:s23] =	ssyncset.done $0x0  }
0xa1: {  	[sflag:s23] =	ssyncadd.s32 $0xFFFFC000  }
0xa2: {  	[spmem:s2] =	stream.indirect.scatter.add.f32 [tilespmem:s21], [sflag:$0x3], $0x80, s20, s25, $0xb8;
	[tilespmem:$0x1E800] =	vst v63  }
0xa3: {  	_ = 	snop  }
0xa4: {  	[tilespmem:s26], [sflag:$0x2] =	stream.indirect.gather [hbm4b:s4+s25], $0x80, s25, s25, $0xb8;
	[tilespmem:$0x1E800] =	vst v63  }
0xa5: {  	_ =	swait.ge [sflag:s24], $0x4000  }
0xa6: {  	[sflag:s24] =	ssyncset.done $0x0  }
0xa7: {  	[sflag:s24] =	ssyncadd.s32 $0xFFFFC000  }
0xa8: {  	[spmem:s2] =	stream.indirect.scatter.add.f32 [tilespmem:s26], [sflag:$0x4], $0x80, s28, s25, $0xb8;
	[tilespmem:$0x1E800] =	vst v63  }
0xa9: {  	_ =	swait.ge [sflag:s22], $0x4000  }
0xaa: {  	[sflag:s22] =	ssyncset.done $0x0  }
0xab: {  	s1 =	simm.s32 $0xFFFFB800;
	[sflag:s22] =	ssyncadd.s32 $0xFFFFC000  }
0xac: {  	[tilespmem:s21], [sflag:$0x1] =	stream.indirect.gather [hbm4b:s4+s25], $0x80, s29, s25, $0xb8;
	[tilespmem:$0x1E800] =	vst v63  }
.LBB2_7:
0xad: {  	_ =	swait.ge [sflag:s23], $0x4000  }
0xae: {  	s5 =	sshra.s32 s1, $0x2;
	[sflag:s23] =	ssyncset.done $0x0  }
0xaf: {  	s6 =	sadd.s32 $0x2700, s5;
	[sflag:s23] =	ssyncadd.s32 $0xFFFFC000  }
0xb0: {  	[spmem:s2] =	stream.indirect.scatter.add.f32 [tilespmem:s21], [sflag:$0x3], $0x80, s6, s25, $0xb8;
	[tilespmem:$0x1E800] =	vst v63  }
0xb1: {  	_ =	swait.ge [sflag:s30], $0x4000  }
0xb2: {  	[sflag:s30] =	ssyncset.done $0x0  }
0xb3: {  	s6 =	sadd.s32 $0x1380, s5;
	[sflag:s30] =	ssyncadd.s32 $0xFFFFC000  }
0xb4: {  	[tilespmem:s26], [sflag:$0x2] =	stream.indirect.gather [hbm4b:s4+s25], $0x80, s6, s25, $0xb8;
	[tilespmem:$0x1E800] =	vst v63  }
0xb5: {  	_ =	swait.ge [sflag:s24], $0x4000  }
0xb6: {  	p0 =	seq.s32 s1, $0x0;
	[sflag:s24] =	ssyncset.done $0x0  }
.Ltmp5:
0xb7: {  	s6 =	sadd.s32 $0x2780, s5;
	[sflag:s24] =	ssyncadd.s32 $0xFFFFC000;
	(pc) =	sbr.rel @p0 .LBB2_9-.Ltmp5, $4  }
0xb8: {  	[spmem:s2] =	stream.indirect.scatter.add.f32 [tilespmem:s26], [sflag:$0x4], $0x80, s6, s25, $0xb8;
	[tilespmem:$0x1E800] =	vst v63  }
0xb9: {  	_ =	swait.ge [sflag:s22], $0x4000  }
0xba: {  	[sflag:s22] =	ssyncset.done $0x0  }
0xbb: {  	[sflag:s22] =	ssyncadd.s32 $0xFFFFC000  }
.Ltmp6:
0xbc: {  	(pc) =	sbr.rel .LBB2_7-.Ltmp6, $3  }
0xbd: {  	_ =	sdelay $0x1  }
0xbe: {  	s5 =	sadd.s32 $0x1400, s5;
	s1 =	sadd.s32 $0x400, s1  }
0xbf: {  	[tilespmem:s21], [sflag:$0x1] =	stream.indirect.gather [hbm4b:s4+s25], $0x80, s5, s25, $0xb8;
	[tilespmem:$0x1E800] =	vst v63  }
.LBB2_10:
0xc0: {  	_ =	sfence.sel $0x180000  }
0xc1: {  	[bflag:$0x0] =	sbarrier.arrive $0xFFFF  }
0xc2: {  	_ =	strace $0x9000004D  }
0xc3: {  	s0 =	stileid.u32;
	[bflag:$0x2] =	sbarrier.arrive $0xFFFF  }
0xc4: {  	p0 =	sne.s32 s0, $0x0;
	s0 =	rddreg [dreg:$0x2]  }
0xc5: {  	s0 =	sadd.s32 @!p0 $0x100000, s0  }
0xc6: {  	[sflag:s0] =	ssyncadd.tile.s32 @!p0 $0x1;
	_ =	shalt  }
.Lfunc_end2:
_tile_overlayer_lowered:
.L_overlay_start_2:
0xc7: {  	(tag) =	ssettag $0x2  }
0xc8: {  	s0 =	rddreg [dreg:$0x0];
	s2 =	stileid.u32  }
0xc9: {  	s1 =	rddreg [dreg:$0x1];
	p0 =	sne.s32 s2, $0x0  }
0xca: {  	s3 =	rddreg [dreg:$0x2];
	[bflag:$0x3] =	sbarrier.arrive $0xFFFF;
	s2 =	simm.s32 @!p0 $0x1C05  }
0xcb: {  	[timem:s3], [sflag:s2] =	dma.local @!p0 [hbm:s0], s1  }
0xcc: {  	s0 =	simm.s32 @!p0 $0x5  }
0xcd: {  	_ =	swait.ge @!p0 [sflag:s0], s1  }
0xce: {  	s1 =	ssub.s32 @!p0 $0x0, s1;
	[sflag:s0] =	ssyncset.done @!p0 $0x0  }
0xcf: {  	[sflag:s0] =	ssyncadd.s32 @!p0 s1  }
0xd0: {  	[bflag:$0x3] =	sbarrier.arrive $0xFFFF  }
0xd1: {  	_ =	shalt  }

// kernel: kernel.8.cloned.1.call-start
scs
__scs_entry_jumppad:
0x0: {  	(pc) =	sbr.rel $0x88, $3  }
0x1: {  	(tag) =	ssettag $0x0;
	lr =	simm.s32 $0x1  }
0x2: {  	[smem:$0x3F92] =	sst lr;
	_ =	strace $0xD0000000  }
0x3: {  	_ = 	snop  }
0x4: {  	_ = 	snop  }
0x5: {  	_ = 	snop  }
0x6: {  	_ = 	snop  }
0x7: {  	_ = 	snop  }
__scs_overlays_trampoline_lowered:
0x8: {  	[smem:$0x3FA1] =	sst s0  }
0x9: {  	[smem:$0x3FA2] =	sst s1  }
0xa: {  	[smem:$0x3FA3] =	sst s2  }
0xb: {  	[smem:$0x3FA4] =	sst s3  }
0xc: {  	[smem:$0x3FA5] =	sst s4  }
0xd: {  	[smem:$0x3FA6] =	sst s5  }
0xe: {  	[smem:$0x3FA7] =	sst s6  }
0xf: {  	[smem:$0x3FA8] =	sst s7  }
0x10: {  	[smem:$0x3FA9] =	sst s8  }
0x11: {  	[smem:$0x3FAA] =	sst s9;
	s0 =	simm.s32 @!p0 $0x0  }
0x12: {  	s1 =	sld [smem:$0x3F90];
	s0 =	simm.s32 @p0 $0x1  }
0x13: {  	[smem:$0x3FAB] =	sst s0;
	s0 =	simm.s32 @!p1 $0x0  }
0x14: {  	s2 =	sld [smem:$0x3F8F];
	s0 =	simm.s32 @p1 $0x1  }
0x15: {  	[smem:$0x3FAC] =	sst s0;
	s0 =	simm.s32 @!p2 $0x0  }
0x16: {  	s3 =	sld [smem:$0x3FDB];
	s0 =	simm.s32 @p2 $0x1  }
0x17: {  	s4 =	simm.s32 $0x1BF5;
	[smem:$0x3FAE] =	sst s0  }
0x18: {  	s0 =	sld [smem:$0x3F91];
	_ =	swait.ge [sflag:s4], $0x0  }
0x19: {  	s7 =	sld [smem:$0x3F92]  }
0x1a: {  	s8 =	sadd.s32 $0xFFFFE003, lr  }
0x1b: {  	s9 =	sadd.s32 $0xFFFFFEF7, lr;
	s5 =	simm.s32 $0xFFFFFFFF;
	p2 =	slt.u32 s8, $0xFFFFF086  }
0x1c: {  	p1 =	slt.u32 s9, $0xF7A;
	s5 =	simm.s32 @!p2 $0x0  }
0x1d: {  	s5 =	simm.s32 @p1 $0x1;
	p0 =	seq.s32 s7, s2  }
0x1e: {  	s7 =	smul.u32 @!p0 $0xF7A, s2;
	p2 =	seq.s32 @!p0 s5, $0x0  }
0x1f: {  	s9 =	smul.u32 $0xF7A, s1;
	s8 =	simm.s32 @!p0 $0x1BF5;
	p2 =	por !p2, p0  }
0x20: {  	[sflag:s8] =	ssyncset.s32 @!p0 $0xFFFFF086;
	s6 =	sadd.s32 @!p0 s3, s7;
	s7 =	simm.s32 @!p0 $0x108  }
0x21: {  	s3 =	sadd.s32 s3, s9;
	s6 =	sadd.s32 @!p0 $0x88, s6;
	s7 =	simm.s32 @p2 $0x1082  }
0x22: {  	[simem:s7], [sflag:s8] =	dma.local @!p0 [hbm:s6], $0xF7A  }
0x23: {  	s9 =	sor.u32 $0xD0000000, s2;
	s6 =	simm.s32 $0x108;
	_ =	swait.ge @!p0 [sflag:s8], $0x0  }
0x24: {  	s3 =	sadd.s32 $0x88, s3;
	s6 =	simm.s32 @!p1 $0x1082;
	[sflag:s4] =	ssyncset.s32 $0xFFFFF086  }
0x25: {  	[simem:s6], [sflag:s4] =	dma.local [hbm:s3], $0xF7A  }
0x26: {  	[smem:$0x3F92] =	sst s1;
	(tag) =	ssettag s2;
	_ =	strace s9  }
0x27: {  	s1 =	sld [smem:$0x3FA2]  }
0x28: {  	s2 =	sld [smem:$0x3FA3]  }
0x29: {  	s4 =	sld [smem:$0x3FA5]  }
0x2a: {  	p0 =	seq.s32 s5, $0x0;
	s5 =	sld [smem:$0x3FA6]  }
0x2b: {  	s6 =	sld [smem:$0x3FA7]  }
0x2c: {  	s7 =	sld [smem:$0x3FA8]  }
0x2d: {  	s3 =	simm.s32 $0x108;
	s8 =	sld [smem:$0x3FA9]  }
0x2e: {  	s3 =	simm.s32 @!p0 $0x1082;
	s9 =	sld [smem:$0x3FAA]  }
0x2f: {  	lr =	sadd.s32 s0, s3;
	s0 =	sld [smem:$0x3FA1]  }
0x30: {  	s3 =	sld [smem:$0x3FA4]  }
0x31: {  	[smem:$0x3FAD] =	sst s10  }
0x32: {  	s10 =	sld [smem:$0x3FAB];
	_ =	sdelay $0x3  }
0x33: {  	p0 =	seq.s32 s10, $0x1;
	s10 =	sld [smem:$0x3FAD];
	_ =	sdelay $0x3  }
0x34: {  	[smem:$0x3FAD] =	sst s10  }
0x35: {  	s10 =	sld [smem:$0x3FAC];
	_ =	sdelay $0x3  }
0x36: {  	p1 =	seq.s32 s10, $0x1;
	s10 =	sld [smem:$0x3FAD];
	_ =	sdelay $0x3  }
0x37: {  	[smem:$0x3FAD] =	sst s10  }
0x38: {  	s10 =	sld [smem:$0x3FAE]  }
0x39: {  	_ = 	snop;
	(pc) =	sbr.ind lr, $3  }
0x3a: {  	_ = 	snop  }
0x3b: {  	_ = 	snop  }
0x3c: {  	p2 =	seq.s32 s10, $0x1;
	s10 =	sld [smem:$0x3FAD]  }
0x3d: {  	_ =	shalt  }
0x3e: {  	_ =	shalt  }
0x3f: {  	_ =	shalt  }
0x40: {  	_ =	shalt  }
0x41: {  	_ =	shalt  }
0x42: {  	_ =	shalt  }
0x43: {  	_ =	shalt  }
0x44: {  	_ =	shalt  }
0x45: {  	_ =	shalt  }
0x46: {  	_ =	shalt  }
0x47: {  	_ =	shalt  }
0x48: {  	_ =	shalt  }
0x49: {  	_ =	shalt  }
0x4a: {  	_ =	shalt  }
0x4b: {  	_ =	shalt  }
0x4c: {  	_ =	shalt  }
0x4d: {  	_ =	shalt  }
0x4e: {  	_ =	shalt  }
0x4f: {  	_ =	shalt  }
0x50: {  	_ =	shalt  }
0x51: {  	_ =	shalt  }
0x52: {  	_ =	shalt  }
0x53: {  	_ =	shalt  }
0x54: {  	_ =	shalt  }
0x55: {  	_ =	shalt  }
0x56: {  	_ =	shalt  }
0x57: {  	_ =	shalt  }
0x58: {  	_ =	shalt  }
0x59: {  	_ =	shalt  }
0x5a: {  	_ =	shalt  }
0x5b: {  	_ =	shalt  }
0x5c: {  	_ =	shalt  }
0x5d: {  	_ =	shalt  }
0x5e: {  	_ =	shalt  }
0x5f: {  	_ =	shalt  }
0x60: {  	_ =	shalt  }
0x61: {  	_ =	shalt  }
0x62: {  	_ =	shalt  }
0x63: {  	_ =	shalt  }
0x64: {  	_ =	shalt  }
0x65: {  	_ =	shalt  }
0x66: {  	_ =	shalt  }
0x67: {  	_ =	shalt  }
0x68: {  	_ =	shalt  }
0x69: {  	_ =	shalt  }
0x6a: {  	_ =	shalt  }
0x6b: {  	_ =	shalt  }
0x6c: {  	_ =	shalt  }
0x6d: {  	_ =	shalt  }
0x6e: {  	_ =	shalt  }
0x6f: {  	_ =	shalt  }
0x70: {  	_ =	shalt  }
0x71: {  	_ =	shalt  }
0x72: {  	_ =	shalt  }
0x73: {  	_ =	shalt  }
0x74: {  	_ =	shalt  }
0x75: {  	_ =	shalt  }
0x76: {  	_ =	shalt  }
0x77: {  	_ =	shalt  }
0x78: {  	_ =	shalt  }
0x79: {  	_ =	shalt  }
0x7a: {  	_ =	shalt  }
0x7b: {  	_ =	shalt  }
0x7c: {  	_ =	shalt  }
0x7d: {  	_ =	shalt  }
0x7e: {  	_ =	shalt  }
0x7f: {  	_ =	shalt  }
0x80: {  	_ =	shalt  }
0x81: {  	_ =	shalt  }
0x82: {  	_ =	shalt  }
0x83: {  	_ =	shalt  }
0x84: {  	_ =	shalt  }
0x85: {  	_ =	shalt  }
0x86: {  	_ =	shalt  }
0x87: {  	_ =	shalt  }
.Lfunc_end0:
.L_simem_size_0:
called_computation_lowered:
.L_overlay_start_0:
0x88: {  	s2 =	sld [smem:$0x3FD9]  }
0x89: {  	s3 =	sld [smem:$0x3FFE];
	_ =	sdelay $0x1  }
0x8a: {  	s1 =	srdreg.scid  }
0x8b: {  	s0 =	sand.u32 $0x1, s1  }
0x8c: {  	s17 =	sshll.u32 s0, $0xA;
	s2 =	sadd.s32 s3, s2  }
0x8d: {  	s2 =	sadd.s32 s2, s17  }
0x8e: {  	[smem:$0x3FB9] =	sst s2  }
0x8f: {  	_ = 	snop  }
0x90: {  	s2 =	sld [smem:$0x3FC9];
	(tm) =	ssettm $0x1  }
0x91: {  	s18 =	sld [smem:$0x3FFB];
	_ =	sdelay $0x3  }
0x92: {  	_ =	strace s18  }
0x93: {  	s3 =	sld [smem:$0x3FFC];
	_ =	sdelay $0x3  }
0x94: {  	_ =	strace s3  }
0x95: {  	s3 =	sld [smem:$0x3FFD];
	_ =	sdelay $0x3  }
0x96: {  	_ =	strace s3  }
0x97: {  	_ =	strace $0x8FFFFFFF  }
0x98: {  	s19 =	sld [smem:$0x3FDB];
	_ =	sdelay $0x1  }
0x99: {  	s4 =	simm.s32 $_scs_section_size  }
0x9a: {  	s5 =	simm.s32 $_size__tile_overlayer_lowered;
	s6 =	simm.s32 $_tile_overlayer_lowered  }
0x9b: {  	s22 =	simm.s32 $0x1BFF;
	s21 =	sshll.u32 s6, $0x1;
	s3 =	sadd.s32 s4, s19  }
0x9c: {  	s7 =	simm.s32 $0x0;
	s20 =	sshll.u32 s5, $0x1;
	s5 =	sadd.s32 s21, s3  }
0x9d: {  	[timem:s7], [sflag:s22] =	dma.local [hbm:s5], s20  }
0x9e: {  	_ =	swait.ge [sflag:s22], s20  }
0x9f: {  	s4 =	ssub.s32 $0x0, s20;
	[sflag:s22] =	ssyncset.done $0x0  }
0xa0: {  	[sflag:s22] =	ssyncadd.s32 s4;
	_ =	sdelay $0x1  }
0xa1: {  	s23 =	simm.s32 $0x1B8B  }
0xa2: {  	_ =	swait.ge [sflag:s23], $0x1  }
0xa3: {  	[sflag:s23] =	ssyncset.done $0x0  }
0xa4: {  	s25 =	simm.s32 $0x1B8E;
	s24 =	sld [smem:$0x3FFE];
	[sflag:s23] =	ssyncadd.s32 $0xFFFFFFFF  }
0xa5: {  	s26 =	simm.s32 $execute0_lowered;
	[smem:$0x3FD2] =	sst s25  }
0xa6: {  	s5 =	sshll.u32 s26, $0x1;
	_ =	strace $0x80000046;
	[dreg:$0x1] =	wrdreg $0xFFFFFFFF  }
0xa7: {  	s28 =	simm.s32 $_size_execute0_lowered;
	s3 =	sadd.s32 s3, s5;
	[dreg:$0x0] =	wrdreg $0x0  }
0xa8: {  	s5 =	sshll.u32 s28, $0x1;
	[dreg:$0x2] =	wrdreg s3  }
0xa9: {  	[dreg:$0x3] =	wrdreg s5  }
0xaa: {  	[dreg:$0x4] =	wrdreg $0xC0  }
0xab: {  	_ =	task [dreg:s7], $0x5FFFF  }
0xac: {  	[dreg:$0x1] =	wrdreg $0xFFFFFFFF  }
0xad: {  	[dreg:$0x0] =	wrdreg $0x60  }
0xae: {  	[dreg:$0x2] =	wrdreg s2  }
0xaf: {  	[dreg:$0x3] =	wrdreg s24  }
0xb0: {  	[dreg:$0x4] =	wrdreg $0xA8000  }
0xb1: {  	[dreg:$0x5] =	wrdreg $0x9  }
0xb2: {  	_ =	task.clear_ibuf [dreg:s7], $0x6FFFF;
	_ =	strace $0x90000046  }
0xb3: {  	s29 =	simm.s32 $0x9;
	_ =	strace $0x80000048  }
0xb4: {  	_ =	swait.ge [sflag:s29], $0x1  }
0xb5: {  	[sflag:s29] =	ssyncadd.s32 $0xFFFFFFFF  }
0xb6: {  	_ =	strace $0x90000048  }
0xb7: {  	_ =	sfence  }
0xb8: {  	s30 =	sld [smem:$0x0];
	_ =	sdelay $0x2  }
0xb9: {  	s31 =	sshll.u32 s1, $0xD;
	s1 =	sshrl.u32 s1, $0x2  }
0xba: {  	s3 =	sand.u32 $0x4000, s31;
	s1 =	sadd.s32 s1, s30  }
0xbb: {  	s0 =	sor.u32 s3, s0;
	s1 =	sshll.u32 s1, $0x11  }
0xbc: {  	s0 =	sor.u32 s1, s0  }
0xbd: {  	s0 =	sadd.s32 $0x8F2B, s0  }
0xbe: {  	[sflag:s0] =	ssyncadd.remote.s32 $0x1  }
0xbf: {  	_ =	sfence.sel $0xFFFF  }
0xc0: {  	[dreg:$0x0] =	wrdreg $0xFFFFFFFF;
	(pc) =	sbr.abs _section_cstart, $3  }
0xc1: {  	[dreg:$0x1] =	wrdreg $0xFFFFFFFF  }
0xc2: {  	_ =	task.clear_ibuf [dreg:s7], $0x2FFFF;
	_ =	strace $0x9FFFFFFF  }
0xc3: {  	(tm) =	ssettm $0x7FFFFFFF  }
tec
execute0_lowered:
.L_overlay_start_1:
0x0: {  	(tag) =	ssettag $0x1  }
0x1: {  	s1 =	rddreg [dreg:$0x0]  }
0x2: {  	s0 =	rddreg [dreg:$0x1]  }
0x3: {  	s3 =	rddreg [dreg:$0x2];
	s4 =	simm.s32 $0x0;
	s2 =	srdreg.scid  }
0x4: {  	s9 =	stileid.u32;
	s20 =	simm.s32 $0x1400;
	s21 =	simm.s32 $0x2800  }
0x5: {  	s28 =	simm.s32 $0x1480;
	s29 =	simm.s32 $0x100;
	s30 =	simm.s32 $0x4  }
0x6: {  	s31 =	simm.s32 $0x5;
	[smem:$0x7FF] =	sst s4;
	s2 =	sand.u32 $0x1, s2  }
0x7: {  	s5 =	sshll.u32 s9, $0x1;
	s12 =	sadd.s32 $0x3C00, s0;
	s7 =	smul.u32 $0x50000, s9  }
0x8: {  	s13 =	sadd.s32 $0xDC00, s0;
	s0 =	sadd.s32 $0x17C00, s0;
	s14 =	smul.u32 $0x14000, s9  }
0x9: {  	s5 =	sor.u32 s2, s5;
	s6 =	ssub.s32 $0x2, s2;
	s2 =	smul.u32 $0x140000, s2  }
0xa: {  	_ =	strace $0x80000047;
	s5 =	smul.u32 $0x2800, s5;
	s8 =	sshrl.u32 s6, $0x1  }
0xb: {  	s7 =	sshrl.u32 s7, $0x2;
	s15 =	sadd.s32 $0x4000, s14;
	s16 =	sadd.s32 $0x8000, s14  }
0xc: {  	s17 =	sadd.s32 $0xC000, s14;
	s18 =	sadd.s32 $0x10000, s14;
	s19 =	ssub.s32 s6, s8  }
0xd: {  	s7 =	sadd.s32 s7, s3;
	s8 =	sadd.s32 s15, s3;
	s9 =	sadd.s32 s16, s3  }
0xe: {  	s10 =	sadd.s32 s17, s3;
	s11 =	sadd.s32 s18, s3;
	s14 =	sadd.s32 s14, s2  }
0xf: {  	s15 =	sadd.s32 s2, s15;
	s25 =	sadd.s32 s2, s16;
	s17 =	sadd.s32 s2, s17  }
0x10: {  	s2 =	sadd.s32 s2, s18;
	s5 =	sshrl.u32 s5, $0x3;
	s24 =	sshrl.u32 s14, $0x3  }
0x11: {  	s15 =	sshrl.u32 s15, $0x3;
	s26 =	sshrl.u32 s17, $0x3;
	s2 =	sshrl.u32 s2, $0x3  }
0x12: {  	s19 =	smax.u32 s19, $0x1;
	s22 =	sadd.s32 s12, s5;
	s23 =	sadd.s32 s13, s5  }
0x13: {  	s5 =	sadd.s32 $0x280, s5;
	s14 =	sadd.s32 s0, s24;
	s15 =	sadd.s32 s0, s15  }
.Ltmp0:
0x14: {  	s17 =	sadd.s32 s0, s26;
	s18 =	sadd.s32 s0, s2;
	(pc) =	sbr.rel .LBB2_1-.Ltmp0, $4  }
0x15: {  	s24 =	simm.s32 $0x2;
	s26 =	simm.s32 $0x6800;
	[dreg:$0x4] =	wrdreg s22  }
0x16: {  	[dreg:$0x5] =	wrdreg s23;
	s12 =	sadd.s32 s12, s5;
	s13 =	sadd.s32 s13, s5  }
0x17: {  	s5 =	sshrl.u32 s25, $0x3;
	s22 =	simm.s32 $0x3;
	s23 =	simm.s32 $0x1  }
0x18: {  	v0 =	vimm.f32 $0.0e+00;
	s25 =	simm.s32 $0x80;
	s16 =	sadd.s32 s0, s5;
	s0 =	simm.s32 $0x0  }
.LBB2_9:
0x19: {  	_ =	swait.ge [sflag:s30], $0x4000  }
0x1a: {  	[sflag:s30] =	ssyncset.done $0x0  }
0x1b: {  	[sflag:s30] =	ssyncadd.s32 $0xFFFFC000  }
0x1c: {  	[bflag:$0x0] =	sbarrier.arrive $0xFFFF  }
0x1d: {  	[tilespmem:s21], [sflag:$0x1] =	stream.linear.gather [spmem:s7], $0x4000, $0x38;
	[tilespmem:$0x1E800] =	vst v63  }
0x1e: {  	_ =	swait.ge [sflag:s23], $0x4000  }
0x1f: {  	[sflag:s23] =	ssyncset.done $0x0  }
0x20: {  	[sflag:s23] =	ssyncadd.s32 $0xFFFFC000  }
0x21: {  	[hbm4b:s14+s4] =	stream.linear.scatter [tilespmem:s21], [sflag:$0x3], $0x4000, $0x38;
	[tilespmem:$0x1E800] =	vst v63  }
0x22: {  	_ = 	snop  }
0x23: {  	[tilespmem:s26], [sflag:$0x2] =	stream.linear.gather [spmem:s8], $0x4000, $0x38;
	[tilespmem:$0x1E800] =	vst v63  }
0x24: {  	_ =	swait.ge [sflag:s24], $0x4000  }
0x25: {  	[sflag:s24] =	ssyncset.done $0x0  }
0x26: {  	[sflag:s24] =	ssyncadd.s32 $0xFFFFC000  }
0x27: {  	_ =	swait.ge [sflag:s22], $0x4000  }
0x28: {  	[sflag:s22] =	ssyncset.done $0x0  }
0x29: {  	[sflag:s22] =	ssyncadd.s32 $0xFFFFC000  }
0x2a: {  	[hbm4b:s15+s4] =	stream.linear.scatter [tilespmem:s26], [sflag:$0x4], $0x4000, $0x38;
	[tilespmem:$0x1E800] =	vst v63  }
0x2b: {  	_ = 	snop  }
0x2c: {  	[tilespmem:s21], [sflag:$0x1] =	stream.linear.gather [spmem:s9], $0x4000, $0x38;
	[tilespmem:$0x1E800] =	vst v63  }
0x2d: {  	_ =	swait.ge [sflag:s23], $0x4000  }
0x2e: {  	[sflag:s23] =	ssyncset.done $0x0  }
0x2f: {  	[sflag:s23] =	ssyncadd.s32 $0xFFFFC000  }
0x30: {  	_ =	swait.ge [sflag:s30], $0x4000  }
0x31: {  	[sflag:s30] =	ssyncset.done $0x0  }
0x32: {  	[sflag:s30] =	ssyncadd.s32 $0xFFFFC000  }
0x33: {  	[hbm4b:s16+s4] =	stream.linear.scatter [tilespmem:s21], [sflag:$0x3], $0x4000, $0x38;
	[tilespmem:$0x1E800] =	vst v63  }
0x34: {  	_ = 	snop  }
0x35: {  	[tilespmem:s26], [sflag:$0x2] =	stream.linear.gather [spmem:s10], $0x4000, $0x38;
	[tilespmem:$0x1E800] =	vst v63  }
0x36: {  	_ =	swait.ge [sflag:s24], $0x4000  }
0x37: {  	[sflag:s24] =	ssyncset.done $0x0  }
0x38: {  	[sflag:s24] =	ssyncadd.s32 $0xFFFFC000  }
0x39: {  	_ =	swait.ge [sflag:s22], $0x4000  }
0x3a: {  	[sflag:s22] =	ssyncset.done $0x0  }
0x3b: {  	[sflag:s22] =	ssyncadd.s32 $0xFFFFC000  }
0x3c: {  	[hbm4b:s17+s4] =	stream.linear.scatter [tilespmem:s26], [sflag:$0x4], $0x4000, $0x38;
	[tilespmem:$0x1E800] =	vst v63  }
0x3d: {  	_ = 	snop  }
0x3e: {  	[tilespmem:s21], [sflag:$0x1] =	stream.linear.gather [spmem:s11], $0x4000, $0x38;
	[tilespmem:$0x1E800] =	vst v63  }
0x3f: {  	_ =	swait.ge [sflag:s23], $0x4000  }
0x40: {  	[sflag:s23] =	ssyncset.done $0x0  }
0x41: {  	[sflag:s23] =	ssyncadd.s32 $0xFFFFC000  }
0x42: {  	s0 =	sadd.s32 $0x1, s0;
	_ =	swait.ge [sflag:s30], $0x4000  }
0x43: {  	p0 =	sne.s32 s0, s19;
	[sflag:s30] =	ssyncset.done $0x0  }
.Ltmp1:
0x44: {  	[sflag:s30] =	ssyncadd.s32 $0xFFFFC000;
	(pc) =	sbr.rel @!p0 .LBB2_10-.Ltmp1, $4  }
0x45: {  	[hbm4b:s18+s4] =	stream.linear.scatter [tilespmem:s21], [sflag:$0x3], $0x4000, $0x38;
	[tilespmem:$0x1E800] =	vst v63  }
0x46: {  	_ =	swait.ge [sflag:s22], $0x4000  }
0x47: {  	[sflag:s22] =	ssyncset.done $0x0  }
0x48: {  	[sflag:s22] =	ssyncadd.s32 $0xFFFFC000  }
.LBB2_1:
0x49: {  	s2 =	rddreg [dreg:$0x4]  }
0x4a: {  	[tilespmem:s4], [sflag:$0x1] =	stream.linear.gather [hbm4b:s2+s4], $0x1400, $0x38;
	[tilespmem:$0x1E800] =	vst v63  }
0x4b: {  	s6 =	rddreg [dreg:$0x5];
	s5 =	sand.u32 $0x3FF0, s4;
	s2 =	simm.s32 $0x10  }
0x4c: {  	[tilespmem:s20], [sflag:$0x2] =	stream.linear.gather [hbm4b:s6+s4], $0x1400, $0x38;
	[tilespmem:$0x1E800] =	vst v63  }
.LBB2_2:
0x4d: {  	p0 =	sne.s32 s2, $0x3FF0;
	[tilespmem:s5+$0x2800] =	vst v0;
	s5 =	smov.u32 s2;
	s2 =	sadd.s32 $0x10, s2  }
.Ltmp2:
0x4e: {  	(pc) =	sbr.rel @p0 .LBB2_2-.Ltmp2, $2  }
0x4f: {  	_ =	sdelay $0x2  }
0x50: {  	s5 =	sand.u32 $0x3FF0, s5  }
0x51: {  	[tilespmem:s5+$0x2800] =	vst v0  }
0x52: {  	[spmem:s7] =	stream.linear.scatter [tilespmem:s21], [sflag:$0x3], $0x4000, $0x38;
	[tilespmem:$0x1E800] =	vst v63  }
0x53: {  	_ = 	snop  }
0x54: {  	[spmem:s8] =	stream.linear.scatter [tilespmem:s21], [sflag:$0x3], $0x4000, $0x38;
	[tilespmem:$0x1E800] =	vst v63  }
0x55: {  	_ = 	snop  }
0x56: {  	[spmem:s9] =	stream.linear.scatter [tilespmem:s21], [sflag:$0x3], $0x4000, $0x38;
	[tilespmem:$0x1E800] =	vst v63  }
0x57: {  	_ = 	snop  }
0x58: {  	[spmem:s10] =	stream.linear.scatter [tilespmem:s21], [sflag:$0x3], $0x4000, $0x38;
	[tilespmem:$0x1E800] =	vst v63  }
0x59: {  	_ = 	snop  }
0x5a: {  	[spmem:s11] =	stream.linear.scatter [tilespmem:s21], [sflag:$0x3], $0x4000, $0x38;
	[tilespmem:$0x1E800] =	vst v63  }
0x5b: {  	_ =	swait.ge [sflag:s22], $0x4000  }
0x5c: {  	[sflag:s22] =	ssyncset.done $0x0  }
0x5d: {  	[sflag:s22] =	ssyncadd.s32 $0xFFFFC000  }
0x5e: {  	_ =	swait.ge [sflag:s22], $0x4000  }
0x5f: {  	[sflag:s22] =	ssyncset.done $0x0  }
0x60: {  	[sflag:s22] =	ssyncadd.s32 $0xFFFFC000  }
0x61: {  	_ =	swait.ge [sflag:s22], $0x4000  }
0x62: {  	[sflag:s22] =	ssyncset.done $0x0  }
0x63: {  	[sflag:s22] =	ssyncadd.s32 $0xFFFFC000  }
0x64: {  	_ =	swait.ge [sflag:s22], $0x4000  }
0x65: {  	[sflag:s22] =	ssyncset.done $0x0  }
0x66: {  	[sflag:s22] =	ssyncadd.s32 $0xFFFFC000  }
0x67: {  	_ =	swait.ge [sflag:s22], $0x4000  }
0x68: {  	[sflag:s22] =	ssyncset.done $0x0  }
0x69: {  	[sflag:s22] =	ssyncadd.s32 $0xFFFFC000  }
0x6a: {  	_ =	swait.ge [sflag:s23], $0x1400  }
0x6b: {  	[sflag:s23] =	ssyncset.done $0x0  }
0x6c: {  	[sflag:s23] =	ssyncadd.s32 $0xFFFFEC00  }
0x6d: {  	_ =	swait.ge [sflag:s24], $0x1400  }
0x6e: {  	[sflag:s24] =	ssyncset.done $0x0  }
0x6f: {  	[sflag:s24] =	ssyncadd.s32 $0xFFFFEC00  }
0x70: {  	[tilespmem:s21], [sflag:$0x1] =	stream.indirect.gather [hbm4b:s1+s25], $0x80, s4, s25, $0xb8;
	[tilespmem:$0x1E800] =	vst v63  }
0x71: {  	[bflag:$0x0] =	sbarrier.arrive $0xFFFF  }
0x72: {  	_ =	swait.ge [sflag:s23], $0x4000  }
0x73: {  	[sflag:s23] =	ssyncset.done $0x0  }
0x74: {  	[sflag:s23] =	ssyncadd.s32 $0xFFFFC000  }
0x75: {  	[spmem:s3] =	stream.indirect.scatter.add.f32 [tilespmem:s21], [sflag:$0x3], $0x80, s20, s25, $0xb8;
	[tilespmem:$0x1E800] =	vst v63  }
0x76: {  	_ = 	snop  }
0x77: {  	[tilespmem:s26], [sflag:$0x2] =	stream.indirect.gather [hbm4b:s1+s25], $0x80, s25, s25, $0xb8;
	[tilespmem:$0x1E800] =	vst v63  }
0x78: {  	_ =	swait.ge [sflag:s24], $0x4000  }
0x79: {  	[sflag:s24] =	ssyncset.done $0x0  }
0x7a: {  	[sflag:s24] =	ssyncadd.s32 $0xFFFFC000  }
0x7b: {  	[spmem:s3] =	stream.indirect.scatter.add.f32 [tilespmem:s26], [sflag:$0x4], $0x80, s28, s25, $0xb8;
	[tilespmem:$0x1E800] =	vst v63  }
0x7c: {  	_ =	swait.ge [sflag:s22], $0x4000  }
0x7d: {  	[sflag:s22] =	ssyncset.done $0x0  }
0x7e: {  	s2 =	simm.s32 $0xFFFFB800;
	[sflag:s22] =	ssyncadd.s32 $0xFFFFC000  }
0x7f: {  	[tilespmem:s21], [sflag:$0x1] =	stream.indirect.gather [hbm4b:s1+s25], $0x80, s29, s25, $0xb8;
	[tilespmem:$0x1E800] =	vst v63  }
.LBB2_4:
0x80: {  	_ =	swait.ge [sflag:s23], $0x4000  }
0x81: {  	s5 =	sshra.s32 s2, $0x2;
	[sflag:s23] =	ssyncset.done $0x0  }
0x82: {  	s6 =	sadd.s32 $0x2700, s5;
	[sflag:s23] =	ssyncadd.s32 $0xFFFFC000  }
0x83: {  	[spmem:s3] =	stream.indirect.scatter.add.f32 [tilespmem:s21], [sflag:$0x3], $0x80, s6, s25, $0xb8;
	[tilespmem:$0x1E800] =	vst v63  }
0x84: {  	_ =	swait.ge [sflag:s30], $0x4000  }
0x85: {  	[sflag:s30] =	ssyncset.done $0x0  }
0x86: {  	s6 =	sadd.s32 $0x1380, s5;
	[sflag:s30] =	ssyncadd.s32 $0xFFFFC000  }
0x87: {  	[tilespmem:s26], [sflag:$0x2] =	stream.indirect.gather [hbm4b:s1+s25], $0x80, s6, s25, $0xb8;
	[tilespmem:$0x1E800] =	vst v63  }
0x88: {  	_ =	swait.ge [sflag:s24], $0x4000  }
0x89: {  	p0 =	seq.s32 s2, $0x0;
	[sflag:s24] =	ssyncset.done $0x0  }
.Ltmp3:
0x8a: {  	s6 =	sadd.s32 $0x2780, s5;
	[sflag:s24] =	ssyncadd.s32 $0xFFFFC000;
	(pc) =	sbr.rel @p0 .LBB2_6-.Ltmp3, $4  }
0x8b: {  	[spmem:s3] =	stream.indirect.scatter.add.f32 [tilespmem:s26], [sflag:$0x4], $0x80, s6, s25, $0xb8;
	[tilespmem:$0x1E800] =	vst v63  }
0x8c: {  	_ =	swait.ge [sflag:s22], $0x4000  }
0x8d: {  	[sflag:s22] =	ssyncset.done $0x0  }
0x8e: {  	[sflag:s22] =	ssyncadd.s32 $0xFFFFC000  }
.Ltmp4:
0x8f: {  	(pc) =	sbr.rel .LBB2_4-.Ltmp4, $3  }
0x90: {  	_ =	sdelay $0x1  }
0x91: {  	s5 =	sadd.s32 $0x1400, s5;
	s2 =	sadd.s32 $0x400, s2  }
0x92: {  	[tilespmem:s21], [sflag:$0x1] =	stream.indirect.gather [hbm4b:s1+s25], $0x80, s5, s25, $0xb8;
	[tilespmem:$0x1E800] =	vst v63  }
.LBB2_6:
0x93: {  	[tilespmem:s4], [sflag:$0x1] =	stream.linear.gather [hbm4b:s12+s4], $0x1400, $0x38;
	[tilespmem:$0x1E800] =	vst v63  }
0x94: {  	_ =	swait.ge [sflag:s30], $0x4000  }
0x95: {  	[sflag:s30] =	ssyncset.done $0x0  }
0x96: {  	[sflag:s30] =	ssyncadd.s32 $0xFFFFC000  }
0x97: {  	[tilespmem:s20], [sflag:$0x5] =	stream.linear.gather [hbm4b:s13+s4], $0x1400, $0x38;
	[tilespmem:$0x1E800] =	vst v63  }
0x98: {  	_ =	swait.ge [sflag:s31], $0x1400  }
0x99: {  	[sflag:s31] =	ssyncset.done $0x0  }
0x9a: {  	[sflag:s31] =	ssyncadd.s32 $0xFFFFEC00  }
0x9b: {  	_ =	swait.ge [sflag:s23], $0x1400  }
0x9c: {  	[sflag:s23] =	ssyncset.done $0x0  }
0x9d: {  	[sflag:s23] =	ssyncadd.s32 $0xFFFFEC00  }
0x9e: {  	[tilespmem:s21], [sflag:$0x1] =	stream.indirect.gather [hbm4b:s1+s25], $0x80, s4, s25, $0xb8;
	[tilespmem:$0x1E800] =	vst v63  }
0x9f: {  	_ =	swait.ge [sflag:s23], $0x4000  }
0xa0: {  	[sflag:s23] =	ssyncset.done $0x0  }
0xa1: {  	[sflag:s23] =	ssyncadd.s32 $0xFFFFC000  }
0xa2: {  	[spmem:s3] =	stream.indirect.scatter.add.f32 [tilespmem:s21], [sflag:$0x3], $0x80, s20, s25, $0xb8;
	[tilespmem:$0x1E800] =	vst v63  }
0xa3: {  	_ = 	snop  }
0xa4: {  	[tilespmem:s26], [sflag:$0x2] =	stream.indirect.gather [hbm4b:s1+s25], $0x80, s25, s25, $0xb8;
	[tilespmem:$0x1E800] =	vst v63  }
0xa5: {  	_ =	swait.ge [sflag:s24], $0x4000  }
0xa6: {  	[sflag:s24] =	ssyncset.done $0x0  }
0xa7: {  	[sflag:s24] =	ssyncadd.s32 $0xFFFFC000  }
0xa8: {  	[spmem:s3] =	stream.indirect.scatter.add.f32 [tilespmem:s26], [sflag:$0x4], $0x80, s28, s25, $0xb8;
	[tilespmem:$0x1E800] =	vst v63  }
0xa9: {  	_ =	swait.ge [sflag:s22], $0x4000  }
0xaa: {  	[sflag:s22] =	ssyncset.done $0x0  }
0xab: {  	s2 =	simm.s32 $0xFFFFB800;
	[sflag:s22] =	ssyncadd.s32 $0xFFFFC000  }
0xac: {  	[tilespmem:s21], [sflag:$0x1] =	stream.indirect.gather [hbm4b:s1+s25], $0x80, s29, s25, $0xb8;
	[tilespmem:$0x1E800] =	vst v63  }
.LBB2_7:
0xad: {  	_ =	swait.ge [sflag:s23], $0x4000  }
0xae: {  	s5 =	sshra.s32 s2, $0x2;
	[sflag:s23] =	ssyncset.done $0x0  }
0xaf: {  	s6 =	sadd.s32 $0x2700, s5;
	[sflag:s23] =	ssyncadd.s32 $0xFFFFC000  }
0xb0: {  	[spmem:s3] =	stream.indirect.scatter.add.f32 [tilespmem:s21], [sflag:$0x3], $0x80, s6, s25, $0xb8;
	[tilespmem:$0x1E800] =	vst v63  }
0xb1: {  	_ =	swait.ge [sflag:s30], $0x4000  }
0xb2: {  	[sflag:s30] =	ssyncset.done $0x0  }
0xb3: {  	s6 =	sadd.s32 $0x1380, s5;
	[sflag:s30] =	ssyncadd.s32 $0xFFFFC000  }
0xb4: {  	[tilespmem:s26], [sflag:$0x2] =	stream.indirect.gather [hbm4b:s1+s25], $0x80, s6, s25, $0xb8;
	[tilespmem:$0x1E800] =	vst v63  }
0xb5: {  	_ =	swait.ge [sflag:s24], $0x4000  }
0xb6: {  	p0 =	seq.s32 s2, $0x0;
	[sflag:s24] =	ssyncset.done $0x0  }
.Ltmp5:
0xb7: {  	s6 =	sadd.s32 $0x2780, s5;
	[sflag:s24] =	ssyncadd.s32 $0xFFFFC000;
	(pc) =	sbr.rel @p0 .LBB2_9-.Ltmp5, $4  }
0xb8: {  	[spmem:s3] =	stream.indirect.scatter.add.f32 [tilespmem:s26], [sflag:$0x4], $0x80, s6, s25, $0xb8;
	[tilespmem:$0x1E800] =	vst v63  }
0xb9: {  	_ =	swait.ge [sflag:s22], $0x4000  }
0xba: {  	[sflag:s22] =	ssyncset.done $0x0  }
0xbb: {  	[sflag:s22] =	ssyncadd.s32 $0xFFFFC000  }
.Ltmp6:
0xbc: {  	(pc) =	sbr.rel .LBB2_7-.Ltmp6, $3  }
0xbd: {  	_ =	sdelay $0x1  }
0xbe: {  	s5 =	sadd.s32 $0x1400, s5;
	s2 =	sadd.s32 $0x400, s2  }
0xbf: {  	[tilespmem:s21], [sflag:$0x1] =	stream.indirect.gather [hbm4b:s1+s25], $0x80, s5, s25, $0xb8;
	[tilespmem:$0x1E800] =	vst v63  }
.LBB2_10:
0xc0: {  	_ =	sfence.sel $0x180000  }
0xc1: {  	[bflag:$0x0] =	sbarrier.arrive $0xFFFF  }
0xc2: {  	_ =	strace $0x90000047  }
0xc3: {  	s0 =	stileid.u32;
	[bflag:$0x2] =	sbarrier.arrive $0xFFFF  }
0xc4: {  	p0 =	sne.s32 s0, $0x0;
	s0 =	rddreg [dreg:$0x3]  }
0xc5: {  	s0 =	sadd.s32 @!p0 $0x100000, s0  }
0xc6: {  	[sflag:s0] =	ssyncadd.tile.s32 @!p0 $0x1;
	_ =	shalt  }
.Lfunc_end2:
_tile_overlayer_lowered:
.L_overlay_start_2:
0xc7: {  	(tag) =	ssettag $0x2  }
0xc8: {  	s0 =	rddreg [dreg:$0x0];
	s2 =	stileid.u32  }
0xc9: {  	s1 =	rddreg [dreg:$0x1];
	p0 =	sne.s32 s2, $0x0  }
0xca: {  	s3 =	rddreg [dreg:$0x2];
	[bflag:$0x3] =	sbarrier.arrive $0xFFFF;
	s2 =	simm.s32 @!p0 $0x1C05  }
0xcb: {  	[timem:s3], [sflag:s2] =	dma.local @!p0 [hbm:s0], s1  }
0xcc: {  	s0 =	simm.s32 @!p0 $0x5  }
0xcd: {  	_ =	swait.ge @!p0 [sflag:s0], s1  }
0xce: {  	s1 =	ssub.s32 @!p0 $0x0, s1;
	[sflag:s0] =	ssyncset.done @!p0 $0x0  }
0xcf: {  	[sflag:s0] =	ssyncadd.s32 @!p0 s1  }
0xd0: {  	[bflag:$0x3] =	sbarrier.arrive $0xFFFF  }
0xd1: {  	_ =	shalt  }

</sc_bundles>
